<compile_context>
chip_gen: v7x
topology: tpu7x:2x2x1
jax: 0.10.2.dev20260603
libtpu: 0.0.44.dev20260713+nightly
codegen_flags: <defaults>
</compile_context>

<pallas_src>
import functools

import jax
import jax.numpy as jnp
from jax import lax
from jax.experimental import pallas as pl
from jax.experimental.pallas import tpu as pltpu
from jax.experimental.pallas import tpu_sc as plsc

D_MODEL = 768
CHUNK = 32
NBUF = 4
NC, NS = 2, 16
NW = NC * NS


@functools.lru_cache(maxsize=None)
def _make_gather(bsz: int, seq: int):
    total = bsz * seq
    rows_per_w = total // NW
    chunks_per_w = rows_per_w // CHUNK
    w_per_row = seq // rows_per_w
    mesh = plsc.VectorSubcoreMesh(core_axis_name="c", subcore_axis_name="s")

    @functools.partial(
        pl.kernel,
        out_type=jax.ShapeDtypeStruct((total, D_MODEL), jnp.float32),
        mesh=mesh,
        scratch_types=[
            pltpu.VMEM((rows_per_w,), jnp.int32),
            [pltpu.VMEM((CHUNK, D_MODEL), jnp.float32) for _ in range(NBUF)],
            [pltpu.SemaphoreType.DMA for _ in range(NBUF)],
            [pltpu.SemaphoreType.DMA for _ in range(NBUF)],
        ],
    )
    def k(ids_hbm, table_hbm, out_hbm, idx_v, bufs, gsems, wsems):
        wid = lax.axis_index("s") * NC + lax.axis_index("c")
        src = ids_hbm.at[wid // w_per_row, pl.ds((wid % w_per_row) * rows_per_w, rows_per_w)]
        pltpu.sync_copy(src, idx_v)
        row_base = wid * rows_per_w

        def gather(c, b):
            idx = idx_v.at[pl.ds(c * CHUNK, CHUNK)]
            return pltpu.async_copy(table_hbm.at[idx], bufs[b], gsems[b])

        def write(c, b):
            dst = out_hbm.at[pl.ds(row_base + c * CHUNK, CHUNK)]
            return pltpu.async_copy(bufs[b], dst, wsems[b])

        prime = 3
        g = [None] * NBUF
        w = [None] * NBUF
        for c in range(prime):
            g[c] = gather(c, c)
        for c in range(chunks_per_w):
            b = c % NBUF
            g[b].wait()
            nxt = c + prime
            if nxt < chunks_per_w:
                nb = nxt % NBUF
                if w[nb] is not None:
                    w[nb].wait()
                    w[nb] = None
                g[nb] = gather(nxt, nb)
            w[b] = write(c, b)
        for h in w:
            if h is not None:
                h.wait()

    return k


def kernel(input_ids, word_embedding_table):
    bsz, seq = input_ids.shape
    ids = input_ids.astype(jnp.int32)
    out = _make_gather(bsz, seq)(ids, word_embedding_table)
    return out.reshape(bsz, seq, D_MODEL)

# --- scband reference (transcript-rebuilt; emitter-appended) ---
"""Pipeline reference for scband-hfauto-word-encoder-54597624267381 (READ-ONLY COPY).

The authoritative reference and input builder live on the scoring server;
editing this copy changes nothing except your own understanding.
"""

import jax, jax.numpy as jnp
import numpy as np

VOCAB = 30522
D_MODEL = 768
BATCH = 4
SEQ = 8192


def setup_inputs(seed: int = 0) -> dict:
    key = jax.random.key(seed)
    k_ids, k_tab = jax.random.split(key)
    input_ids = jax.random.randint(k_ids, (BATCH, SEQ), 0, VOCAB, dtype=jnp.int64 if jax.config.jax_enable_x64 else jnp.int32)
    word_embedding_table = jax.random.normal(k_tab, (VOCAB, D_MODEL), dtype=jnp.float32) * 0.02
    return {"input_ids": input_ids, "word_embedding_table": word_embedding_table}


def reference(input_ids, word_embedding_table):
    # HFAutoWordEncoder with char_encoder=None: word_encoding = word_embeddings(input_ids)
    word_encoding = jnp.take(word_embedding_table, input_ids, axis=0)
    return word_encoding

if __name__ == "__main__":
    import jax
    _d = setup_inputs()
    print(jax.jit(kernel)(*tuple(_d.values())))

</pallas_src>

<mosaic_0001>
#map = affine_map<(d0, d1) -> (0, 0)>
module attributes {stable_mosaic.version = 14 : i64} {
  func.func @k(%arg0: i32, %arg1: i32, %arg2: memref<4x8192xi32, #tpu.memory_space<hbm>>, %arg3: memref<30522x768xf32, #tpu.memory_space<hbm>>, %arg4: memref<32768x768xf32, #tpu.memory_space<hbm>>, %arg5: memref<1024xi32, #tpu.memory_space<vmem>>, %arg6: memref<32x768xf32, #tpu.memory_space<vmem>>, %arg7: memref<32x768xf32, #tpu.memory_space<vmem>>, %arg8: memref<32x768xf32, #tpu.memory_space<vmem>>, %arg9: memref<32x768xf32, #tpu.memory_space<vmem>>, %arg10: memref<!tpu.dma_semaphore, #tpu.memory_space<semaphore_mem>>, %arg11: memref<!tpu.dma_semaphore, #tpu.memory_space<semaphore_mem>>, %arg12: memref<!tpu.dma_semaphore, #tpu.memory_space<semaphore_mem>>, %arg13: memref<!tpu.dma_semaphore, #tpu.memory_space<semaphore_mem>>, %arg14: memref<!tpu.dma_semaphore, #tpu.memory_space<semaphore_mem>>, %arg15: memref<!tpu.dma_semaphore, #tpu.memory_space<semaphore_mem>>, %arg16: memref<!tpu.dma_semaphore, #tpu.memory_space<semaphore_mem>>, %arg17: memref<!tpu.dma_semaphore, #tpu.memory_space<semaphore_mem>>) attributes {dimension_semantics = [#tpu.dimension_semantics<core_parallel>, #tpu.dimension_semantics<subcore_parallel>], iteration_bounds = array<i64: 2, 16>, scalar_prefetch = 0 : i64, scratch_operands = 13 : i64, tpu.core_type = #tpu.core_type<sc_vector_subcore>, window_params = [{transform_indices = #map}, {transform_indices = #map}, {transform_indices = #map}]} {
    %mul3A = arith.constant 2 : i32
    %mul3A_0 = arith.muli %arg1, %mul3A : i32
    %add3A = arith.addi %mul3A_0, %arg0 : i32
    %jit3A = arith.constant 8 : i32
    %div3A = arith.divsi %add3A, %jit3A : i32
    %sign3A = arith.constant 0 : i32
    %sign3A_1 = arith.cmpi sgt, %add3A, %sign3A : i32
    %sign3A_2 = arith.extui %sign3A_1 : i1 to i32
    %sign3A_3 = arith.constant 0 : i32
    %sign3A_4 = arith.cmpi slt, %add3A, %sign3A_3 : i32
    %sign3A_5 = arith.extui %sign3A_4 : i1 to i32
    %sign3A_6 = arith.subi %sign3A_2, %sign3A_5 : i32
    %sign3A_7 = arith.constant 0 : i32
    %sign3A_8 = arith.cmpi sgt, %jit3A, %sign3A_7 : i32
    %sign3A_9 = arith.extui %sign3A_8 : i1 to i32
    %sign3A_10 = arith.constant 0 : i32
    %sign3A_11 = arith.cmpi slt, %jit3A, %sign3A_10 : i32
    %sign3A_12 = arith.extui %sign3A_11 : i1 to i32
    %sign3A_13 = arith.subi %sign3A_9, %sign3A_12 : i32
    %ne3A = arith.cmpi ne, %sign3A_6, %sign3A_13 : i32
    %rem3A = arith.remsi %add3A, %jit3A : i32
    %ne3A_14 = arith.constant 0 : i32
    %ne3A_15 = arith.cmpi ne, %rem3A, %ne3A_14 : i32
    %and3A = arith.andi %ne3A, %ne3A_15 : i1
    %sub3A = arith.constant 1 : i32
    %sub3A_16 = arith.subi %div3A, %sub3A : i32
    %select_n3A = arith.select %and3A, %sub3A_16, %div3A : i32
    %jit3A_17 = arith.constant 8 : i32
    %eq3A = arith.constant 0 : i32
    %eq3A_18 = arith.cmpi eq, %jit3A_17, %eq3A : i32
    %jit3A_19 = arith.constant 1 : i32
    %select_n3A_20 = arith.select %eq3A_18, %jit3A_19, %jit3A_17 : i32
    %rem3A_21 = arith.remsi %add3A, %select_n3A_20 : i32
    %ne3A_22 = arith.constant 0 : i32
    %ne3A_23 = arith.cmpi ne, %rem3A_21, %ne3A_22 : i32
    %lt3A = arith.constant 0 : i32
    %lt3A_24 = arith.cmpi slt, %rem3A_21, %lt3A : i32
    %lt3A_25 = arith.constant 0 : i32
    %lt3A_26 = arith.cmpi slt, %select_n3A_20, %lt3A_25 : i32
    %ne3A_27 = arith.xori %lt3A_24, %lt3A_26 : i1
    %and3A_28 = arith.andi %ne3A_27, %ne3A_23 : i1
    %add3A_29 = arith.addi %rem3A_21, %select_n3A_20 : i32
    %select_n3A_30 = arith.select %and3A_28, %add3A_29, %rem3A_21 : i32
    %mul3A_31 = arith.constant 1024 : i32
    %mul3A_32 = arith.muli %select_n3A_30, %mul3A_31 : i32
    "tpu.region"() ({
      %run_scoped3A = tpu.sem_alloc : memref<!tpu.dma_semaphore, #tpu.memory_space<semaphore_mem>>
      %dma_start3A_673 = tpu.memref_slice %arg2[%select_n3A, %mul3A_32] : memref<4x8192xi32, #tpu.memory_space<hbm>> -> memref<1x1024xi32, #tpu.memory_space<hbm>>
      %dma_start3A_674 = tpu.memref_squeeze %dma_start3A_673 : memref<1x1024xi32, #tpu.memory_space<hbm>> -> memref<1024xi32, #tpu.memory_space<hbm>>
      %dma_start3A_675 = tpu.memref_slice %arg2[%select_n3A, %mul3A_32] : memref<4x8192xi32, #tpu.memory_space<hbm>> -> memref<1x1024xi32, #tpu.memory_space<hbm>>
      %dma_start3A_676 = tpu.memref_squeeze %dma_start3A_675 : memref<1x1024xi32, #tpu.memory_space<hbm>> -> memref<1024xi32, #tpu.memory_space<hbm>>
      tpu.enqueue_dma source(%dma_start3A_676 : memref<1024xi32, #tpu.memory_space<hbm>>) target(%arg5 : memref<1024xi32, #tpu.memory_space<vmem>>) target_semaphore(%run_scoped3A : memref<!tpu.dma_semaphore, #tpu.memory_space<semaphore_mem>>)
      %dma_wait3A_677 = tpu.memref_slice %arg2[%select_n3A, %mul3A_32] : memref<4x8192xi32, #tpu.memory_space<hbm>> -> memref<1x1024xi32, #tpu.memory_space<hbm>>
      %dma_wait3A_678 = tpu.memref_squeeze %dma_wait3A_677 : memref<1x1024xi32, #tpu.memory_space<hbm>> -> memref<1024xi32, #tpu.memory_space<hbm>>
      %dma_wait3A_679 = tpu.memref_slice %arg2[%select_n3A, %mul3A_32] : memref<4x8192xi32, #tpu.memory_space<hbm>> -> memref<1x1024xi32, #tpu.memory_space<hbm>>
      %dma_wait3A_680 = tpu.memref_squeeze %dma_wait3A_679 : memref<1x1024xi32, #tpu.memory_space<hbm>> -> memref<1024xi32, #tpu.memory_space<hbm>>
      tpu.wait_dma2 semaphore(%run_scoped3A : memref<!tpu.dma_semaphore, #tpu.memory_space<semaphore_mem>>) src(%dma_wait3A_680 : memref<1024xi32, #tpu.memory_space<hbm>>) dst(%arg5 : memref<1024xi32, #tpu.memory_space<vmem>>)
      tpu.yield
    }) : () -> ()
    %mul3A_33 = arith.constant 1024 : i32
    %mul3A_34 = arith.muli %add3A, %mul3A_33 : i32
    %dma_start3A = arith.constant 0 : i32
    %dma_start3A_35 = tpu.memref_slice %arg5[%dma_start3A] : memref<1024xi32, #tpu.memory_space<vmem>> -> memref<32xi32, #tpu.memory_space<vmem>>
    %dma_start3A_36 = arith.constant 0 : i32
    %dma_start3A_37 = arith.constant 0 : i32
    %dma_start3A_38 = tpu.memref_slice %arg3[%dma_start3A_36, %dma_start3A_37] : memref<30522x768xf32, #tpu.memory_space<hbm>> -> memref<30522x768xf32, #tpu.memory_space<hbm>>
    tpu.enqueue_indirect_dma source(%dma_start3A_38 : memref<30522x768xf32, #tpu.memory_space<hbm>>) target(%arg6 : memref<32x768xf32, #tpu.memory_space<vmem>>) offsets(%dma_start3A_35 : memref<32xi32, #tpu.memory_space<vmem>>) semaphore(%arg10 : memref<!tpu.dma_semaphore, #tpu.memory_space<semaphore_mem>>)
    %dma_start3A_39 = arith.constant 32 : i32
    %dma_start3A_40 = tpu.memref_slice %arg5[%dma_start3A_39] : memref<1024xi32, #tpu.memory_space<vmem>> -> memref<32xi32, #tpu.memory_space<vmem>>
    %dma_start3A_41 = arith.constant 0 : i32
    %dma_start3A_42 = arith.constant 0 : i32
    %dma_start3A_43 = tpu.memref_slice %arg3[%dma_start3A_41, %dma_start3A_42] : memref<30522x768xf32, #tpu.memory_space<hbm>> -> memref<30522x768xf32, #tpu.memory_space<hbm>>
    tpu.enqueue_indirect_dma source(%dma_start3A_43 : memref<30522x768xf32, #tpu.memory_space<hbm>>) target(%arg7 : memref<32x768xf32, #tpu.memory_space<vmem>>) offsets(%dma_start3A_40 : memref<32xi32, #tpu.memory_space<vmem>>) semaphore(%arg11 : memref<!tpu.dma_semaphore, #tpu.memory_space<semaphore_mem>>)
    %dma_start3A_44 = arith.constant 64 : i32
    %dma_start3A_45 = tpu.memref_slice %arg5[%dma_start3A_44] : memref<1024xi32, #tpu.memory_space<vmem>> -> memref<32xi32, #tpu.memory_space<vmem>>
    %dma_start3A_46 = arith.constant 0 : i32
    %dma_start3A_47 = arith.constant 0 : i32
    %dma_start3A_48 = tpu.memref_slice %arg3[%dma_start3A_46, %dma_start3A_47] : memref<30522x768xf32, #tpu.memory_space<hbm>> -> memref<30522x768xf32, #tpu.memory_space<hbm>>
    tpu.enqueue_indirect_dma source(%dma_start3A_48 : memref<30522x768xf32, #tpu.memory_space<hbm>>) target(%arg8 : memref<32x768xf32, #tpu.memory_space<vmem>>) offsets(%dma_start3A_45 : memref<32xi32, #tpu.memory_space<vmem>>) semaphore(%arg12 : memref<!tpu.dma_semaphore, #tpu.memory_space<semaphore_mem>>)
    %dma_wait3A = arith.constant 0 : i32
    %dma_wait3A_49 = tpu.memref_slice %arg5[%dma_wait3A] : memref<1024xi32, #tpu.memory_space<vmem>> -> memref<32xi32, #tpu.memory_space<vmem>>
    %dma_wait3A_50 = arith.constant 0 : i32
    %dma_wait3A_51 = arith.constant 0 : i32
    %dma_wait3A_52 = tpu.memref_slice %arg3[%dma_wait3A_50, %dma_wait3A_51] : memref<30522x768xf32, #tpu.memory_space<hbm>> -> memref<30522x768xf32, #tpu.memory_space<hbm>>
    tpu.wait_indirect_dma semaphore(%arg10 : memref<!tpu.dma_semaphore, #tpu.memory_space<semaphore_mem>>) src(%dma_wait3A_52 : memref<30522x768xf32, #tpu.memory_space<hbm>>) dst(%arg6 : memref<32x768xf32, #tpu.memory_space<vmem>>)
    %dma_start3A_53 = arith.constant 96 : i32
    %dma_start3A_54 = tpu.memref_slice %arg5[%dma_start3A_53] : memref<1024xi32, #tpu.memory_space<vmem>> -> memref<32xi32, #tpu.memory_space<vmem>>
    %dma_start3A_55 = arith.constant 0 : i32
    %dma_start3A_56 = arith.constant 0 : i32
    %dma_start3A_57 = tpu.memref_slice %arg3[%dma_start3A_55, %dma_start3A_56] : memref<30522x768xf32, #tpu.memory_space<hbm>> -> memref<30522x768xf32, #tpu.memory_space<hbm>>
    tpu.enqueue_indirect_dma source(%dma_start3A_57 : memref<30522x768xf32, #tpu.memory_space<hbm>>) target(%arg9 : memref<32x768xf32, #tpu.memory_space<vmem>>) offsets(%dma_start3A_54 : memref<32xi32, #tpu.memory_space<vmem>>) semaphore(%arg13 : memref<!tpu.dma_semaphore, #tpu.memory_space<semaphore_mem>>)
    %add3A_58 = arith.constant 0 : i32
    %add3A_59 = arith.addi %mul3A_34, %add3A_58 : i32
    %dma_start3A_60 = arith.constant 0 : i32
    %dma_start3A_61 = tpu.memref_slice %arg4[%add3A_59, %dma_start3A_60] : memref<32768x768xf32, #tpu.memory_space<hbm>> -> memref<32x768xf32, #tpu.memory_space<hbm>>
    %dma_start3A_62 = arith.constant 0 : i32
    %dma_start3A_63 = tpu.memref_slice %arg4[%add3A_59, %dma_start3A_62] : memref<32768x768xf32, #tpu.memory_space<hbm>> -> memref<32x768xf32, #tpu.memory_space<hbm>>
    tpu.enqueue_dma source(%arg6 : memref<32x768xf32, #tpu.memory_space<vmem>>) target(%dma_start3A_63 : memref<32x768xf32, #tpu.memory_space<hbm>>) target_semaphore(%arg14 : memref<!tpu.dma_semaphore, #tpu.memory_space<semaphore_mem>>)
    %dma_wait3A_64 = arith.constant 32 : i32
    %dma_wait3A_65 = tpu.memref_slice %arg5[%dma_wait3A_64] : memref<1024xi32, #tpu.memory_space<vmem>> -> memref<32xi32, #tpu.memory_space<vmem>>
    %dma_wait3A_66 = arith.constant 0 : i32
    %dma_wait3A_67 = arith.constant 0 : i32
    %dma_wait3A_68 = tpu.memref_slice %arg3[%dma_wait3A_66, %dma_wait3A_67] : memref<30522x768xf32, #tpu.memory_space<hbm>> -> memref<30522x768xf32, #tpu.memory_space<hbm>>
    tpu.wait_indirect_dma semaphore(%arg11 : memref<!tpu.dma_semaphore, #tpu.memory_space<semaphore_mem>>) src(%dma_wait3A_68 : memref<30522x768xf32, #tpu.memory_space<hbm>>) dst(%arg7 : memref<32x768xf32, #tpu.memory_space<vmem>>)
    %dma_wait3A_69 = arith.constant 0 : i32
    %dma_wait3A_70 = tpu.memref_slice %arg4[%add3A_59, %dma_wait3A_69] : memref<32768x768xf32, #tpu.memory_space<hbm>> -> memref<32x768xf32, #tpu.memory_space<hbm>>
    %dma_wait3A_71 = arith.constant 0 : i32
    %dma_wait3A_72 = tpu.memref_slice %arg4[%add3A_59, %dma_wait3A_71] : memref<32768x768xf32, #tpu.memory_space<hbm>> -> memref<32x768xf32, #tpu.memory_space<hbm>>
    tpu.wait_dma2 semaphore(%arg14 : memref<!tpu.dma_semaphore, #tpu.memory_space<semaphore_mem>>) src(%arg6 : memref<32x768xf32, #tpu.memory_space<vmem>>) dst(%dma_wait3A_72 : memref<32x768xf32, #tpu.memory_space<hbm>>)
    %dma_start3A_73 = arith.constant 128 : i32
    %dma_start3A_74 = tpu.memref_slice %arg5[%dma_start3A_73] : memref<1024xi32, #tpu.memory_space<vmem>> -> memref<32xi32, #tpu.memory_space<vmem>>
    %dma_start3A_75 = arith.constant 0 : i32
    %dma_start3A_76 = arith.constant 0 : i32
    %dma_start3A_77 = tpu.memref_slice %arg3[%dma_start3A_75, %dma_start3A_76] : memref<30522x768xf32, #tpu.memory_space<hbm>> -> memref<30522x768xf32, #tpu.memory_space<hbm>>
    tpu.enqueue_indirect_dma source(%dma_start3A_77 : memref<30522x768xf32, #tpu.memory_space<hbm>>) target(%arg6 : memref<32x768xf32, #tpu.memory_space<vmem>>) offsets(%dma_start3A_74 : memref<32xi32, #tpu.memory_space<vmem>>) semaphore(%arg10 : memref<!tpu.dma_semaphore, #tpu.memory_space<semaphore_mem>>)
    %add3A_78 = arith.constant 32 : i32
    %add3A_79 = arith.addi %mul3A_34, %add3A_78 : i32
    %dma_start3A_80 = arith.constant 0 : i32
    %dma_start3A_81 = tpu.memref_slice %arg4[%add3A_79, %dma_start3A_80] : memref<32768x768xf32, #tpu.memory_space<hbm>> -> memref<32x768xf32, #tpu.memory_space<hbm>>
    %dma_start3A_82 = arith.constant 0 : i32
    %dma_start3A_83 = tpu.memref_slice %arg4[%add3A_79, %dma_start3A_82] : memref<32768x768xf32, #tpu.memory_space<hbm>> -> memref<32x768xf32, #tpu.memory_space<hbm>>
    tpu.enqueue_dma source(%arg7 : memref<32x768xf32, #tpu.memory_space<vmem>>) target(%dma_start3A_83 : memref<32x768xf32, #tpu.memory_space<hbm>>) target_semaphore(%arg15 : memref<!tpu.dma_semaphore, #tpu.memory_space<semaphore_mem>>)
    %dma_wait3A_84 = arith.constant 64 : i32
    %dma_wait3A_85 = tpu.memref_slice %arg5[%dma_wait3A_84] : memref<1024xi32, #tpu.memory_space<vmem>> -> memref<32xi32, #tpu.memory_space<vmem>>
    %dma_wait3A_86 = arith.constant 0 : i32
    %dma_wait3A_87 = arith.constant 0 : i32
    %dma_wait3A_88 = tpu.memref_slice %arg3[%dma_wait3A_86, %dma_wait3A_87] : memref<30522x768xf32, #tpu.memory_space<hbm>> -> memref<30522x768xf32, #tpu.memory_space<hbm>>
    tpu.wait_indirect_dma semaphore(%arg12 : memref<!tpu.dma_semaphore, #tpu.memory_space<semaphore_mem>>) src(%dma_wait3A_88 : memref<30522x768xf32, #tpu.memory_space<hbm>>) dst(%arg8 : memref<32x768xf32, #tpu.memory_space<vmem>>)
    %dma_wait3A_89 = arith.constant 0 : i32
    %dma_wait3A_90 = tpu.memref_slice %arg4[%add3A_79, %dma_wait3A_89] : memref<32768x768xf32, #tpu.memory_space<hbm>> -> memref<32x768xf32, #tpu.memory_space<hbm>>
    %dma_wait3A_91 = arith.constant 0 : i32
    %dma_wait3A_92 = tpu.memref_slice %arg4[%add3A_79, %dma_wait3A_91] : memref<32768x768xf32, #tpu.memory_space<hbm>> -> memref<32x768xf32, #tpu.memory_space<hbm>>
    tpu.wait_dma2 semaphore(%arg15 : memref<!tpu.dma_semaphore, #tpu.memory_space<semaphore_mem>>) src(%arg7 : memref<32x768xf32, #tpu.memory_space<vmem>>) dst(%dma_wait3A_92 : memref<32x768xf32, #tpu.memory_space<hbm>>)
    %dma_start3A_93 = arith.constant 160 : i32
    %dma_start3A_94 = tpu.memref_slice %arg5[%dma_start3A_93] : memref<1024xi32, #tpu.memory_space<vmem>> -> memref<32xi32, #tpu.memory_space<vmem>>
    %dma_start3A_95 = arith.constant 0 : i32
    %dma_start3A_96 = arith.constant 0 : i32
    %dma_start3A_97 = tpu.memref_slice %arg3[%dma_start3A_95, %dma_start3A_96] : memref<30522x768xf32, #tpu.memory_space<hbm>> -> memref<30522x768xf32, #tpu.memory_space<hbm>>
    tpu.enqueue_indirect_dma source(%dma_start3A_97 : memref<30522x768xf32, #tpu.memory_space<hbm>>) target(%arg7 : memref<32x768xf32, #tpu.memory_space<vmem>>) offsets(%dma_start3A_94 : memref<32xi32, #tpu.memory_space<vmem>>) semaphore(%arg11 : memref<!tpu.dma_semaphore, #tpu.memory_space<semaphore_mem>>)
    %add3A_98 = arith.constant 64 : i32
    %add3A_99 = arith.addi %mul3A_34, %add3A_98 : i32
    %dma_start3A_100 = arith.constant 0 : i32
    %dma_start3A_101 = tpu.memref_slice %arg4[%add3A_99, %dma_start3A_100] : memref<32768x768xf32, #tpu.memory_space<hbm>> -> memref<32x768xf32, #tpu.memory_space<hbm>>
    %dma_start3A_102 = arith.constant 0 : i32
    %dma_start3A_103 = tpu.memref_slice %arg4[%add3A_99, %dma_start3A_102] : memref<32768x768xf32, #tpu.memory_space<hbm>> -> memref<32x768xf32, #tpu.memory_space<hbm>>
    tpu.enqueue_dma source(%arg8 : memref<32x768xf32, #tpu.memory_space<vmem>>) target(%dma_start3A_103 : memref<32x768xf32, #tpu.memory_space<hbm>>) target_semaphore(%arg16 : memref<!tpu.dma_semaphore, #tpu.memory_space<semaphore_mem>>)
    %dma_wait3A_104 = arith.constant 96 : i32
    %dma_wait3A_105 = tpu.memref_slice %arg5[%dma_wait3A_104] : memref<1024xi32, #tpu.memory_space<vmem>> -> memref<32xi32, #tpu.memory_space<vmem>>
    %dma_wait3A_106 = arith.constant 0 : i32
    %dma_wait3A_107 = arith.constant 0 : i32
    %dma_wait3A_108 = tpu.memref_slice %arg3[%dma_wait3A_106, %dma_wait3A_107] : memref<30522x768xf32, #tpu.memory_space<hbm>> -> memref<30522x768xf32, #tpu.memory_space<hbm>>
    tpu.wait_indirect_dma semaphore(%arg13 : memref<!tpu.dma_semaphore, #tpu.memory_space<semaphore_mem>>) src(%dma_wait3A_108 : memref<30522x768xf32, #tpu.memory_space<hbm>>) dst(%arg9 : memref<32x768xf32, #tpu.memory_space<vmem>>)
    %dma_wait3A_109 = arith.constant 0 : i32
    %dma_wait3A_110 = tpu.memref_slice %arg4[%add3A_99, %dma_wait3A_109] : memref<32768x768xf32, #tpu.memory_space<hbm>> -> memref<32x768xf32, #tpu.memory_space<hbm>>
    %dma_wait3A_111 = arith.constant 0 : i32
    %dma_wait3A_112 = tpu.memref_slice %arg4[%add3A_99, %dma_wait3A_111] : memref<32768x768xf32, #tpu.memory_space<hbm>> -> memref<32x768xf32, #tpu.memory_space<hbm>>
    tpu.wait_dma2 semaphore(%arg16 : memref<!tpu.dma_semaphore, #tpu.memory_space<semaphore_mem>>) src(%arg8 : memref<32x768xf32, #tpu.memory_space<vmem>>) dst(%dma_wait3A_112 : memref<32x768xf32, #tpu.memory_space<hbm>>)
    %dma_start3A_113 = arith.constant 192 : i32
    %dma_start3A_114 = tpu.memref_slice %arg5[%dma_start3A_113] : memref<1024xi32, #tpu.memory_space<vmem>> -> memref<32xi32, #tpu.memory_space<vmem>>
    %dma_start3A_115 = arith.constant 0 : i32
    %dma_start3A_116 = arith.constant 0 : i32
    %dma_start3A_117 = tpu.memref_slice %arg3[%dma_start3A_115, %dma_start3A_116] : memref<30522x768xf32, #tpu.memory_space<hbm>> -> memref<30522x768xf32, #tpu.memory_space<hbm>>
    tpu.enqueue_indirect_dma source(%dma_start3A_117 : memref<30522x768xf32, #tpu.memory_space<hbm>>) target(%arg8 : memref<32x768xf32, #tpu.memory_space<vmem>>) offsets(%dma_start3A_114 : memref<32xi32, #tpu.memory_space<vmem>>) semaphore(%arg12 : memref<!tpu.dma_semaphore, #tpu.memory_space<semaphore_mem>>)
    %add3A_118 = arith.constant 96 : i32
    %add3A_119 = arith.addi %mul3A_34, %add3A_118 : i32
    %dma_start3A_120 = arith.constant 0 : i32
    %dma_start3A_121 = tpu.memref_slice %arg4[%add3A_119, %dma_start3A_120] : memref<32768x768xf32, #tpu.memory_space<hbm>> -> memref<32x768xf32, #tpu.memory_space<hbm>>
    %dma_start3A_122 = arith.constant 0 : i32
    %dma_start3A_123 = tpu.memref_slice %arg4[%add3A_119, %dma_start3A_122] : memref<32768x768xf32, #tpu.memory_space<hbm>> -> memref<32x768xf32, #tpu.memory_space<hbm>>
    tpu.enqueue_dma source(%arg9 : memref<32x768xf32, #tpu.memory_space<vmem>>) target(%dma_start3A_123 : memref<32x768xf32, #tpu.memory_space<hbm>>) target_semaphore(%arg17 : memref<!tpu.dma_semaphore, #tpu.memory_space<semaphore_mem>>)
    %dma_wait3A_124 = arith.constant 128 : i32
    %dma_wait3A_125 = tpu.memref_slice %arg5[%dma_wait3A_124] : memref<1024xi32, #tpu.memory_space<vmem>> -> memref<32xi32, #tpu.memory_space<vmem>>
    %dma_wait3A_126 = arith.constant 0 : i32
    %dma_wait3A_127 = arith.constant 0 : i32
    %dma_wait3A_128 = tpu.memref_slice %arg3[%dma_wait3A_126, %dma_wait3A_127] : memref<30522x768xf32, #tpu.memory_space<hbm>> -> memref<30522x768xf32, #tpu.memory_space<hbm>>
    tpu.wait_indirect_dma semaphore(%arg10 : memref<!tpu.dma_semaphore, #tpu.memory_space<semaphore_mem>>) src(%dma_wait3A_128 : memref<30522x768xf32, #tpu.memory_space<hbm>>) dst(%arg6 : memref<32x768xf32, #tpu.memory_space<vmem>>)
    %dma_wait3A_129 = arith.constant 0 : i32
    %dma_wait3A_130 = tpu.memref_slice %arg4[%add3A_119, %dma_wait3A_129] : memref<32768x768xf32, #tpu.memory_space<hbm>> -> memref<32x768xf32, #tpu.memory_space<hbm>>
    %dma_wait3A_131 = arith.constant 0 : i32
    %dma_wait3A_132 = tpu.memref_slice %arg4[%add3A_119, %dma_wait3A_131] : memref<32768x768xf32, #tpu.memory_space<hbm>> -> memref<32x768xf32, #tpu.memory_space<hbm>>
    tpu.wait_dma2 semaphore(%arg17 : memref<!tpu.dma_semaphore, #tpu.memory_space<semaphore_mem>>) src(%arg9 : memref<32x768xf32, #tpu.memory_space<vmem>>) dst(%dma_wait3A_132 : memref<32x768xf32, #tpu.memory_space<hbm>>)
    %dma_start3A_133 = arith.constant 224 : i32
    %dma_start3A_134 = tpu.memref_slice %arg5[%dma_start3A_133] : memref<1024xi32, #tpu.memory_space<vmem>> -> memref<32xi32, #tpu.memory_space<vmem>>
    %dma_start3A_135 = arith.constant 0 : i32
    %dma_start3A_136 = arith.constant 0 : i32
    %dma_start3A_137 = tpu.memref_slice %arg3[%dma_start3A_135, %dma_start3A_136] : memref<30522x768xf32, #tpu.memory_space<hbm>> -> memref<30522x768xf32, #tpu.memory_space<hbm>>
    tpu.enqueue_indirect_dma source(%dma_start3A_137 : memref<30522x768xf32, #tpu.memory_space<hbm>>) target(%arg9 : memref<32x768xf32, #tpu.memory_space<vmem>>) offsets(%dma_start3A_134 : memref<32xi32, #tpu.memory_space<vmem>>) semaphore(%arg13 : memref<!tpu.dma_semaphore, #tpu.memory_space<semaphore_mem>>)
    %add3A_138 = arith.constant 128 : i32
    %add3A_139 = arith.addi %mul3A_34, %add3A_138 : i32
    %dma_start3A_140 = arith.constant 0 : i32
    %dma_start3A_141 = tpu.memref_slice %arg4[%add3A_139, %dma_start3A_140] : memref<32768x768xf32, #tpu.memory_space<hbm>> -> memref<32x768xf32, #tpu.memory_space<hbm>>
    %dma_start3A_142 = arith.constant 0 : i32
    %dma_start3A_143 = tpu.memref_slice %arg4[%add3A_139, %dma_start3A_142] : memref<32768x768xf32, #tpu.memory_space<hbm>> -> memref<32x768xf32, #tpu.memory_space<hbm>>
    tpu.enqueue_dma source(%arg6 : memref<32x768xf32, #tpu.memory_space<vmem>>) target(%dma_start3A_143 : memref<32x768xf32, #tpu.memory_space<hbm>>) target_semaphore(%arg14 : memref<!tpu.dma_semaphore, #tpu.memory_space<semaphore_mem>>)
    %dma_wait3A_144 = arith.constant 160 : i32
    %dma_wait3A_145 = tpu.memref_slice %arg5[%dma_wait3A_144] : memref<1024xi32, #tpu.memory_space<vmem>> -> memref<32xi32, #tpu.memory_space<vmem>>
    %dma_wait3A_146 = arith.constant 0 : i32
    %dma_wait3A_147 = arith.constant 0 : i32
    %dma_wait3A_148 = tpu.memref_slice %arg3[%dma_wait3A_146, %dma_wait3A_147] : memref<30522x768xf32, #tpu.memory_space<hbm>> -> memref<30522x768xf32, #tpu.memory_space<hbm>>
    tpu.wait_indirect_dma semaphore(%arg11 : memref<!tpu.dma_semaphore, #tpu.memory_space<semaphore_mem>>) src(%dma_wait3A_148 : memref<30522x768xf32, #tpu.memory_space<hbm>>) dst(%arg7 : memref<32x768xf32, #tpu.memory_space<vmem>>)
    %dma_wait3A_149 = arith.constant 0 : i32
    %dma_wait3A_150 = tpu.memref_slice %arg4[%add3A_139, %dma_wait3A_149] : memref<32768x768xf32, #tpu.memory_space<hbm>> -> memref<32x768xf32, #tpu.memory_space<hbm>>
    %dma_wait3A_151 = arith.constant 0 : i32
    %dma_wait3A_152 = tpu.memref_slice %arg4[%add3A_139, %dma_wait3A_151] : memref<32768x768xf32, #tpu.memory_space<hbm>> -> memref<32x768xf32, #tpu.memory_space<hbm>>
    tpu.wait_dma2 semaphore(%arg14 : memref<!tpu.dma_semaphore, #tpu.memory_space<semaphore_mem>>) src(%arg6 : memref<32x768xf32, #tpu.memory_space<vmem>>) dst(%dma_wait3A_152 : memref<32x768xf32, #tpu.memory_space<hbm>>)
    %dma_start3A_153 = arith.constant 256 : i32
    %dma_start3A_154 = tpu.memref_slice %arg5[%dma_start3A_153] : memref<1024xi32, #tpu.memory_space<vmem>> -> memref<32xi32, #tpu.memory_space<vmem>>
    %dma_start3A_155 = arith.constant 0 : i32
    %dma_start3A_156 = arith.constant 0 : i32
    %dma_start3A_157 = tpu.memref_slice %arg3[%dma_start3A_155, %dma_start3A_156] : memref<30522x768xf32, #tpu.memory_space<hbm>> -> memref<30522x768xf32, #tpu.memory_space<hbm>>
    tpu.enqueue_indirect_dma source(%dma_start3A_157 : memref<30522x768xf32, #tpu.memory_space<hbm>>) target(%arg6 : memref<32x768xf32, #tpu.memory_space<vmem>>) offsets(%dma_start3A_154 : memref<32xi32, #tpu.memory_space<vmem>>) semaphore(%arg10 : memref<!tpu.dma_semaphore, #tpu.memory_space<semaphore_mem>>)
    %add3A_158 = arith.constant 160 : i32
    %add3A_159 = arith.addi %mul3A_34, %add3A_158 : i32
    %dma_start3A_160 = arith.constant 0 : i32
    %dma_start3A_161 = tpu.memref_slice %arg4[%add3A_159, %dma_start3A_160] : memref<32768x768xf32, #tpu.memory_space<hbm>> -> memref<32x768xf32, #tpu.memory_space<hbm>>
    %dma_start3A_162 = arith.constant 0 : i32
    %dma_start3A_163 = tpu.memref_slice %arg4[%add3A_159, %dma_start3A_162] : memref<32768x768xf32, #tpu.memory_space<hbm>> -> memref<32x768xf32, #tpu.memory_space<hbm>>
    tpu.enqueue_dma source(%arg7 : memref<32x768xf32, #tpu.memory_space<vmem>>) target(%dma_start3A_163 : memref<32x768xf32, #tpu.memory_space<hbm>>) target_semaphore(%arg15 : memref<!tpu.dma_semaphore, #tpu.memory_space<semaphore_mem>>)
    %dma_wait3A_164 = arith.constant 192 : i32
    %dma_wait3A_165 = tpu.memref_slice %arg5[%dma_wait3A_164] : memref<1024xi32, #tpu.memory_space<vmem>> -> memref<32xi32, #tpu.memory_space<vmem>>
    %dma_wait3A_166 = arith.constant 0 : i32
    %dma_wait3A_167 = arith.constant 0 : i32
    %dma_wait3A_168 = tpu.memref_slice %arg3[%dma_wait3A_166, %dma_wait3A_167] : memref<30522x768xf32, #tpu.memory_space<hbm>> -> memref<30522x768xf32, #tpu.memory_space<hbm>>
    tpu.wait_indirect_dma semaphore(%arg12 : memref<!tpu.dma_semaphore, #tpu.memory_space<semaphore_mem>>) src(%dma_wait3A_168 : memref<30522x768xf32, #tpu.memory_space<hbm>>) dst(%arg8 : memref<32x768xf32, #tpu.memory_space<vmem>>)
    %dma_wait3A_169 = arith.constant 0 : i32
    %dma_wait3A_170 = tpu.memref_slice %arg4[%add3A_159, %dma_wait3A_169] : memref<32768x768xf32, #tpu.memory_space<hbm>> -> memref<32x768xf32, #tpu.memory_space<hbm>>
    %dma_wait3A_171 = arith.constant 0 : i32
    %dma_wait3A_172 = tpu.memref_slice %arg4[%add3A_159, %dma_wait3A_171] : memref<32768x768xf32, #tpu.memory_space<hbm>> -> memref<32x768xf32, #tpu.memory_space<hbm>>
    tpu.wait_dma2 semaphore(%arg15 : memref<!tpu.dma_semaphore, #tpu.memory_space<semaphore_mem>>) src(%arg7 : memref<32x768xf32, #tpu.memory_space<vmem>>) dst(%dma_wait3A_172 : memref<32x768xf32, #tpu.memory_space<hbm>>)
    %dma_start3A_173 = arith.constant 288 : i32
    %dma_start3A_174 = tpu.memref_slice %arg5[%dma_start3A_173] : memref<1024xi32, #tpu.memory_space<vmem>> -> memref<32xi32, #tpu.memory_space<vmem>>
    %dma_start3A_175 = arith.constant 0 : i32
    %dma_start3A_176 = arith.constant 0 : i32
    %dma_start3A_177 = tpu.memref_slice %arg3[%dma_start3A_175, %dma_start3A_176] : memref<30522x768xf32, #tpu.memory_space<hbm>> -> memref<30522x768xf32, #tpu.memory_space<hbm>>
    tpu.enqueue_indirect_dma source(%dma_start3A_177 : memref<30522x768xf32, #tpu.memory_space<hbm>>) target(%arg7 : memref<32x768xf32, #tpu.memory_space<vmem>>) offsets(%dma_start3A_174 : memref<32xi32, #tpu.memory_space<vmem>>) semaphore(%arg11 : memref<!tpu.dma_semaphore, #tpu.memory_space<semaphore_mem>>)
    %add3A_178 = arith.constant 192 : i32
    %add3A_179 = arith.addi %mul3A_34, %add3A_178 : i32
    %dma_start3A_180 = arith.constant 0 : i32
    %dma_start3A_181 = tpu.memref_slice %arg4[%add3A_179, %dma_start3A_180] : memref<32768x768xf32, #tpu.memory_space<hbm>> -> memref<32x768xf32, #tpu.memory_space<hbm>>
    %dma_start3A_182 = arith.constant 0 : i32
    %dma_start3A_183 = tpu.memref_slice %arg4[%add3A_179, %dma_start3A_182] : memref<32768x768xf32, #tpu.memory_space<hbm>> -> memref<32x768xf32, #tpu.memory_space<hbm>>
    tpu.enqueue_dma source(%arg8 : memref<32x768xf32, #tpu.memory_space<vmem>>) target(%dma_start3A_183 : memref<32x768xf32, #tpu.memory_space<hbm>>) target_semaphore(%arg16 : memref<!tpu.dma_semaphore, #tpu.memory_space<semaphore_mem>>)
    %dma_wait3A_184 = arith.constant 224 : i32
    %dma_wait3A_185 = tpu.memref_slice %arg5[%dma_wait3A_184] : memref<1024xi32, #tpu.memory_space<vmem>> -> memref<32xi32, #tpu.memory_space<vmem>>
    %dma_wait3A_186 = arith.constant 0 : i32
    %dma_wait3A_187 = arith.constant 0 : i32
    %dma_wait3A_188 = tpu.memref_slice %arg3[%dma_wait3A_186, %dma_wait3A_187] : memref<30522x768xf32, #tpu.memory_space<hbm>> -> memref<30522x768xf32, #tpu.memory_space<hbm>>
    tpu.wait_indirect_dma semaphore(%arg13 : memref<!tpu.dma_semaphore, #tpu.memory_space<semaphore_mem>>) src(%dma_wait3A_188 : memref<30522x768xf32, #tpu.memory_space<hbm>>) dst(%arg9 : memref<32x768xf32, #tpu.memory_space<vmem>>)
    %dma_wait3A_189 = arith.constant 0 : i32
    %dma_wait3A_190 = tpu.memref_slice %arg4[%add3A_179, %dma_wait3A_189] : memref<32768x768xf32, #tpu.memory_space<hbm>> -> memref<32x768xf32, #tpu.memory_space<hbm>>
    %dma_wait3A_191 = arith.constant 0 : i32
    %dma_wait3A_192 = tpu.memref_slice %arg4[%add3A_179, %dma_wait3A_191] : memref<32768x768xf32, #tpu.memory_space<hbm>> -> memref<32x768xf32, #tpu.memory_space<hbm>>
    tpu.wait_dma2 semaphore(%arg16 : memref<!tpu.dma_semaphore, #tpu.memory_space<semaphore_mem>>) src(%arg8 : memref<32x768xf32, #tpu.memory_space<vmem>>) dst(%dma_wait3A_192 : memref<32x768xf32, #tpu.memory_space<hbm>>)
    %dma_start3A_193 = arith.constant 320 : i32
    %dma_start3A_194 = tpu.memref_slice %arg5[%dma_start3A_193] : memref<1024xi32, #tpu.memory_space<vmem>> -> memref<32xi32, #tpu.memory_space<vmem>>
    %dma_start3A_195 = arith.constant 0 : i32
    %dma_start3A_196 = arith.constant 0 : i32
    %dma_start3A_197 = tpu.memref_slice %arg3[%dma_start3A_195, %dma_start3A_196] : memref<30522x768xf32, #tpu.memory_space<hbm>> -> memref<30522x768xf32, #tpu.memory_space<hbm>>
    tpu.enqueue_indirect_dma source(%dma_start3A_197 : memref<30522x768xf32, #tpu.memory_space<hbm>>) target(%arg8 : memref<32x768xf32, #tpu.memory_space<vmem>>) offsets(%dma_start3A_194 : memref<32xi32, #tpu.memory_space<vmem>>) semaphore(%arg12 : memref<!tpu.dma_semaphore, #tpu.memory_space<semaphore_mem>>)
    %add3A_198 = arith.constant 224 : i32
    %add3A_199 = arith.addi %mul3A_34, %add3A_198 : i32
    %dma_start3A_200 = arith.constant 0 : i32
    %dma_start3A_201 = tpu.memref_slice %arg4[%add3A_199, %dma_start3A_200] : memref<32768x768xf32, #tpu.memory_space<hbm>> -> memref<32x768xf32, #tpu.memory_space<hbm>>
    %dma_start3A_202 = arith.constant 0 : i32
    %dma_start3A_203 = tpu.memref_slice %arg4[%add3A_199, %dma_start3A_202] : memref<32768x768xf32, #tpu.memory_space<hbm>> -> memref<32x768xf32, #tpu.memory_space<hbm>>
    tpu.enqueue_dma source(%arg9 : memref<32x768xf32, #tpu.memory_space<vmem>>) target(%dma_start3A_203 : memref<32x768xf32, #tpu.memory_space<hbm>>) target_semaphore(%arg17 : memref<!tpu.dma_semaphore, #tpu.memory_space<semaphore_mem>>)
    %dma_wait3A_204 = arith.constant 256 : i32
    %dma_wait3A_205 = tpu.memref_slice %arg5[%dma_wait3A_204] : memref<1024xi32, #tpu.memory_space<vmem>> -> memref<32xi32, #tpu.memory_space<vmem>>
    %dma_wait3A_206 = arith.constant 0 : i32
    %dma_wait3A_207 = arith.constant 0 : i32
    %dma_wait3A_208 = tpu.memref_slice %arg3[%dma_wait3A_206, %dma_wait3A_207] : memref<30522x768xf32, #tpu.memory_space<hbm>> -> memref<30522x768xf32, #tpu.memory_space<hbm>>
    tpu.wait_indirect_dma semaphore(%arg10 : memref<!tpu.dma_semaphore, #tpu.memory_space<semaphore_mem>>) src(%dma_wait3A_208 : memref<30522x768xf32, #tpu.memory_space<hbm>>) dst(%arg6 : memref<32x768xf32, #tpu.memory_space<vmem>>)
    %dma_wait3A_209 = arith.constant 0 : i32
    %dma_wait3A_210 = tpu.memref_slice %arg4[%add3A_199, %dma_wait3A_209] : memref<32768x768xf32, #tpu.memory_space<hbm>> -> memref<32x768xf32, #tpu.memory_space<hbm>>
    %dma_wait3A_211 = arith.constant 0 : i32
    %dma_wait3A_212 = tpu.memref_slice %arg4[%add3A_199, %dma_wait3A_211] : memref<32768x768xf32, #tpu.memory_space<hbm>> -> memref<32x768xf32, #tpu.memory_space<hbm>>
    tpu.wait_dma2 semaphore(%arg17 : memref<!tpu.dma_semaphore, #tpu.memory_space<semaphore_mem>>) src(%arg9 : memref<32x768xf32, #tpu.memory_space<vmem>>) dst(%dma_wait3A_212 : memref<32x768xf32, #tpu.memory_space<hbm>>)
    %dma_start3A_213 = arith.constant 352 : i32
    %dma_start3A_214 = tpu.memref_slice %arg5[%dma_start3A_213] : memref<1024xi32, #tpu.memory_space<vmem>> -> memref<32xi32, #tpu.memory_space<vmem>>
    %dma_start3A_215 = arith.constant 0 : i32
    %dma_start3A_216 = arith.constant 0 : i32
    %dma_start3A_217 = tpu.memref_slice %arg3[%dma_start3A_215, %dma_start3A_216] : memref<30522x768xf32, #tpu.memory_space<hbm>> -> memref<30522x768xf32, #tpu.memory_space<hbm>>
    tpu.enqueue_indirect_dma source(%dma_start3A_217 : memref<30522x768xf32, #tpu.memory_space<hbm>>) target(%arg9 : memref<32x768xf32, #tpu.memory_space<vmem>>) offsets(%dma_start3A_214 : memref<32xi32, #tpu.memory_space<vmem>>) semaphore(%arg13 : memref<!tpu.dma_semaphore, #tpu.memory_space<semaphore_mem>>)
    %add3A_218 = arith.constant 256 : i32
    %add3A_219 = arith.addi %mul3A_34, %add3A_218 : i32
    %dma_start3A_220 = arith.constant 0 : i32
    %dma_start3A_221 = tpu.memref_slice %arg4[%add3A_219, %dma_start3A_220] : memref<32768x768xf32, #tpu.memory_space<hbm>> -> memref<32x768xf32, #tpu.memory_space<hbm>>
    %dma_start3A_222 = arith.constant 0 : i32
    %dma_start3A_223 = tpu.memref_slice %arg4[%add3A_219, %dma_start3A_222] : memref<32768x768xf32, #tpu.memory_space<hbm>> -> memref<32x768xf32, #tpu.memory_space<hbm>>
    tpu.enqueue_dma source(%arg6 : memref<32x768xf32, #tpu.memory_space<vmem>>) target(%dma_start3A_223 : memref<32x768xf32, #tpu.memory_space<hbm>>) target_semaphore(%arg14 : memref<!tpu.dma_semaphore, #tpu.memory_space<semaphore_mem>>)
    %dma_wait3A_224 = arith.constant 288 : i32
    %dma_wait3A_225 = tpu.memref_slice %arg5[%dma_wait3A_224] : memref<1024xi32, #tpu.memory_space<vmem>> -> memref<32xi32, #tpu.memory_space<vmem>>
    %dma_wait3A_226 = arith.constant 0 : i32
    %dma_wait3A_227 = arith.constant 0 : i32
    %dma_wait3A_228 = tpu.memref_slice %arg3[%dma_wait3A_226, %dma_wait3A_227] : memref<30522x768xf32, #tpu.memory_space<hbm>> -> memref<30522x768xf32, #tpu.memory_space<hbm>>
    tpu.wait_indirect_dma semaphore(%arg11 : memref<!tpu.dma_semaphore, #tpu.memory_space<semaphore_mem>>) src(%dma_wait3A_228 : memref<30522x768xf32, #tpu.memory_space<hbm>>) dst(%arg7 : memref<32x768xf32, #tpu.memory_space<vmem>>)
    %dma_wait3A_229 = arith.constant 0 : i32
    %dma_wait3A_230 = tpu.memref_slice %arg4[%add3A_219, %dma_wait3A_229] : memref<32768x768xf32, #tpu.memory_space<hbm>> -> memref<32x768xf32, #tpu.memory_space<hbm>>
    %dma_wait3A_231 = arith.constant 0 : i32
    %dma_wait3A_232 = tpu.memref_slice %arg4[%add3A_219, %dma_wait3A_231] : memref<32768x768xf32, #tpu.memory_space<hbm>> -> memref<32x768xf32, #tpu.memory_space<hbm>>
    tpu.wait_dma2 semaphore(%arg14 : memref<!tpu.dma_semaphore, #tpu.memory_space<semaphore_mem>>) src(%arg6 : memref<32x768xf32, #tpu.memory_space<vmem>>) dst(%dma_wait3A_232 : memref<32x768xf32, #tpu.memory_space<hbm>>)
    %dma_start3A_233 = arith.constant 384 : i32
    %dma_start3A_234 = tpu.memref_slice %arg5[%dma_start3A_233] : memref<1024xi32, #tpu.memory_space<vmem>> -> memref<32xi32, #tpu.memory_space<vmem>>
    %dma_start3A_235 = arith.constant 0 : i32
    %dma_start3A_236 = arith.constant 0 : i32
    %dma_start3A_237 = tpu.memref_slice %arg3[%dma_start3A_235, %dma_start3A_236] : memref<30522x768xf32, #tpu.memory_space<hbm>> -> memref<30522x768xf32, #tpu.memory_space<hbm>>
    tpu.enqueue_indirect_dma source(%dma_start3A_237 : memref<30522x768xf32, #tpu.memory_space<hbm>>) target(%arg6 : memref<32x768xf32, #tpu.memory_space<vmem>>) offsets(%dma_start3A_234 : memref<32xi32, #tpu.memory_space<vmem>>) semaphore(%arg10 : memref<!tpu.dma_semaphore, #tpu.memory_space<semaphore_mem>>)
    %add3A_238 = arith.constant 288 : i32
    %add3A_239 = arith.addi %mul3A_34, %add3A_238 : i32
    %dma_start3A_240 = arith.constant 0 : i32
    %dma_start3A_241 = tpu.memref_slice %arg4[%add3A_239, %dma_start3A_240] : memref<32768x768xf32, #tpu.memory_space<hbm>> -> memref<32x768xf32, #tpu.memory_space<hbm>>
    %dma_start3A_242 = arith.constant 0 : i32
    %dma_start3A_243 = tpu.memref_slice %arg4[%add3A_239, %dma_start3A_242] : memref<32768x768xf32, #tpu.memory_space<hbm>> -> memref<32x768xf32, #tpu.memory_space<hbm>>
    tpu.enqueue_dma source(%arg7 : memref<32x768xf32, #tpu.memory_space<vmem>>) target(%dma_start3A_243 : memref<32x768xf32, #tpu.memory_space<hbm>>) target_semaphore(%arg15 : memref<!tpu.dma_semaphore, #tpu.memory_space<semaphore_mem>>)
    %dma_wait3A_244 = arith.constant 320 : i32
    %dma_wait3A_245 = tpu.memref_slice %arg5[%dma_wait3A_244] : memref<1024xi32, #tpu.memory_space<vmem>> -> memref<32xi32, #tpu.memory_space<vmem>>
    %dma_wait3A_246 = arith.constant 0 : i32
    %dma_wait3A_247 = arith.constant 0 : i32
    %dma_wait3A_248 = tpu.memref_slice %arg3[%dma_wait3A_246, %dma_wait3A_247] : memref<30522x768xf32, #tpu.memory_space<hbm>> -> memref<30522x768xf32, #tpu.memory_space<hbm>>
    tpu.wait_indirect_dma semaphore(%arg12 : memref<!tpu.dma_semaphore, #tpu.memory_space<semaphore_mem>>) src(%dma_wait3A_248 : memref<30522x768xf32, #tpu.memory_space<hbm>>) dst(%arg8 : memref<32x768xf32, #tpu.memory_space<vmem>>)
    %dma_wait3A_249 = arith.constant 0 : i32
    %dma_wait3A_250 = tpu.memref_slice %arg4[%add3A_239, %dma_wait3A_249] : memref<32768x768xf32, #tpu.memory_space<hbm>> -> memref<32x768xf32, #tpu.memory_space<hbm>>
    %dma_wait3A_251 = arith.constant 0 : i32
    %dma_wait3A_252 = tpu.memref_slice %arg4[%add3A_239, %dma_wait3A_251] : memref<32768x768xf32, #tpu.memory_space<hbm>> -> memref<32x768xf32, #tpu.memory_space<hbm>>
    tpu.wait_dma2 semaphore(%arg15 : memref<!tpu.dma_semaphore, #tpu.memory_space<semaphore_mem>>) src(%arg7 : memref<32x768xf32, #tpu.memory_space<vmem>>) dst(%dma_wait3A_252 : memref<32x768xf32, #tpu.memory_space<hbm>>)
    %dma_start3A_253 = arith.constant 416 : i32
    %dma_start3A_254 = tpu.memref_slice %arg5[%dma_start3A_253] : memref<1024xi32, #tpu.memory_space<vmem>> -> memref<32xi32, #tpu.memory_space<vmem>>
    %dma_start3A_255 = arith.constant 0 : i32
    %dma_start3A_256 = arith.constant 0 : i32
    %dma_start3A_257 = tpu.memref_slice %arg3[%dma_start3A_255, %dma_start3A_256] : memref<30522x768xf32, #tpu.memory_space<hbm>> -> memref<30522x768xf32, #tpu.memory_space<hbm>>
    tpu.enqueue_indirect_dma source(%dma_start3A_257 : memref<30522x768xf32, #tpu.memory_space<hbm>>) target(%arg7 : memref<32x768xf32, #tpu.memory_space<vmem>>) offsets(%dma_start3A_254 : memref<32xi32, #tpu.memory_space<vmem>>) semaphore(%arg11 : memref<!tpu.dma_semaphore, #tpu.memory_space<semaphore_mem>>)
    %add3A_258 = arith.constant 320 : i32
    %add3A_259 = arith.addi %mul3A_34, %add3A_258 : i32
    %dma_start3A_260 = arith.constant 0 : i32
    %dma_start3A_261 = tpu.memref_slice %arg4[%add3A_259, %dma_start3A_260] : memref<32768x768xf32, #tpu.memory_space<hbm>> -> memref<32x768xf32, #tpu.memory_space<hbm>>
    %dma_start3A_262 = arith.constant 0 : i32
    %dma_start3A_263 = tpu.memref_slice %arg4[%add3A_259, %dma_start3A_262] : memref<32768x768xf32, #tpu.memory_space<hbm>> -> memref<32x768xf32, #tpu.memory_space<hbm>>
    tpu.enqueue_dma source(%arg8 : memref<32x768xf32, #tpu.memory_space<vmem>>) target(%dma_start3A_263 : memref<32x768xf32, #tpu.memory_space<hbm>>) target_semaphore(%arg16 : memref<!tpu.dma_semaphore, #tpu.memory_space<semaphore_mem>>)
    %dma_wait3A_264 = arith.constant 352 : i32
    %dma_wait3A_265 = tpu.memref_slice %arg5[%dma_wait3A_264] : memref<1024xi32, #tpu.memory_space<vmem>> -> memref<32xi32, #tpu.memory_space<vmem>>
    %dma_wait3A_266 = arith.constant 0 : i32
    %dma_wait3A_267 = arith.constant 0 : i32
    %dma_wait3A_268 = tpu.memref_slice %arg3[%dma_wait3A_266, %dma_wait3A_267] : memref<30522x768xf32, #tpu.memory_space<hbm>> -> memref<30522x768xf32, #tpu.memory_space<hbm>>
    tpu.wait_indirect_dma semaphore(%arg13 : memref<!tpu.dma_semaphore, #tpu.memory_space<semaphore_mem>>) src(%dma_wait3A_268 : memref<30522x768xf32, #tpu.memory_space<hbm>>) dst(%arg9 : memref<32x768xf32, #tpu.memory_space<vmem>>)
    %dma_wait3A_269 = arith.constant 0 : i32
    %dma_wait3A_270 = tpu.memref_slice %arg4[%add3A_259, %dma_wait3A_269] : memref<32768x768xf32, #tpu.memory_space<hbm>> -> memref<32x768xf32, #tpu.memory_space<hbm>>
    %dma_wait3A_271 = arith.constant 0 : i32
    %dma_wait3A_272 = tpu.memref_slice %arg4[%add3A_259, %dma_wait3A_271] : memref<32768x768xf32, #tpu.memory_space<hbm>> -> memref<32x768xf32, #tpu.memory_space<hbm>>
    tpu.wait_dma2 semaphore(%arg16 : memref<!tpu.dma_semaphore, #tpu.memory_space<semaphore_mem>>) src(%arg8 : memref<32x768xf32, #tpu.memory_space<vmem>>) dst(%dma_wait3A_272 : memref<32x768xf32, #tpu.memory_space<hbm>>)
    %dma_start3A_273 = arith.constant 448 : i32
    %dma_start3A_274 = tpu.memref_slice %arg5[%dma_start3A_273] : memref<1024xi32, #tpu.memory_space<vmem>> -> memref<32xi32, #tpu.memory_space<vmem>>
    %dma_start3A_275 = arith.constant 0 : i32
    %dma_start3A_276 = arith.constant 0 : i32
    %dma_start3A_277 = tpu.memref_slice %arg3[%dma_start3A_275, %dma_start3A_276] : memref<30522x768xf32, #tpu.memory_space<hbm>> -> memref<30522x768xf32, #tpu.memory_space<hbm>>
    tpu.enqueue_indirect_dma source(%dma_start3A_277 : memref<30522x768xf32, #tpu.memory_space<hbm>>) target(%arg8 : memref<32x768xf32, #tpu.memory_space<vmem>>) offsets(%dma_start3A_274 : memref<32xi32, #tpu.memory_space<vmem>>) semaphore(%arg12 : memref<!tpu.dma_semaphore, #tpu.memory_space<semaphore_mem>>)
    %add3A_278 = arith.constant 352 : i32
    %add3A_279 = arith.addi %mul3A_34, %add3A_278 : i32
    %dma_start3A_280 = arith.constant 0 : i32
    %dma_start3A_281 = tpu.memref_slice %arg4[%add3A_279, %dma_start3A_280] : memref<32768x768xf32, #tpu.memory_space<hbm>> -> memref<32x768xf32, #tpu.memory_space<hbm>>
    %dma_start3A_282 = arith.constant 0 : i32
    %dma_start3A_283 = tpu.memref_slice %arg4[%add3A_279, %dma_start3A_282] : memref<32768x768xf32, #tpu.memory_space<hbm>> -> memref<32x768xf32, #tpu.memory_space<hbm>>
    tpu.enqueue_dma source(%arg9 : memref<32x768xf32, #tpu.memory_space<vmem>>) target(%dma_start3A_283 : memref<32x768xf32, #tpu.memory_space<hbm>>) target_semaphore(%arg17 : memref<!tpu.dma_semaphore, #tpu.memory_space<semaphore_mem>>)
    %dma_wait3A_284 = arith.constant 384 : i32
    %dma_wait3A_285 = tpu.memref_slice %arg5[%dma_wait3A_284] : memref<1024xi32, #tpu.memory_space<vmem>> -> memref<32xi32, #tpu.memory_space<vmem>>
    %dma_wait3A_286 = arith.constant 0 : i32
    %dma_wait3A_287 = arith.constant 0 : i32
    %dma_wait3A_288 = tpu.memref_slice %arg3[%dma_wait3A_286, %dma_wait3A_287] : memref<30522x768xf32, #tpu.memory_space<hbm>> -> memref<30522x768xf32, #tpu.memory_space<hbm>>
    tpu.wait_indirect_dma semaphore(%arg10 : memref<!tpu.dma_semaphore, #tpu.memory_space<semaphore_mem>>) src(%dma_wait3A_288 : memref<30522x768xf32, #tpu.memory_space<hbm>>) dst(%arg6 : memref<32x768xf32, #tpu.memory_space<vmem>>)
    %dma_wait3A_289 = arith.constant 0 : i32
    %dma_wait3A_290 = tpu.memref_slice %arg4[%add3A_279, %dma_wait3A_289] : memref<32768x768xf32, #tpu.memory_space<hbm>> -> memref<32x768xf32, #tpu.memory_space<hbm>>
    %dma_wait3A_291 = arith.constant 0 : i32
    %dma_wait3A_292 = tpu.memref_slice %arg4[%add3A_279, %dma_wait3A_291] : memref<32768x768xf32, #tpu.memory_space<hbm>> -> memref<32x768xf32, #tpu.memory_space<hbm>>
    tpu.wait_dma2 semaphore(%arg17 : memref<!tpu.dma_semaphore, #tpu.memory_space<semaphore_mem>>) src(%arg9 : memref<32x768xf32, #tpu.memory_space<vmem>>) dst(%dma_wait3A_292 : memref<32x768xf32, #tpu.memory_space<hbm>>)
    %dma_start3A_293 = arith.constant 480 : i32
    %dma_start3A_294 = tpu.memref_slice %arg5[%dma_start3A_293] : memref<1024xi32, #tpu.memory_space<vmem>> -> memref<32xi32, #tpu.memory_space<vmem>>
    %dma_start3A_295 = arith.constant 0 : i32
    %dma_start3A_296 = arith.constant 0 : i32
    %dma_start3A_297 = tpu.memref_slice %arg3[%dma_start3A_295, %dma_start3A_296] : memref<30522x768xf32, #tpu.memory_space<hbm>> -> memref<30522x768xf32, #tpu.memory_space<hbm>>
    tpu.enqueue_indirect_dma source(%dma_start3A_297 : memref<30522x768xf32, #tpu.memory_space<hbm>>) target(%arg9 : memref<32x768xf32, #tpu.memory_space<vmem>>) offsets(%dma_start3A_294 : memref<32xi32, #tpu.memory_space<vmem>>) semaphore(%arg13 : memref<!tpu.dma_semaphore, #tpu.memory_space<semaphore_mem>>)
    %add3A_298 = arith.constant 384 : i32
    %add3A_299 = arith.addi %mul3A_34, %add3A_298 : i32
    %dma_start3A_300 = arith.constant 0 : i32
    %dma_start3A_301 = tpu.memref_slice %arg4[%add3A_299, %dma_start3A_300] : memref<32768x768xf32, #tpu.memory_space<hbm>> -> memref<32x768xf32, #tpu.memory_space<hbm>>
    %dma_start3A_302 = arith.constant 0 : i32
    %dma_start3A_303 = tpu.memref_slice %arg4[%add3A_299, %dma_start3A_302] : memref<32768x768xf32, #tpu.memory_space<hbm>> -> memref<32x768xf32, #tpu.memory_space<hbm>>
    tpu.enqueue_dma source(%arg6 : memref<32x768xf32, #tpu.memory_space<vmem>>) target(%dma_start3A_303 : memref<32x768xf32, #tpu.memory_space<hbm>>) target_semaphore(%arg14 : memref<!tpu.dma_semaphore, #tpu.memory_space<semaphore_mem>>)
    %dma_wait3A_304 = arith.constant 416 : i32
    %dma_wait3A_305 = tpu.memref_slice %arg5[%dma_wait3A_304] : memref<1024xi32, #tpu.memory_space<vmem>> -> memref<32xi32, #tpu.memory_space<vmem>>
    %dma_wait3A_306 = arith.constant 0 : i32
    %dma_wait3A_307 = arith.constant 0 : i32
    %dma_wait3A_308 = tpu.memref_slice %arg3[%dma_wait3A_306, %dma_wait3A_307] : memref<30522x768xf32, #tpu.memory_space<hbm>> -> memref<30522x768xf32, #tpu.memory_space<hbm>>
    tpu.wait_indirect_dma semaphore(%arg11 : memref<!tpu.dma_semaphore, #tpu.memory_space<semaphore_mem>>) src(%dma_wait3A_308 : memref<30522x768xf32, #tpu.memory_space<hbm>>) dst(%arg7 : memref<32x768xf32, #tpu.memory_space<vmem>>)
    %dma_wait3A_309 = arith.constant 0 : i32
    %dma_wait3A_310 = tpu.memref_slice %arg4[%add3A_299, %dma_wait3A_309] : memref<32768x768xf32, #tpu.memory_space<hbm>> -> memref<32x768xf32, #tpu.memory_space<hbm>>
    %dma_wait3A_311 = arith.constant 0 : i32
    %dma_wait3A_312 = tpu.memref_slice %arg4[%add3A_299, %dma_wait3A_311] : memref<32768x768xf32, #tpu.memory_space<hbm>> -> memref<32x768xf32, #tpu.memory_space<hbm>>
    tpu.wait_dma2 semaphore(%arg14 : memref<!tpu.dma_semaphore, #tpu.memory_space<semaphore_mem>>) src(%arg6 : memref<32x768xf32, #tpu.memory_space<vmem>>) dst(%dma_wait3A_312 : memref<32x768xf32, #tpu.memory_space<hbm>>)
    %dma_start3A_313 = arith.constant 512 : i32
    %dma_start3A_314 = tpu.memref_slice %arg5[%dma_start3A_313] : memref<1024xi32, #tpu.memory_space<vmem>> -> memref<32xi32, #tpu.memory_space<vmem>>
    %dma_start3A_315 = arith.constant 0 : i32
    %dma_start3A_316 = arith.constant 0 : i32
    %dma_start3A_317 = tpu.memref_slice %arg3[%dma_start3A_315, %dma_start3A_316] : memref<30522x768xf32, #tpu.memory_space<hbm>> -> memref<30522x768xf32, #tpu.memory_space<hbm>>
    tpu.enqueue_indirect_dma source(%dma_start3A_317 : memref<30522x768xf32, #tpu.memory_space<hbm>>) target(%arg6 : memref<32x768xf32, #tpu.memory_space<vmem>>) offsets(%dma_start3A_314 : memref<32xi32, #tpu.memory_space<vmem>>) semaphore(%arg10 : memref<!tpu.dma_semaphore, #tpu.memory_space<semaphore_mem>>)
    %add3A_318 = arith.constant 416 : i32
    %add3A_319 = arith.addi %mul3A_34, %add3A_318 : i32
    %dma_start3A_320 = arith.constant 0 : i32
    %dma_start3A_321 = tpu.memref_slice %arg4[%add3A_319, %dma_start3A_320] : memref<32768x768xf32, #tpu.memory_space<hbm>> -> memref<32x768xf32, #tpu.memory_space<hbm>>
    %dma_start3A_322 = arith.constant 0 : i32
    %dma_start3A_323 = tpu.memref_slice %arg4[%add3A_319, %dma_start3A_322] : memref<32768x768xf32, #tpu.memory_space<hbm>> -> memref<32x768xf32, #tpu.memory_space<hbm>>
    tpu.enqueue_dma source(%arg7 : memref<32x768xf32, #tpu.memory_space<vmem>>) target(%dma_start3A_323 : memref<32x768xf32, #tpu.memory_space<hbm>>) target_semaphore(%arg15 : memref<!tpu.dma_semaphore, #tpu.memory_space<semaphore_mem>>)
    %dma_wait3A_324 = arith.constant 448 : i32
    %dma_wait3A_325 = tpu.memref_slice %arg5[%dma_wait3A_324] : memref<1024xi32, #tpu.memory_space<vmem>> -> memref<32xi32, #tpu.memory_space<vmem>>
    %dma_wait3A_326 = arith.constant 0 : i32
    %dma_wait3A_327 = arith.constant 0 : i32
    %dma_wait3A_328 = tpu.memref_slice %arg3[%dma_wait3A_326, %dma_wait3A_327] : memref<30522x768xf32, #tpu.memory_space<hbm>> -> memref<30522x768xf32, #tpu.memory_space<hbm>>
    tpu.wait_indirect_dma semaphore(%arg12 : memref<!tpu.dma_semaphore, #tpu.memory_space<semaphore_mem>>) src(%dma_wait3A_328 : memref<30522x768xf32, #tpu.memory_space<hbm>>) dst(%arg8 : memref<32x768xf32, #tpu.memory_space<vmem>>)
    %dma_wait3A_329 = arith.constant 0 : i32
    %dma_wait3A_330 = tpu.memref_slice %arg4[%add3A_319, %dma_wait3A_329] : memref<32768x768xf32, #tpu.memory_space<hbm>> -> memref<32x768xf32, #tpu.memory_space<hbm>>
    %dma_wait3A_331 = arith.constant 0 : i32
    %dma_wait3A_332 = tpu.memref_slice %arg4[%add3A_319, %dma_wait3A_331] : memref<32768x768xf32, #tpu.memory_space<hbm>> -> memref<32x768xf32, #tpu.memory_space<hbm>>
    tpu.wait_dma2 semaphore(%arg15 : memref<!tpu.dma_semaphore, #tpu.memory_space<semaphore_mem>>) src(%arg7 : memref<32x768xf32, #tpu.memory_space<vmem>>) dst(%dma_wait3A_332 : memref<32x768xf32, #tpu.memory_space<hbm>>)
    %dma_start3A_333 = arith.constant 544 : i32
    %dma_start3A_334 = tpu.memref_slice %arg5[%dma_start3A_333] : memref<1024xi32, #tpu.memory_space<vmem>> -> memref<32xi32, #tpu.memory_space<vmem>>
    %dma_start3A_335 = arith.constant 0 : i32
    %dma_start3A_336 = arith.constant 0 : i32
    %dma_start3A_337 = tpu.memref_slice %arg3[%dma_start3A_335, %dma_start3A_336] : memref<30522x768xf32, #tpu.memory_space<hbm>> -> memref<30522x768xf32, #tpu.memory_space<hbm>>
    tpu.enqueue_indirect_dma source(%dma_start3A_337 : memref<30522x768xf32, #tpu.memory_space<hbm>>) target(%arg7 : memref<32x768xf32, #tpu.memory_space<vmem>>) offsets(%dma_start3A_334 : memref<32xi32, #tpu.memory_space<vmem>>) semaphore(%arg11 : memref<!tpu.dma_semaphore, #tpu.memory_space<semaphore_mem>>)
    %add3A_338 = arith.constant 448 : i32
    %add3A_339 = arith.addi %mul3A_34, %add3A_338 : i32
    %dma_start3A_340 = arith.constant 0 : i32
    %dma_start3A_341 = tpu.memref_slice %arg4[%add3A_339, %dma_start3A_340] : memref<32768x768xf32, #tpu.memory_space<hbm>> -> memref<32x768xf32, #tpu.memory_space<hbm>>
    %dma_start3A_342 = arith.constant 0 : i32
    %dma_start3A_343 = tpu.memref_slice %arg4[%add3A_339, %dma_start3A_342] : memref<32768x768xf32, #tpu.memory_space<hbm>> -> memref<32x768xf32, #tpu.memory_space<hbm>>
    tpu.enqueue_dma source(%arg8 : memref<32x768xf32, #tpu.memory_space<vmem>>) target(%dma_start3A_343 : memref<32x768xf32, #tpu.memory_space<hbm>>) target_semaphore(%arg16 : memref<!tpu.dma_semaphore, #tpu.memory_space<semaphore_mem>>)
    %dma_wait3A_344 = arith.constant 480 : i32
    %dma_wait3A_345 = tpu.memref_slice %arg5[%dma_wait3A_344] : memref<1024xi32, #tpu.memory_space<vmem>> -> memref<32xi32, #tpu.memory_space<vmem>>
    %dma_wait3A_346 = arith.constant 0 : i32
    %dma_wait3A_347 = arith.constant 0 : i32
    %dma_wait3A_348 = tpu.memref_slice %arg3[%dma_wait3A_346, %dma_wait3A_347] : memref<30522x768xf32, #tpu.memory_space<hbm>> -> memref<30522x768xf32, #tpu.memory_space<hbm>>
    tpu.wait_indirect_dma semaphore(%arg13 : memref<!tpu.dma_semaphore, #tpu.memory_space<semaphore_mem>>) src(%dma_wait3A_348 : memref<30522x768xf32, #tpu.memory_space<hbm>>) dst(%arg9 : memref<32x768xf32, #tpu.memory_space<vmem>>)
    %dma_wait3A_349 = arith.constant 0 : i32
    %dma_wait3A_350 = tpu.memref_slice %arg4[%add3A_339, %dma_wait3A_349] : memref<32768x768xf32, #tpu.memory_space<hbm>> -> memref<32x768xf32, #tpu.memory_space<hbm>>
    %dma_wait3A_351 = arith.constant 0 : i32
    %dma_wait3A_352 = tpu.memref_slice %arg4[%add3A_339, %dma_wait3A_351] : memref<32768x768xf32, #tpu.memory_space<hbm>> -> memref<32x768xf32, #tpu.memory_space<hbm>>
    tpu.wait_dma2 semaphore(%arg16 : memref<!tpu.dma_semaphore, #tpu.memory_space<semaphore_mem>>) src(%arg8 : memref<32x768xf32, #tpu.memory_space<vmem>>) dst(%dma_wait3A_352 : memref<32x768xf32, #tpu.memory_space<hbm>>)
    %dma_start3A_353 = arith.constant 576 : i32
    %dma_start3A_354 = tpu.memref_slice %arg5[%dma_start3A_353] : memref<1024xi32, #tpu.memory_space<vmem>> -> memref<32xi32, #tpu.memory_space<vmem>>
    %dma_start3A_355 = arith.constant 0 : i32
    %dma_start3A_356 = arith.constant 0 : i32
    %dma_start3A_357 = tpu.memref_slice %arg3[%dma_start3A_355, %dma_start3A_356] : memref<30522x768xf32, #tpu.memory_space<hbm>> -> memref<30522x768xf32, #tpu.memory_space<hbm>>
    tpu.enqueue_indirect_dma source(%dma_start3A_357 : memref<30522x768xf32, #tpu.memory_space<hbm>>) target(%arg8 : memref<32x768xf32, #tpu.memory_space<vmem>>) offsets(%dma_start3A_354 : memref<32xi32, #tpu.memory_space<vmem>>) semaphore(%arg12 : memref<!tpu.dma_semaphore, #tpu.memory_space<semaphore_mem>>)
    %add3A_358 = arith.constant 480 : i32
    %add3A_359 = arith.addi %mul3A_34, %add3A_358 : i32
    %dma_start3A_360 = arith.constant 0 : i32
    %dma_start3A_361 = tpu.memref_slice %arg4[%add3A_359, %dma_start3A_360] : memref<32768x768xf32, #tpu.memory_space<hbm>> -> memref<32x768xf32, #tpu.memory_space<hbm>>
    %dma_start3A_362 = arith.constant 0 : i32
    %dma_start3A_363 = tpu.memref_slice %arg4[%add3A_359, %dma_start3A_362] : memref<32768x768xf32, #tpu.memory_space<hbm>> -> memref<32x768xf32, #tpu.memory_space<hbm>>
    tpu.enqueue_dma source(%arg9 : memref<32x768xf32, #tpu.memory_space<vmem>>) target(%dma_start3A_363 : memref<32x768xf32, #tpu.memory_space<hbm>>) target_semaphore(%arg17 : memref<!tpu.dma_semaphore, #tpu.memory_space<semaphore_mem>>)
    %dma_wait3A_364 = arith.constant 512 : i32
    %dma_wait3A_365 = tpu.memref_slice %arg5[%dma_wait3A_364] : memref<1024xi32, #tpu.memory_space<vmem>> -> memref<32xi32, #tpu.memory_space<vmem>>
    %dma_wait3A_366 = arith.constant 0 : i32
    %dma_wait3A_367 = arith.constant 0 : i32
    %dma_wait3A_368 = tpu.memref_slice %arg3[%dma_wait3A_366, %dma_wait3A_367] : memref<30522x768xf32, #tpu.memory_space<hbm>> -> memref<30522x768xf32, #tpu.memory_space<hbm>>
    tpu.wait_indirect_dma semaphore(%arg10 : memref<!tpu.dma_semaphore, #tpu.memory_space<semaphore_mem>>) src(%dma_wait3A_368 : memref<30522x768xf32, #tpu.memory_space<hbm>>) dst(%arg6 : memref<32x768xf32, #tpu.memory_space<vmem>>)
    %dma_wait3A_369 = arith.constant 0 : i32
    %dma_wait3A_370 = tpu.memref_slice %arg4[%add3A_359, %dma_wait3A_369] : memref<32768x768xf32, #tpu.memory_space<hbm>> -> memref<32x768xf32, #tpu.memory_space<hbm>>
    %dma_wait3A_371 = arith.constant 0 : i32
    %dma_wait3A_372 = tpu.memref_slice %arg4[%add3A_359, %dma_wait3A_371] : memref<32768x768xf32, #tpu.memory_space<hbm>> -> memref<32x768xf32, #tpu.memory_space<hbm>>
    tpu.wait_dma2 semaphore(%arg17 : memref<!tpu.dma_semaphore, #tpu.memory_space<semaphore_mem>>) src(%arg9 : memref<32x768xf32, #tpu.memory_space<vmem>>) dst(%dma_wait3A_372 : memref<32x768xf32, #tpu.memory_space<hbm>>)
    %dma_start3A_373 = arith.constant 608 : i32
    %dma_start3A_374 = tpu.memref_slice %arg5[%dma_start3A_373] : memref<1024xi32, #tpu.memory_space<vmem>> -> memref<32xi32, #tpu.memory_space<vmem>>
    %dma_start3A_375 = arith.constant 0 : i32
    %dma_start3A_376 = arith.constant 0 : i32
    %dma_start3A_377 = tpu.memref_slice %arg3[%dma_start3A_375, %dma_start3A_376] : memref<30522x768xf32, #tpu.memory_space<hbm>> -> memref<30522x768xf32, #tpu.memory_space<hbm>>
    tpu.enqueue_indirect_dma source(%dma_start3A_377 : memref<30522x768xf32, #tpu.memory_space<hbm>>) target(%arg9 : memref<32x768xf32, #tpu.memory_space<vmem>>) offsets(%dma_start3A_374 : memref<32xi32, #tpu.memory_space<vmem>>) semaphore(%arg13 : memref<!tpu.dma_semaphore, #tpu.memory_space<semaphore_mem>>)
    %add3A_378 = arith.constant 512 : i32
    %add3A_379 = arith.addi %mul3A_34, %add3A_378 : i32
    %dma_start3A_380 = arith.constant 0 : i32
    %dma_start3A_381 = tpu.memref_slice %arg4[%add3A_379, %dma_start3A_380] : memref<32768x768xf32, #tpu.memory_space<hbm>> -> memref<32x768xf32, #tpu.memory_space<hbm>>
    %dma_start3A_382 = arith.constant 0 : i32
    %dma_start3A_383 = tpu.memref_slice %arg4[%add3A_379, %dma_start3A_382] : memref<32768x768xf32, #tpu.memory_space<hbm>> -> memref<32x768xf32, #tpu.memory_space<hbm>>
    tpu.enqueue_dma source(%arg6 : memref<32x768xf32, #tpu.memory_space<vmem>>) target(%dma_start3A_383 : memref<32x768xf32, #tpu.memory_space<hbm>>) target_semaphore(%arg14 : memref<!tpu.dma_semaphore, #tpu.memory_space<semaphore_mem>>)
    %dma_wait3A_384 = arith.constant 544 : i32
    %dma_wait3A_385 = tpu.memref_slice %arg5[%dma_wait3A_384] : memref<1024xi32, #tpu.memory_space<vmem>> -> memref<32xi32, #tpu.memory_space<vmem>>
    %dma_wait3A_386 = arith.constant 0 : i32
    %dma_wait3A_387 = arith.constant 0 : i32
    %dma_wait3A_388 = tpu.memref_slice %arg3[%dma_wait3A_386, %dma_wait3A_387] : memref<30522x768xf32, #tpu.memory_space<hbm>> -> memref<30522x768xf32, #tpu.memory_space<hbm>>
    tpu.wait_indirect_dma semaphore(%arg11 : memref<!tpu.dma_semaphore, #tpu.memory_space<semaphore_mem>>) src(%dma_wait3A_388 : memref<30522x768xf32, #tpu.memory_space<hbm>>) dst(%arg7 : memref<32x768xf32, #tpu.memory_space<vmem>>)
    %dma_wait3A_389 = arith.constant 0 : i32
    %dma_wait3A_390 = tpu.memref_slice %arg4[%add3A_379, %dma_wait3A_389] : memref<32768x768xf32, #tpu.memory_space<hbm>> -> memref<32x768xf32, #tpu.memory_space<hbm>>
    %dma_wait3A_391 = arith.constant 0 : i32
    %dma_wait3A_392 = tpu.memref_slice %arg4[%add3A_379, %dma_wait3A_391] : memref<32768x768xf32, #tpu.memory_space<hbm>> -> memref<32x768xf32, #tpu.memory_space<hbm>>
    tpu.wait_dma2 semaphore(%arg14 : memref<!tpu.dma_semaphore, #tpu.memory_space<semaphore_mem>>) src(%arg6 : memref<32x768xf32, #tpu.memory_space<vmem>>) dst(%dma_wait3A_392 : memref<32x768xf32, #tpu.memory_space<hbm>>)
    %dma_start3A_393 = arith.constant 640 : i32
    %dma_start3A_394 = tpu.memref_slice %arg5[%dma_start3A_393] : memref<1024xi32, #tpu.memory_space<vmem>> -> memref<32xi32, #tpu.memory_space<vmem>>
    %dma_start3A_395 = arith.constant 0 : i32
    %dma_start3A_396 = arith.constant 0 : i32
    %dma_start3A_397 = tpu.memref_slice %arg3[%dma_start3A_395, %dma_start3A_396] : memref<30522x768xf32, #tpu.memory_space<hbm>> -> memref<30522x768xf32, #tpu.memory_space<hbm>>
    tpu.enqueue_indirect_dma source(%dma_start3A_397 : memref<30522x768xf32, #tpu.memory_space<hbm>>) target(%arg6 : memref<32x768xf32, #tpu.memory_space<vmem>>) offsets(%dma_start3A_394 : memref<32xi32, #tpu.memory_space<vmem>>) semaphore(%arg10 : memref<!tpu.dma_semaphore, #tpu.memory_space<semaphore_mem>>)
    %add3A_398 = arith.constant 544 : i32
    %add3A_399 = arith.addi %mul3A_34, %add3A_398 : i32
    %dma_start3A_400 = arith.constant 0 : i32
    %dma_start3A_401 = tpu.memref_slice %arg4[%add3A_399, %dma_start3A_400] : memref<32768x768xf32, #tpu.memory_space<hbm>> -> memref<32x768xf32, #tpu.memory_space<hbm>>
    %dma_start3A_402 = arith.constant 0 : i32
    %dma_start3A_403 = tpu.memref_slice %arg4[%add3A_399, %dma_start3A_402] : memref<32768x768xf32, #tpu.memory_space<hbm>> -> memref<32x768xf32, #tpu.memory_space<hbm>>
    tpu.enqueue_dma source(%arg7 : memref<32x768xf32, #tpu.memory_space<vmem>>) target(%dma_start3A_403 : memref<32x768xf32, #tpu.memory_space<hbm>>) target_semaphore(%arg15 : memref<!tpu.dma_semaphore, #tpu.memory_space<semaphore_mem>>)
    %dma_wait3A_404 = arith.constant 576 : i32
    %dma_wait3A_405 = tpu.memref_slice %arg5[%dma_wait3A_404] : memref<1024xi32, #tpu.memory_space<vmem>> -> memref<32xi32, #tpu.memory_space<vmem>>
    %dma_wait3A_406 = arith.constant 0 : i32
    %dma_wait3A_407 = arith.constant 0 : i32
    %dma_wait3A_408 = tpu.memref_slice %arg3[%dma_wait3A_406, %dma_wait3A_407] : memref<30522x768xf32, #tpu.memory_space<hbm>> -> memref<30522x768xf32, #tpu.memory_space<hbm>>
    tpu.wait_indirect_dma semaphore(%arg12 : memref<!tpu.dma_semaphore, #tpu.memory_space<semaphore_mem>>) src(%dma_wait3A_408 : memref<30522x768xf32, #tpu.memory_space<hbm>>) dst(%arg8 : memref<32x768xf32, #tpu.memory_space<vmem>>)
    %dma_wait3A_409 = arith.constant 0 : i32
    %dma_wait3A_410 = tpu.memref_slice %arg4[%add3A_399, %dma_wait3A_409] : memref<32768x768xf32, #tpu.memory_space<hbm>> -> memref<32x768xf32, #tpu.memory_space<hbm>>
    %dma_wait3A_411 = arith.constant 0 : i32
    %dma_wait3A_412 = tpu.memref_slice %arg4[%add3A_399, %dma_wait3A_411] : memref<32768x768xf32, #tpu.memory_space<hbm>> -> memref<32x768xf32, #tpu.memory_space<hbm>>
    tpu.wait_dma2 semaphore(%arg15 : memref<!tpu.dma_semaphore, #tpu.memory_space<semaphore_mem>>) src(%arg7 : memref<32x768xf32, #tpu.memory_space<vmem>>) dst(%dma_wait3A_412 : memref<32x768xf32, #tpu.memory_space<hbm>>)
    %dma_start3A_413 = arith.constant 672 : i32
    %dma_start3A_414 = tpu.memref_slice %arg5[%dma_start3A_413] : memref<1024xi32, #tpu.memory_space<vmem>> -> memref<32xi32, #tpu.memory_space<vmem>>
    %dma_start3A_415 = arith.constant 0 : i32
    %dma_start3A_416 = arith.constant 0 : i32
    %dma_start3A_417 = tpu.memref_slice %arg3[%dma_start3A_415, %dma_start3A_416] : memref<30522x768xf32, #tpu.memory_space<hbm>> -> memref<30522x768xf32, #tpu.memory_space<hbm>>
    tpu.enqueue_indirect_dma source(%dma_start3A_417 : memref<30522x768xf32, #tpu.memory_space<hbm>>) target(%arg7 : memref<32x768xf32, #tpu.memory_space<vmem>>) offsets(%dma_start3A_414 : memref<32xi32, #tpu.memory_space<vmem>>) semaphore(%arg11 : memref<!tpu.dma_semaphore, #tpu.memory_space<semaphore_mem>>)
    %add3A_418 = arith.constant 576 : i32
    %add3A_419 = arith.addi %mul3A_34, %add3A_418 : i32
    %dma_start3A_420 = arith.constant 0 : i32
    %dma_start3A_421 = tpu.memref_slice %arg4[%add3A_419, %dma_start3A_420] : memref<32768x768xf32, #tpu.memory_space<hbm>> -> memref<32x768xf32, #tpu.memory_space<hbm>>
    %dma_start3A_422 = arith.constant 0 : i32
    %dma_start3A_423 = tpu.memref_slice %arg4[%add3A_419, %dma_start3A_422] : memref<32768x768xf32, #tpu.memory_space<hbm>> -> memref<32x768xf32, #tpu.memory_space<hbm>>
    tpu.enqueue_dma source(%arg8 : memref<32x768xf32, #tpu.memory_space<vmem>>) target(%dma_start3A_423 : memref<32x768xf32, #tpu.memory_space<hbm>>) target_semaphore(%arg16 : memref<!tpu.dma_semaphore, #tpu.memory_space<semaphore_mem>>)
    %dma_wait3A_424 = arith.constant 608 : i32
    %dma_wait3A_425 = tpu.memref_slice %arg5[%dma_wait3A_424] : memref<1024xi32, #tpu.memory_space<vmem>> -> memref<32xi32, #tpu.memory_space<vmem>>
    %dma_wait3A_426 = arith.constant 0 : i32
    %dma_wait3A_427 = arith.constant 0 : i32
    %dma_wait3A_428 = tpu.memref_slice %arg3[%dma_wait3A_426, %dma_wait3A_427] : memref<30522x768xf32, #tpu.memory_space<hbm>> -> memref<30522x768xf32, #tpu.memory_space<hbm>>
    tpu.wait_indirect_dma semaphore(%arg13 : memref<!tpu.dma_semaphore, #tpu.memory_space<semaphore_mem>>) src(%dma_wait3A_428 : memref<30522x768xf32, #tpu.memory_space<hbm>>) dst(%arg9 : memref<32x768xf32, #tpu.memory_space<vmem>>)
    %dma_wait3A_429 = arith.constant 0 : i32
    %dma_wait3A_430 = tpu.memref_slice %arg4[%add3A_419, %dma_wait3A_429] : memref<32768x768xf32, #tpu.memory_space<hbm>> -> memref<32x768xf32, #tpu.memory_space<hbm>>
    %dma_wait3A_431 = arith.constant 0 : i32
    %dma_wait3A_432 = tpu.memref_slice %arg4[%add3A_419, %dma_wait3A_431] : memref<32768x768xf32, #tpu.memory_space<hbm>> -> memref<32x768xf32, #tpu.memory_space<hbm>>
    tpu.wait_dma2 semaphore(%arg16 : memref<!tpu.dma_semaphore, #tpu.memory_space<semaphore_mem>>) src(%arg8 : memref<32x768xf32, #tpu.memory_space<vmem>>) dst(%dma_wait3A_432 : memref<32x768xf32, #tpu.memory_space<hbm>>)
    %dma_start3A_433 = arith.constant 704 : i32
    %dma_start3A_434 = tpu.memref_slice %arg5[%dma_start3A_433] : memref<1024xi32, #tpu.memory_space<vmem>> -> memref<32xi32, #tpu.memory_space<vmem>>
    %dma_start3A_435 = arith.constant 0 : i32
    %dma_start3A_436 = arith.constant 0 : i32
    %dma_start3A_437 = tpu.memref_slice %arg3[%dma_start3A_435, %dma_start3A_436] : memref<30522x768xf32, #tpu.memory_space<hbm>> -> memref<30522x768xf32, #tpu.memory_space<hbm>>
    tpu.enqueue_indirect_dma source(%dma_start3A_437 : memref<30522x768xf32, #tpu.memory_space<hbm>>) target(%arg8 : memref<32x768xf32, #tpu.memory_space<vmem>>) offsets(%dma_start3A_434 : memref<32xi32, #tpu.memory_space<vmem>>) semaphore(%arg12 : memref<!tpu.dma_semaphore, #tpu.memory_space<semaphore_mem>>)
    %add3A_438 = arith.constant 608 : i32
    %add3A_439 = arith.addi %mul3A_34, %add3A_438 : i32
    %dma_start3A_440 = arith.constant 0 : i32
    %dma_start3A_441 = tpu.memref_slice %arg4[%add3A_439, %dma_start3A_440] : memref<32768x768xf32, #tpu.memory_space<hbm>> -> memref<32x768xf32, #tpu.memory_space<hbm>>
    %dma_start3A_442 = arith.constant 0 : i32
    %dma_start3A_443 = tpu.memref_slice %arg4[%add3A_439, %dma_start3A_442] : memref<32768x768xf32, #tpu.memory_space<hbm>> -> memref<32x768xf32, #tpu.memory_space<hbm>>
    tpu.enqueue_dma source(%arg9 : memref<32x768xf32, #tpu.memory_space<vmem>>) target(%dma_start3A_443 : memref<32x768xf32, #tpu.memory_space<hbm>>) target_semaphore(%arg17 : memref<!tpu.dma_semaphore, #tpu.memory_space<semaphore_mem>>)
    %dma_wait3A_444 = arith.constant 640 : i32
    %dma_wait3A_445 = tpu.memref_slice %arg5[%dma_wait3A_444] : memref<1024xi32, #tpu.memory_space<vmem>> -> memref<32xi32, #tpu.memory_space<vmem>>
    %dma_wait3A_446 = arith.constant 0 : i32
    %dma_wait3A_447 = arith.constant 0 : i32
    %dma_wait3A_448 = tpu.memref_slice %arg3[%dma_wait3A_446, %dma_wait3A_447] : memref<30522x768xf32, #tpu.memory_space<hbm>> -> memref<30522x768xf32, #tpu.memory_space<hbm>>
    tpu.wait_indirect_dma semaphore(%arg10 : memref<!tpu.dma_semaphore, #tpu.memory_space<semaphore_mem>>) src(%dma_wait3A_448 : memref<30522x768xf32, #tpu.memory_space<hbm>>) dst(%arg6 : memref<32x768xf32, #tpu.memory_space<vmem>>)
    %dma_wait3A_449 = arith.constant 0 : i32
    %dma_wait3A_450 = tpu.memref_slice %arg4[%add3A_439, %dma_wait3A_449] : memref<32768x768xf32, #tpu.memory_space<hbm>> -> memref<32x768xf32, #tpu.memory_space<hbm>>
    %dma_wait3A_451 = arith.constant 0 : i32
    %dma_wait3A_452 = tpu.memref_slice %arg4[%add3A_439, %dma_wait3A_451] : memref<32768x768xf32, #tpu.memory_space<hbm>> -> memref<32x768xf32, #tpu.memory_space<hbm>>
    tpu.wait_dma2 semaphore(%arg17 : memref<!tpu.dma_semaphore, #tpu.memory_space<semaphore_mem>>) src(%arg9 : memref<32x768xf32, #tpu.memory_space<vmem>>) dst(%dma_wait3A_452 : memref<32x768xf32, #tpu.memory_space<hbm>>)
    %dma_start3A_453 = arith.constant 736 : i32
    %dma_start3A_454 = tpu.memref_slice %arg5[%dma_start3A_453] : memref<1024xi32, #tpu.memory_space<vmem>> -> memref<32xi32, #tpu.memory_space<vmem>>
    %dma_start3A_455 = arith.constant 0 : i32
    %dma_start3A_456 = arith.constant 0 : i32
    %dma_start3A_457 = tpu.memref_slice %arg3[%dma_start3A_455, %dma_start3A_456] : memref<30522x768xf32, #tpu.memory_space<hbm>> -> memref<30522x768xf32, #tpu.memory_space<hbm>>
    tpu.enqueue_indirect_dma source(%dma_start3A_457 : memref<30522x768xf32, #tpu.memory_space<hbm>>) target(%arg9 : memref<32x768xf32, #tpu.memory_space<vmem>>) offsets(%dma_start3A_454 : memref<32xi32, #tpu.memory_space<vmem>>) semaphore(%arg13 : memref<!tpu.dma_semaphore, #tpu.memory_space<semaphore_mem>>)
    %add3A_458 = arith.constant 640 : i32
    %add3A_459 = arith.addi %mul3A_34, %add3A_458 : i32
    %dma_start3A_460 = arith.constant 0 : i32
    %dma_start3A_461 = tpu.memref_slice %arg4[%add3A_459, %dma_start3A_460] : memref<32768x768xf32, #tpu.memory_space<hbm>> -> memref<32x768xf32, #tpu.memory_space<hbm>>
    %dma_start3A_462 = arith.constant 0 : i32
    %dma_start3A_463 = tpu.memref_slice %arg4[%add3A_459, %dma_start3A_462] : memref<32768x768xf32, #tpu.memory_space<hbm>> -> memref<32x768xf32, #tpu.memory_space<hbm>>
    tpu.enqueue_dma source(%arg6 : memref<32x768xf32, #tpu.memory_space<vmem>>) target(%dma_start3A_463 : memref<32x768xf32, #tpu.memory_space<hbm>>) target_semaphore(%arg14 : memref<!tpu.dma_semaphore, #tpu.memory_space<semaphore_mem>>)
    %dma_wait3A_464 = arith.constant 672 : i32
    %dma_wait3A_465 = tpu.memref_slice %arg5[%dma_wait3A_464] : memref<1024xi32, #tpu.memory_space<vmem>> -> memref<32xi32, #tpu.memory_space<vmem>>
    %dma_wait3A_466 = arith.constant 0 : i32
    %dma_wait3A_467 = arith.constant 0 : i32
    %dma_wait3A_468 = tpu.memref_slice %arg3[%dma_wait3A_466, %dma_wait3A_467] : memref<30522x768xf32, #tpu.memory_space<hbm>> -> memref<30522x768xf32, #tpu.memory_space<hbm>>
    tpu.wait_indirect_dma semaphore(%arg11 : memref<!tpu.dma_semaphore, #tpu.memory_space<semaphore_mem>>) src(%dma_wait3A_468 : memref<30522x768xf32, #tpu.memory_space<hbm>>) dst(%arg7 : memref<32x768xf32, #tpu.memory_space<vmem>>)
    %dma_wait3A_469 = arith.constant 0 : i32
    %dma_wait3A_470 = tpu.memref_slice %arg4[%add3A_459, %dma_wait3A_469] : memref<32768x768xf32, #tpu.memory_space<hbm>> -> memref<32x768xf32, #tpu.memory_space<hbm>>
    %dma_wait3A_471 = arith.constant 0 : i32
    %dma_wait3A_472 = tpu.memref_slice %arg4[%add3A_459, %dma_wait3A_471] : memref<32768x768xf32, #tpu.memory_space<hbm>> -> memref<32x768xf32, #tpu.memory_space<hbm>>
    tpu.wait_dma2 semaphore(%arg14 : memref<!tpu.dma_semaphore, #tpu.memory_space<semaphore_mem>>) src(%arg6 : memref<32x768xf32, #tpu.memory_space<vmem>>) dst(%dma_wait3A_472 : memref<32x768xf32, #tpu.memory_space<hbm>>)
    %dma_start3A_473 = arith.constant 768 : i32
    %dma_start3A_474 = tpu.memref_slice %arg5[%dma_start3A_473] : memref<1024xi32, #tpu.memory_space<vmem>> -> memref<32xi32, #tpu.memory_space<vmem>>
    %dma_start3A_475 = arith.constant 0 : i32
    %dma_start3A_476 = arith.constant 0 : i32
    %dma_start3A_477 = tpu.memref_slice %arg3[%dma_start3A_475, %dma_start3A_476] : memref<30522x768xf32, #tpu.memory_space<hbm>> -> memref<30522x768xf32, #tpu.memory_space<hbm>>
    tpu.enqueue_indirect_dma source(%dma_start3A_477 : memref<30522x768xf32, #tpu.memory_space<hbm>>) target(%arg6 : memref<32x768xf32, #tpu.memory_space<vmem>>) offsets(%dma_start3A_474 : memref<32xi32, #tpu.memory_space<vmem>>) semaphore(%arg10 : memref<!tpu.dma_semaphore, #tpu.memory_space<semaphore_mem>>)
    %add3A_478 = arith.constant 672 : i32
    %add3A_479 = arith.addi %mul3A_34, %add3A_478 : i32
    %dma_start3A_480 = arith.constant 0 : i32
    %dma_start3A_481 = tpu.memref_slice %arg4[%add3A_479, %dma_start3A_480] : memref<32768x768xf32, #tpu.memory_space<hbm>> -> memref<32x768xf32, #tpu.memory_space<hbm>>
    %dma_start3A_482 = arith.constant 0 : i32
    %dma_start3A_483 = tpu.memref_slice %arg4[%add3A_479, %dma_start3A_482] : memref<32768x768xf32, #tpu.memory_space<hbm>> -> memref<32x768xf32, #tpu.memory_space<hbm>>
    tpu.enqueue_dma source(%arg7 : memref<32x768xf32, #tpu.memory_space<vmem>>) target(%dma_start3A_483 : memref<32x768xf32, #tpu.memory_space<hbm>>) target_semaphore(%arg15 : memref<!tpu.dma_semaphore, #tpu.memory_space<semaphore_mem>>)
    %dma_wait3A_484 = arith.constant 704 : i32
    %dma_wait3A_485 = tpu.memref_slice %arg5[%dma_wait3A_484] : memref<1024xi32, #tpu.memory_space<vmem>> -> memref<32xi32, #tpu.memory_space<vmem>>
    %dma_wait3A_486 = arith.constant 0 : i32
    %dma_wait3A_487 = arith.constant 0 : i32
    %dma_wait3A_488 = tpu.memref_slice %arg3[%dma_wait3A_486, %dma_wait3A_487] : memref<30522x768xf32, #tpu.memory_space<hbm>> -> memref<30522x768xf32, #tpu.memory_space<hbm>>
    tpu.wait_indirect_dma semaphore(%arg12 : memref<!tpu.dma_semaphore, #tpu.memory_space<semaphore_mem>>) src(%dma_wait3A_488 : memref<30522x768xf32, #tpu.memory_space<hbm>>) dst(%arg8 : memref<32x768xf32, #tpu.memory_space<vmem>>)
    %dma_wait3A_489 = arith.constant 0 : i32
    %dma_wait3A_490 = tpu.memref_slice %arg4[%add3A_479, %dma_wait3A_489] : memref<32768x768xf32, #tpu.memory_space<hbm>> -> memref<32x768xf32, #tpu.memory_space<hbm>>
    %dma_wait3A_491 = arith.constant 0 : i32
    %dma_wait3A_492 = tpu.memref_slice %arg4[%add3A_479, %dma_wait3A_491] : memref<32768x768xf32, #tpu.memory_space<hbm>> -> memref<32x768xf32, #tpu.memory_space<hbm>>
    tpu.wait_dma2 semaphore(%arg15 : memref<!tpu.dma_semaphore, #tpu.memory_space<semaphore_mem>>) src(%arg7 : memref<32x768xf32, #tpu.memory_space<vmem>>) dst(%dma_wait3A_492 : memref<32x768xf32, #tpu.memory_space<hbm>>)
    %dma_start3A_493 = arith.constant 800 : i32
    %dma_start3A_494 = tpu.memref_slice %arg5[%dma_start3A_493] : memref<1024xi32, #tpu.memory_space<vmem>> -> memref<32xi32, #tpu.memory_space<vmem>>
    %dma_start3A_495 = arith.constant 0 : i32
    %dma_start3A_496 = arith.constant 0 : i32
    %dma_start3A_497 = tpu.memref_slice %arg3[%dma_start3A_495, %dma_start3A_496] : memref<30522x768xf32, #tpu.memory_space<hbm>> -> memref<30522x768xf32, #tpu.memory_space<hbm>>
    tpu.enqueue_indirect_dma source(%dma_start3A_497 : memref<30522x768xf32, #tpu.memory_space<hbm>>) target(%arg7 : memref<32x768xf32, #tpu.memory_space<vmem>>) offsets(%dma_start3A_494 : memref<32xi32, #tpu.memory_space<vmem>>) semaphore(%arg11 : memref<!tpu.dma_semaphore, #tpu.memory_space<semaphore_mem>>)
    %add3A_498 = arith.constant 704 : i32
    %add3A_499 = arith.addi %mul3A_34, %add3A_498 : i32
    %dma_start3A_500 = arith.constant 0 : i32
    %dma_start3A_501 = tpu.memref_slice %arg4[%add3A_499, %dma_start3A_500] : memref<32768x768xf32, #tpu.memory_space<hbm>> -> memref<32x768xf32, #tpu.memory_space<hbm>>
    %dma_start3A_502 = arith.constant 0 : i32
    %dma_start3A_503 = tpu.memref_slice %arg4[%add3A_499, %dma_start3A_502] : memref<32768x768xf32, #tpu.memory_space<hbm>> -> memref<32x768xf32, #tpu.memory_space<hbm>>
    tpu.enqueue_dma source(%arg8 : memref<32x768xf32, #tpu.memory_space<vmem>>) target(%dma_start3A_503 : memref<32x768xf32, #tpu.memory_space<hbm>>) target_semaphore(%arg16 : memref<!tpu.dma_semaphore, #tpu.memory_space<semaphore_mem>>)
    %dma_wait3A_504 = arith.constant 736 : i32
    %dma_wait3A_505 = tpu.memref_slice %arg5[%dma_wait3A_504] : memref<1024xi32, #tpu.memory_space<vmem>> -> memref<32xi32, #tpu.memory_space<vmem>>
    %dma_wait3A_506 = arith.constant 0 : i32
    %dma_wait3A_507 = arith.constant 0 : i32
    %dma_wait3A_508 = tpu.memref_slice %arg3[%dma_wait3A_506, %dma_wait3A_507] : memref<30522x768xf32, #tpu.memory_space<hbm>> -> memref<30522x768xf32, #tpu.memory_space<hbm>>
    tpu.wait_indirect_dma semaphore(%arg13 : memref<!tpu.dma_semaphore, #tpu.memory_space<semaphore_mem>>) src(%dma_wait3A_508 : memref<30522x768xf32, #tpu.memory_space<hbm>>) dst(%arg9 : memref<32x768xf32, #tpu.memory_space<vmem>>)
    %dma_wait3A_509 = arith.constant 0 : i32
    %dma_wait3A_510 = tpu.memref_slice %arg4[%add3A_499, %dma_wait3A_509] : memref<32768x768xf32, #tpu.memory_space<hbm>> -> memref<32x768xf32, #tpu.memory_space<hbm>>
    %dma_wait3A_511 = arith.constant 0 : i32
    %dma_wait3A_512 = tpu.memref_slice %arg4[%add3A_499, %dma_wait3A_511] : memref<32768x768xf32, #tpu.memory_space<hbm>> -> memref<32x768xf32, #tpu.memory_space<hbm>>
    tpu.wait_dma2 semaphore(%arg16 : memref<!tpu.dma_semaphore, #tpu.memory_space<semaphore_mem>>) src(%arg8 : memref<32x768xf32, #tpu.memory_space<vmem>>) dst(%dma_wait3A_512 : memref<32x768xf32, #tpu.memory_space<hbm>>)
    %dma_start3A_513 = arith.constant 832 : i32
    %dma_start3A_514 = tpu.memref_slice %arg5[%dma_start3A_513] : memref<1024xi32, #tpu.memory_space<vmem>> -> memref<32xi32, #tpu.memory_space<vmem>>
    %dma_start3A_515 = arith.constant 0 : i32
    %dma_start3A_516 = arith.constant 0 : i32
    %dma_start3A_517 = tpu.memref_slice %arg3[%dma_start3A_515, %dma_start3A_516] : memref<30522x768xf32, #tpu.memory_space<hbm>> -> memref<30522x768xf32, #tpu.memory_space<hbm>>
    tpu.enqueue_indirect_dma source(%dma_start3A_517 : memref<30522x768xf32, #tpu.memory_space<hbm>>) target(%arg8 : memref<32x768xf32, #tpu.memory_space<vmem>>) offsets(%dma_start3A_514 : memref<32xi32, #tpu.memory_space<vmem>>) semaphore(%arg12 : memref<!tpu.dma_semaphore, #tpu.memory_space<semaphore_mem>>)
    %add3A_518 = arith.constant 736 : i32
    %add3A_519 = arith.addi %mul3A_34, %add3A_518 : i32
    %dma_start3A_520 = arith.constant 0 : i32
    %dma_start3A_521 = tpu.memref_slice %arg4[%add3A_519, %dma_start3A_520] : memref<32768x768xf32, #tpu.memory_space<hbm>> -> memref<32x768xf32, #tpu.memory_space<hbm>>
    %dma_start3A_522 = arith.constant 0 : i32
    %dma_start3A_523 = tpu.memref_slice %arg4[%add3A_519, %dma_start3A_522] : memref<32768x768xf32, #tpu.memory_space<hbm>> -> memref<32x768xf32, #tpu.memory_space<hbm>>
    tpu.enqueue_dma source(%arg9 : memref<32x768xf32, #tpu.memory_space<vmem>>) target(%dma_start3A_523 : memref<32x768xf32, #tpu.memory_space<hbm>>) target_semaphore(%arg17 : memref<!tpu.dma_semaphore, #tpu.memory_space<semaphore_mem>>)
    %dma_wait3A_524 = arith.constant 768 : i32
    %dma_wait3A_525 = tpu.memref_slice %arg5[%dma_wait3A_524] : memref<1024xi32, #tpu.memory_space<vmem>> -> memref<32xi32, #tpu.memory_space<vmem>>
    %dma_wait3A_526 = arith.constant 0 : i32
    %dma_wait3A_527 = arith.constant 0 : i32
    %dma_wait3A_528 = tpu.memref_slice %arg3[%dma_wait3A_526, %dma_wait3A_527] : memref<30522x768xf32, #tpu.memory_space<hbm>> -> memref<30522x768xf32, #tpu.memory_space<hbm>>
    tpu.wait_indirect_dma semaphore(%arg10 : memref<!tpu.dma_semaphore, #tpu.memory_space<semaphore_mem>>) src(%dma_wait3A_528 : memref<30522x768xf32, #tpu.memory_space<hbm>>) dst(%arg6 : memref<32x768xf32, #tpu.memory_space<vmem>>)
    %dma_wait3A_529 = arith.constant 0 : i32
    %dma_wait3A_530 = tpu.memref_slice %arg4[%add3A_519, %dma_wait3A_529] : memref<32768x768xf32, #tpu.memory_space<hbm>> -> memref<32x768xf32, #tpu.memory_space<hbm>>
    %dma_wait3A_531 = arith.constant 0 : i32
    %dma_wait3A_532 = tpu.memref_slice %arg4[%add3A_519, %dma_wait3A_531] : memref<32768x768xf32, #tpu.memory_space<hbm>> -> memref<32x768xf32, #tpu.memory_space<hbm>>
    tpu.wait_dma2 semaphore(%arg17 : memref<!tpu.dma_semaphore, #tpu.memory_space<semaphore_mem>>) src(%arg9 : memref<32x768xf32, #tpu.memory_space<vmem>>) dst(%dma_wait3A_532 : memref<32x768xf32, #tpu.memory_space<hbm>>)
    %dma_start3A_533 = arith.constant 864 : i32
    %dma_start3A_534 = tpu.memref_slice %arg5[%dma_start3A_533] : memref<1024xi32, #tpu.memory_space<vmem>> -> memref<32xi32, #tpu.memory_space<vmem>>
    %dma_start3A_535 = arith.constant 0 : i32
    %dma_start3A_536 = arith.constant 0 : i32
    %dma_start3A_537 = tpu.memref_slice %arg3[%dma_start3A_535, %dma_start3A_536] : memref<30522x768xf32, #tpu.memory_space<hbm>> -> memref<30522x768xf32, #tpu.memory_space<hbm>>
    tpu.enqueue_indirect_dma source(%dma_start3A_537 : memref<30522x768xf32, #tpu.memory_space<hbm>>) target(%arg9 : memref<32x768xf32, #tpu.memory_space<vmem>>) offsets(%dma_start3A_534 : memref<32xi32, #tpu.memory_space<vmem>>) semaphore(%arg13 : memref<!tpu.dma_semaphore, #tpu.memory_space<semaphore_mem>>)
    %add3A_538 = arith.constant 768 : i32
    %add3A_539 = arith.addi %mul3A_34, %add3A_538 : i32
    %dma_start3A_540 = arith.constant 0 : i32
    %dma_start3A_541 = tpu.memref_slice %arg4[%add3A_539, %dma_start3A_540] : memref<32768x768xf32, #tpu.memory_space<hbm>> -> memref<32x768xf32, #tpu.memory_space<hbm>>
    %dma_start3A_542 = arith.constant 0 : i32
    %dma_start3A_543 = tpu.memref_slice %arg4[%add3A_539, %dma_start3A_542] : memref<32768x768xf32, #tpu.memory_space<hbm>> -> memref<32x768xf32, #tpu.memory_space<hbm>>
    tpu.enqueue_dma source(%arg6 : memref<32x768xf32, #tpu.memory_space<vmem>>) target(%dma_start3A_543 : memref<32x768xf32, #tpu.memory_space<hbm>>) target_semaphore(%arg14 : memref<!tpu.dma_semaphore, #tpu.memory_space<semaphore_mem>>)
    %dma_wait3A_544 = arith.constant 800 : i32
    %dma_wait3A_545 = tpu.memref_slice %arg5[%dma_wait3A_544] : memref<1024xi32, #tpu.memory_space<vmem>> -> memref<32xi32, #tpu.memory_space<vmem>>
    %dma_wait3A_546 = arith.constant 0 : i32
    %dma_wait3A_547 = arith.constant 0 : i32
    %dma_wait3A_548 = tpu.memref_slice %arg3[%dma_wait3A_546, %dma_wait3A_547] : memref<30522x768xf32, #tpu.memory_space<hbm>> -> memref<30522x768xf32, #tpu.memory_space<hbm>>
    tpu.wait_indirect_dma semaphore(%arg11 : memref<!tpu.dma_semaphore, #tpu.memory_space<semaphore_mem>>) src(%dma_wait3A_548 : memref<30522x768xf32, #tpu.memory_space<hbm>>) dst(%arg7 : memref<32x768xf32, #tpu.memory_space<vmem>>)
    %dma_wait3A_549 = arith.constant 0 : i32
    %dma_wait3A_550 = tpu.memref_slice %arg4[%add3A_539, %dma_wait3A_549] : memref<32768x768xf32, #tpu.memory_space<hbm>> -> memref<32x768xf32, #tpu.memory_space<hbm>>
    %dma_wait3A_551 = arith.constant 0 : i32
    %dma_wait3A_552 = tpu.memref_slice %arg4[%add3A_539, %dma_wait3A_551] : memref<32768x768xf32, #tpu.memory_space<hbm>> -> memref<32x768xf32, #tpu.memory_space<hbm>>
    tpu.wait_dma2 semaphore(%arg14 : memref<!tpu.dma_semaphore, #tpu.memory_space<semaphore_mem>>) src(%arg6 : memref<32x768xf32, #tpu.memory_space<vmem>>) dst(%dma_wait3A_552 : memref<32x768xf32, #tpu.memory_space<hbm>>)
    %dma_start3A_553 = arith.constant 896 : i32
    %dma_start3A_554 = tpu.memref_slice %arg5[%dma_start3A_553] : memref<1024xi32, #tpu.memory_space<vmem>> -> memref<32xi32, #tpu.memory_space<vmem>>
    %dma_start3A_555 = arith.constant 0 : i32
    %dma_start3A_556 = arith.constant 0 : i32
    %dma_start3A_557 = tpu.memref_slice %arg3[%dma_start3A_555, %dma_start3A_556] : memref<30522x768xf32, #tpu.memory_space<hbm>> -> memref<30522x768xf32, #tpu.memory_space<hbm>>
    tpu.enqueue_indirect_dma source(%dma_start3A_557 : memref<30522x768xf32, #tpu.memory_space<hbm>>) target(%arg6 : memref<32x768xf32, #tpu.memory_space<vmem>>) offsets(%dma_start3A_554 : memref<32xi32, #tpu.memory_space<vmem>>) semaphore(%arg10 : memref<!tpu.dma_semaphore, #tpu.memory_space<semaphore_mem>>)
    %add3A_558 = arith.constant 800 : i32
    %add3A_559 = arith.addi %mul3A_34, %add3A_558 : i32
    %dma_start3A_560 = arith.constant 0 : i32
    %dma_start3A_561 = tpu.memref_slice %arg4[%add3A_559, %dma_start3A_560] : memref<32768x768xf32, #tpu.memory_space<hbm>> -> memref<32x768xf32, #tpu.memory_space<hbm>>
    %dma_start3A_562 = arith.constant 0 : i32
    %dma_start3A_563 = tpu.memref_slice %arg4[%add3A_559, %dma_start3A_562] : memref<32768x768xf32, #tpu.memory_space<hbm>> -> memref<32x768xf32, #tpu.memory_space<hbm>>
    tpu.enqueue_dma source(%arg7 : memref<32x768xf32, #tpu.memory_space<vmem>>) target(%dma_start3A_563 : memref<32x768xf32, #tpu.memory_space<hbm>>) target_semaphore(%arg15 : memref<!tpu.dma_semaphore, #tpu.memory_space<semaphore_mem>>)
    %dma_wait3A_564 = arith.constant 832 : i32
    %dma_wait3A_565 = tpu.memref_slice %arg5[%dma_wait3A_564] : memref<1024xi32, #tpu.memory_space<vmem>> -> memref<32xi32, #tpu.memory_space<vmem>>
    %dma_wait3A_566 = arith.constant 0 : i32
    %dma_wait3A_567 = arith.constant 0 : i32
    %dma_wait3A_568 = tpu.memref_slice %arg3[%dma_wait3A_566, %dma_wait3A_567] : memref<30522x768xf32, #tpu.memory_space<hbm>> -> memref<30522x768xf32, #tpu.memory_space<hbm>>
    tpu.wait_indirect_dma semaphore(%arg12 : memref<!tpu.dma_semaphore, #tpu.memory_space<semaphore_mem>>) src(%dma_wait3A_568 : memref<30522x768xf32, #tpu.memory_space<hbm>>) dst(%arg8 : memref<32x768xf32, #tpu.memory_space<vmem>>)
    %dma_wait3A_569 = arith.constant 0 : i32
    %dma_wait3A_570 = tpu.memref_slice %arg4[%add3A_559, %dma_wait3A_569] : memref<32768x768xf32, #tpu.memory_space<hbm>> -> memref<32x768xf32, #tpu.memory_space<hbm>>
    %dma_wait3A_571 = arith.constant 0 : i32
    %dma_wait3A_572 = tpu.memref_slice %arg4[%add3A_559, %dma_wait3A_571] : memref<32768x768xf32, #tpu.memory_space<hbm>> -> memref<32x768xf32, #tpu.memory_space<hbm>>
    tpu.wait_dma2 semaphore(%arg15 : memref<!tpu.dma_semaphore, #tpu.memory_space<semaphore_mem>>) src(%arg7 : memref<32x768xf32, #tpu.memory_space<vmem>>) dst(%dma_wait3A_572 : memref<32x768xf32, #tpu.memory_space<hbm>>)
    %dma_start3A_573 = arith.constant 928 : i32
    %dma_start3A_574 = tpu.memref_slice %arg5[%dma_start3A_573] : memref<1024xi32, #tpu.memory_space<vmem>> -> memref<32xi32, #tpu.memory_space<vmem>>
    %dma_start3A_575 = arith.constant 0 : i32
    %dma_start3A_576 = arith.constant 0 : i32
    %dma_start3A_577 = tpu.memref_slice %arg3[%dma_start3A_575, %dma_start3A_576] : memref<30522x768xf32, #tpu.memory_space<hbm>> -> memref<30522x768xf32, #tpu.memory_space<hbm>>
    tpu.enqueue_indirect_dma source(%dma_start3A_577 : memref<30522x768xf32, #tpu.memory_space<hbm>>) target(%arg7 : memref<32x768xf32, #tpu.memory_space<vmem>>) offsets(%dma_start3A_574 : memref<32xi32, #tpu.memory_space<vmem>>) semaphore(%arg11 : memref<!tpu.dma_semaphore, #tpu.memory_space<semaphore_mem>>)
    %add3A_578 = arith.constant 832 : i32
    %add3A_579 = arith.addi %mul3A_34, %add3A_578 : i32
    %dma_start3A_580 = arith.constant 0 : i32
    %dma_start3A_581 = tpu.memref_slice %arg4[%add3A_579, %dma_start3A_580] : memref<32768x768xf32, #tpu.memory_space<hbm>> -> memref<32x768xf32, #tpu.memory_space<hbm>>
    %dma_start3A_582 = arith.constant 0 : i32
    %dma_start3A_583 = tpu.memref_slice %arg4[%add3A_579, %dma_start3A_582] : memref<32768x768xf32, #tpu.memory_space<hbm>> -> memref<32x768xf32, #tpu.memory_space<hbm>>
    tpu.enqueue_dma source(%arg8 : memref<32x768xf32, #tpu.memory_space<vmem>>) target(%dma_start3A_583 : memref<32x768xf32, #tpu.memory_space<hbm>>) target_semaphore(%arg16 : memref<!tpu.dma_semaphore, #tpu.memory_space<semaphore_mem>>)
    %dma_wait3A_584 = arith.constant 864 : i32
    %dma_wait3A_585 = tpu.memref_slice %arg5[%dma_wait3A_584] : memref<1024xi32, #tpu.memory_space<vmem>> -> memref<32xi32, #tpu.memory_space<vmem>>
    %dma_wait3A_586 = arith.constant 0 : i32
    %dma_wait3A_587 = arith.constant 0 : i32
    %dma_wait3A_588 = tpu.memref_slice %arg3[%dma_wait3A_586, %dma_wait3A_587] : memref<30522x768xf32, #tpu.memory_space<hbm>> -> memref<30522x768xf32, #tpu.memory_space<hbm>>
    tpu.wait_indirect_dma semaphore(%arg13 : memref<!tpu.dma_semaphore, #tpu.memory_space<semaphore_mem>>) src(%dma_wait3A_588 : memref<30522x768xf32, #tpu.memory_space<hbm>>) dst(%arg9 : memref<32x768xf32, #tpu.memory_space<vmem>>)
    %dma_wait3A_589 = arith.constant 0 : i32
    %dma_wait3A_590 = tpu.memref_slice %arg4[%add3A_579, %dma_wait3A_589] : memref<32768x768xf32, #tpu.memory_space<hbm>> -> memref<32x768xf32, #tpu.memory_space<hbm>>
    %dma_wait3A_591 = arith.constant 0 : i32
    %dma_wait3A_592 = tpu.memref_slice %arg4[%add3A_579, %dma_wait3A_591] : memref<32768x768xf32, #tpu.memory_space<hbm>> -> memref<32x768xf32, #tpu.memory_space<hbm>>
    tpu.wait_dma2 semaphore(%arg16 : memref<!tpu.dma_semaphore, #tpu.memory_space<semaphore_mem>>) src(%arg8 : memref<32x768xf32, #tpu.memory_space<vmem>>) dst(%dma_wait3A_592 : memref<32x768xf32, #tpu.memory_space<hbm>>)
    %dma_start3A_593 = arith.constant 960 : i32
    %dma_start3A_594 = tpu.memref_slice %arg5[%dma_start3A_593] : memref<1024xi32, #tpu.memory_space<vmem>> -> memref<32xi32, #tpu.memory_space<vmem>>
    %dma_start3A_595 = arith.constant 0 : i32
    %dma_start3A_596 = arith.constant 0 : i32
    %dma_start3A_597 = tpu.memref_slice %arg3[%dma_start3A_595, %dma_start3A_596] : memref<30522x768xf32, #tpu.memory_space<hbm>> -> memref<30522x768xf32, #tpu.memory_space<hbm>>
    tpu.enqueue_indirect_dma source(%dma_start3A_597 : memref<30522x768xf32, #tpu.memory_space<hbm>>) target(%arg8 : memref<32x768xf32, #tpu.memory_space<vmem>>) offsets(%dma_start3A_594 : memref<32xi32, #tpu.memory_space<vmem>>) semaphore(%arg12 : memref<!tpu.dma_semaphore, #tpu.memory_space<semaphore_mem>>)
    %add3A_598 = arith.constant 864 : i32
    %add3A_599 = arith.addi %mul3A_34, %add3A_598 : i32
    %dma_start3A_600 = arith.constant 0 : i32
    %dma_start3A_601 = tpu.memref_slice %arg4[%add3A_599, %dma_start3A_600] : memref<32768x768xf32, #tpu.memory_space<hbm>> -> memref<32x768xf32, #tpu.memory_space<hbm>>
    %dma_start3A_602 = arith.constant 0 : i32
    %dma_start3A_603 = tpu.memref_slice %arg4[%add3A_599, %dma_start3A_602] : memref<32768x768xf32, #tpu.memory_space<hbm>> -> memref<32x768xf32, #tpu.memory_space<hbm>>
    tpu.enqueue_dma source(%arg9 : memref<32x768xf32, #tpu.memory_space<vmem>>) target(%dma_start3A_603 : memref<32x768xf32, #tpu.memory_space<hbm>>) target_semaphore(%arg17 : memref<!tpu.dma_semaphore, #tpu.memory_space<semaphore_mem>>)
    %dma_wait3A_604 = arith.constant 896 : i32
    %dma_wait3A_605 = tpu.memref_slice %arg5[%dma_wait3A_604] : memref<1024xi32, #tpu.memory_space<vmem>> -> memref<32xi32, #tpu.memory_space<vmem>>
    %dma_wait3A_606 = arith.constant 0 : i32
    %dma_wait3A_607 = arith.constant 0 : i32
    %dma_wait3A_608 = tpu.memref_slice %arg3[%dma_wait3A_606, %dma_wait3A_607] : memref<30522x768xf32, #tpu.memory_space<hbm>> -> memref<30522x768xf32, #tpu.memory_space<hbm>>
    tpu.wait_indirect_dma semaphore(%arg10 : memref<!tpu.dma_semaphore, #tpu.memory_space<semaphore_mem>>) src(%dma_wait3A_608 : memref<30522x768xf32, #tpu.memory_space<hbm>>) dst(%arg6 : memref<32x768xf32, #tpu.memory_space<vmem>>)
    %dma_wait3A_609 = arith.constant 0 : i32
    %dma_wait3A_610 = tpu.memref_slice %arg4[%add3A_599, %dma_wait3A_609] : memref<32768x768xf32, #tpu.memory_space<hbm>> -> memref<32x768xf32, #tpu.memory_space<hbm>>
    %dma_wait3A_611 = arith.constant 0 : i32
    %dma_wait3A_612 = tpu.memref_slice %arg4[%add3A_599, %dma_wait3A_611] : memref<32768x768xf32, #tpu.memory_space<hbm>> -> memref<32x768xf32, #tpu.memory_space<hbm>>
    tpu.wait_dma2 semaphore(%arg17 : memref<!tpu.dma_semaphore, #tpu.memory_space<semaphore_mem>>) src(%arg9 : memref<32x768xf32, #tpu.memory_space<vmem>>) dst(%dma_wait3A_612 : memref<32x768xf32, #tpu.memory_space<hbm>>)
    %dma_start3A_613 = arith.constant 992 : i32
    %dma_start3A_614 = tpu.memref_slice %arg5[%dma_start3A_613] : memref<1024xi32, #tpu.memory_space<vmem>> -> memref<32xi32, #tpu.memory_space<vmem>>
    %dma_start3A_615 = arith.constant 0 : i32
    %dma_start3A_616 = arith.constant 0 : i32
    %dma_start3A_617 = tpu.memref_slice %arg3[%dma_start3A_615, %dma_start3A_616] : memref<30522x768xf32, #tpu.memory_space<hbm>> -> memref<30522x768xf32, #tpu.memory_space<hbm>>
    tpu.enqueue_indirect_dma source(%dma_start3A_617 : memref<30522x768xf32, #tpu.memory_space<hbm>>) target(%arg9 : memref<32x768xf32, #tpu.memory_space<vmem>>) offsets(%dma_start3A_614 : memref<32xi32, #tpu.memory_space<vmem>>) semaphore(%arg13 : memref<!tpu.dma_semaphore, #tpu.memory_space<semaphore_mem>>)
    %add3A_618 = arith.constant 896 : i32
    %add3A_619 = arith.addi %mul3A_34, %add3A_618 : i32
    %dma_start3A_620 = arith.constant 0 : i32
    %dma_start3A_621 = tpu.memref_slice %arg4[%add3A_619, %dma_start3A_620] : memref<32768x768xf32, #tpu.memory_space<hbm>> -> memref<32x768xf32, #tpu.memory_space<hbm>>
    %dma_start3A_622 = arith.constant 0 : i32
    %dma_start3A_623 = tpu.memref_slice %arg4[%add3A_619, %dma_start3A_622] : memref<32768x768xf32, #tpu.memory_space<hbm>> -> memref<32x768xf32, #tpu.memory_space<hbm>>
    tpu.enqueue_dma source(%arg6 : memref<32x768xf32, #tpu.memory_space<vmem>>) target(%dma_start3A_623 : memref<32x768xf32, #tpu.memory_space<hbm>>) target_semaphore(%arg14 : memref<!tpu.dma_semaphore, #tpu.memory_space<semaphore_mem>>)
    %dma_wait3A_624 = arith.constant 928 : i32
    %dma_wait3A_625 = tpu.memref_slice %arg5[%dma_wait3A_624] : memref<1024xi32, #tpu.memory_space<vmem>> -> memref<32xi32, #tpu.memory_space<vmem>>
    %dma_wait3A_626 = arith.constant 0 : i32
    %dma_wait3A_627 = arith.constant 0 : i32
    %dma_wait3A_628 = tpu.memref_slice %arg3[%dma_wait3A_626, %dma_wait3A_627] : memref<30522x768xf32, #tpu.memory_space<hbm>> -> memref<30522x768xf32, #tpu.memory_space<hbm>>
    tpu.wait_indirect_dma semaphore(%arg11 : memref<!tpu.dma_semaphore, #tpu.memory_space<semaphore_mem>>) src(%dma_wait3A_628 : memref<30522x768xf32, #tpu.memory_space<hbm>>) dst(%arg7 : memref<32x768xf32, #tpu.memory_space<vmem>>)
    %add3A_629 = arith.constant 928 : i32
    %add3A_630 = arith.addi %mul3A_34, %add3A_629 : i32
    %dma_start3A_631 = arith.constant 0 : i32
    %dma_start3A_632 = tpu.memref_slice %arg4[%add3A_630, %dma_start3A_631] : memref<32768x768xf32, #tpu.memory_space<hbm>> -> memref<32x768xf32, #tpu.memory_space<hbm>>
    %dma_start3A_633 = arith.constant 0 : i32
    %dma_start3A_634 = tpu.memref_slice %arg4[%add3A_630, %dma_start3A_633] : memref<32768x768xf32, #tpu.memory_space<hbm>> -> memref<32x768xf32, #tpu.memory_space<hbm>>
    tpu.enqueue_dma source(%arg7 : memref<32x768xf32, #tpu.memory_space<vmem>>) target(%dma_start3A_634 : memref<32x768xf32, #tpu.memory_space<hbm>>) target_semaphore(%arg15 : memref<!tpu.dma_semaphore, #tpu.memory_space<semaphore_mem>>)
    %dma_wait3A_635 = arith.constant 960 : i32
    %dma_wait3A_636 = tpu.memref_slice %arg5[%dma_wait3A_635] : memref<1024xi32, #tpu.memory_space<vmem>> -> memref<32xi32, #tpu.memory_space<vmem>>
    %dma_wait3A_637 = arith.constant 0 : i32
    %dma_wait3A_638 = arith.constant 0 : i32
    %dma_wait3A_639 = tpu.memref_slice %arg3[%dma_wait3A_637, %dma_wait3A_638] : memref<30522x768xf32, #tpu.memory_space<hbm>> -> memref<30522x768xf32, #tpu.memory_space<hbm>>
    tpu.wait_indirect_dma semaphore(%arg12 : memref<!tpu.dma_semaphore, #tpu.memory_space<semaphore_mem>>) src(%dma_wait3A_639 : memref<30522x768xf32, #tpu.memory_space<hbm>>) dst(%arg8 : memref<32x768xf32, #tpu.memory_space<vmem>>)
    %add3A_640 = arith.constant 960 : i32
    %add3A_641 = arith.addi %mul3A_34, %add3A_640 : i32
    %dma_start3A_642 = arith.constant 0 : i32
    %dma_start3A_643 = tpu.memref_slice %arg4[%add3A_641, %dma_start3A_642] : memref<32768x768xf32, #tpu.memory_space<hbm>> -> memref<32x768xf32, #tpu.memory_space<hbm>>
    %dma_start3A_644 = arith.constant 0 : i32
    %dma_start3A_645 = tpu.memref_slice %arg4[%add3A_641, %dma_start3A_644] : memref<32768x768xf32, #tpu.memory_space<hbm>> -> memref<32x768xf32, #tpu.memory_space<hbm>>
    tpu.enqueue_dma source(%arg8 : memref<32x768xf32, #tpu.memory_space<vmem>>) target(%dma_start3A_645 : memref<32x768xf32, #tpu.memory_space<hbm>>) target_semaphore(%arg16 : memref<!tpu.dma_semaphore, #tpu.memory_space<semaphore_mem>>)
    %dma_wait3A_646 = arith.constant 992 : i32
    %dma_wait3A_647 = tpu.memref_slice %arg5[%dma_wait3A_646] : memref<1024xi32, #tpu.memory_space<vmem>> -> memref<32xi32, #tpu.memory_space<vmem>>
    %dma_wait3A_648 = arith.constant 0 : i32
    %dma_wait3A_649 = arith.constant 0 : i32
    %dma_wait3A_650 = tpu.memref_slice %arg3[%dma_wait3A_648, %dma_wait3A_649] : memref<30522x768xf32, #tpu.memory_space<hbm>> -> memref<30522x768xf32, #tpu.memory_space<hbm>>
    tpu.wait_indirect_dma semaphore(%arg13 : memref<!tpu.dma_semaphore, #tpu.memory_space<semaphore_mem>>) src(%dma_wait3A_650 : memref<30522x768xf32, #tpu.memory_space<hbm>>) dst(%arg9 : memref<32x768xf32, #tpu.memory_space<vmem>>)
    %add3A_651 = arith.constant 992 : i32
    %add3A_652 = arith.addi %mul3A_34, %add3A_651 : i32
    %dma_start3A_653 = arith.constant 0 : i32
    %dma_start3A_654 = tpu.memref_slice %arg4[%add3A_652, %dma_start3A_653] : memref<32768x768xf32, #tpu.memory_space<hbm>> -> memref<32x768xf32, #tpu.memory_space<hbm>>
    %dma_start3A_655 = arith.constant 0 : i32
    %dma_start3A_656 = tpu.memref_slice %arg4[%add3A_652, %dma_start3A_655] : memref<32768x768xf32, #tpu.memory_space<hbm>> -> memref<32x768xf32, #tpu.memory_space<hbm>>
    tpu.enqueue_dma source(%arg9 : memref<32x768xf32, #tpu.memory_space<vmem>>) target(%dma_start3A_656 : memref<32x768xf32, #tpu.memory_space<hbm>>) target_semaphore(%arg17 : memref<!tpu.dma_semaphore, #tpu.memory_space<semaphore_mem>>)
    %dma_wait3A_657 = arith.constant 0 : i32
    %dma_wait3A_658 = tpu.memref_slice %arg4[%add3A_619, %dma_wait3A_657] : memref<32768x768xf32, #tpu.memory_space<hbm>> -> memref<32x768xf32, #tpu.memory_space<hbm>>
    %dma_wait3A_659 = arith.constant 0 : i32
    %dma_wait3A_660 = tpu.memref_slice %arg4[%add3A_619, %dma_wait3A_659] : memref<32768x768xf32, #tpu.memory_space<hbm>> -> memref<32x768xf32, #tpu.memory_space<hbm>>
    tpu.wait_dma2 semaphore(%arg14 : memref<!tpu.dma_semaphore, #tpu.memory_space<semaphore_mem>>) src(%arg6 : memref<32x768xf32, #tpu.memory_space<vmem>>) dst(%dma_wait3A_660 : memref<32x768xf32, #tpu.memory_space<hbm>>)
    %dma_wait3A_661 = arith.constant 0 : i32
    %dma_wait3A_662 = tpu.memref_slice %arg4[%add3A_630, %dma_wait3A_661] : memref<32768x768xf32, #tpu.memory_space<hbm>> -> memref<32x768xf32, #tpu.memory_space<hbm>>
    %dma_wait3A_663 = arith.constant 0 : i32
    %dma_wait3A_664 = tpu.memref_slice %arg4[%add3A_630, %dma_wait3A_663] : memref<32768x768xf32, #tpu.memory_space<hbm>> -> memref<32x768xf32, #tpu.memory_space<hbm>>
    tpu.wait_dma2 semaphore(%arg15 : memref<!tpu.dma_semaphore, #tpu.memory_space<semaphore_mem>>) src(%arg7 : memref<32x768xf32, #tpu.memory_space<vmem>>) dst(%dma_wait3A_664 : memref<32x768xf32, #tpu.memory_space<hbm>>)
    %dma_wait3A_665 = arith.constant 0 : i32
    %dma_wait3A_666 = tpu.memref_slice %arg4[%add3A_641, %dma_wait3A_665] : memref<32768x768xf32, #tpu.memory_space<hbm>> -> memref<32x768xf32, #tpu.memory_space<hbm>>
    %dma_wait3A_667 = arith.constant 0 : i32
    %dma_wait3A_668 = tpu.memref_slice %arg4[%add3A_641, %dma_wait3A_667] : memref<32768x768xf32, #tpu.memory_space<hbm>> -> memref<32x768xf32, #tpu.memory_space<hbm>>
    tpu.wait_dma2 semaphore(%arg16 : memref<!tpu.dma_semaphore, #tpu.memory_space<semaphore_mem>>) src(%arg8 : memref<32x768xf32, #tpu.memory_space<vmem>>) dst(%dma_wait3A_668 : memref<32x768xf32, #tpu.memory_space<hbm>>)
    %dma_wait3A_669 = arith.constant 0 : i32
    %dma_wait3A_670 = tpu.memref_slice %arg4[%add3A_652, %dma_wait3A_669] : memref<32768x768xf32, #tpu.memory_space<hbm>> -> memref<32x768xf32, #tpu.memory_space<hbm>>
    %dma_wait3A_671 = arith.constant 0 : i32
    %dma_wait3A_672 = tpu.memref_slice %arg4[%add3A_652, %dma_wait3A_671] : memref<32768x768xf32, #tpu.memory_space<hbm>> -> memref<32x768xf32, #tpu.memory_space<hbm>>
    tpu.wait_dma2 semaphore(%arg17 : memref<!tpu.dma_semaphore, #tpu.memory_space<semaphore_mem>>) src(%arg9 : memref<32x768xf32, #tpu.memory_space<vmem>>) dst(%dma_wait3A_672 : memref<32x768xf32, #tpu.memory_space<hbm>>)
    return
  }
}

</mosaic_0001>

<sc_bundles>
// kernel: kernel.3.cloned.1.call-start
scs
__scs_entry_jumppad:
0x0: {  	(pc) =	sbr.rel $0x88, $3  }
0x1: {  	(tag) =	ssettag $0x0;
	lr =	simm.s32 $0x1  }
0x2: {  	[smem:$0x3F9F] =	sst lr;
	_ =	strace $0xD0000000  }
0x3: {  	_ = 	snop  }
0x4: {  	_ = 	snop  }
0x5: {  	_ = 	snop  }
0x6: {  	_ = 	snop  }
0x7: {  	_ = 	snop  }
__scs_overlays_trampoline_lowered:
0x8: {  	[smem:$0x3FAE] =	sst s0  }
0x9: {  	[smem:$0x3FAF] =	sst s1  }
0xa: {  	[smem:$0x3FB0] =	sst s2  }
0xb: {  	[smem:$0x3FB1] =	sst s3  }
0xc: {  	[smem:$0x3FB2] =	sst s4  }
0xd: {  	[smem:$0x3FB3] =	sst s5  }
0xe: {  	[smem:$0x3FB4] =	sst s6  }
0xf: {  	[smem:$0x3FB5] =	sst s7  }
0x10: {  	[smem:$0x3FB6] =	sst s8  }
0x11: {  	[smem:$0x3FB7] =	sst s9;
	s0 =	simm.s32 @!p0 $0x0  }
0x12: {  	s1 =	sld [smem:$0x3F9D];
	s0 =	simm.s32 @p0 $0x1  }
0x13: {  	[smem:$0x3FB8] =	sst s0;
	s0 =	simm.s32 @!p1 $0x0  }
0x14: {  	s2 =	sld [smem:$0x3F9C];
	s0 =	simm.s32 @p1 $0x1  }
0x15: {  	[smem:$0x3FB9] =	sst s0;
	s0 =	simm.s32 @!p2 $0x0  }
0x16: {  	s3 =	sld [smem:$0x3FDB];
	s0 =	simm.s32 @p2 $0x1  }
0x17: {  	s4 =	simm.s32 $0x1BF5;
	[smem:$0x3FBB] =	sst s0  }
0x18: {  	s0 =	sld [smem:$0x3F9E];
	_ =	swait.ge [sflag:s4], $0x0  }
0x19: {  	s7 =	sld [smem:$0x3F9F]  }
0x1a: {  	s8 =	sadd.s32 $0xFFFFE003, lr  }
0x1b: {  	s9 =	sadd.s32 $0xFFFFFEF7, lr;
	s5 =	simm.s32 $0xFFFFFFFF;
	p2 =	slt.u32 s8, $0xFFFFF086  }
0x1c: {  	p1 =	slt.u32 s9, $0xF7A;
	s5 =	simm.s32 @!p2 $0x0  }
0x1d: {  	s5 =	simm.s32 @p1 $0x1;
	p0 =	seq.s32 s7, s2  }
0x1e: {  	s7 =	smul.u32 @!p0 $0xF7A, s2;
	p2 =	seq.s32 @!p0 s5, $0x0  }
0x1f: {  	s9 =	smul.u32 $0xF7A, s1;
	s8 =	simm.s32 @!p0 $0x1BF5;
	p2 =	por !p2, p0  }
0x20: {  	[sflag:s8] =	ssyncset.s32 @!p0 $0xFFFFF086;
	s6 =	sadd.s32 @!p0 s3, s7;
	s7 =	simm.s32 @!p0 $0x108  }
0x21: {  	s3 =	sadd.s32 s3, s9;
	s6 =	sadd.s32 @!p0 $0x88, s6;
	s7 =	simm.s32 @p2 $0x1082  }
0x22: {  	[simem:s7], [sflag:s8] =	dma.local @!p0 [hbm:s6], $0xF7A  }
0x23: {  	s9 =	sor.u32 $0xD0000000, s2;
	s6 =	simm.s32 $0x108;
	_ =	swait.ge @!p0 [sflag:s8], $0x0  }
0x24: {  	s3 =	sadd.s32 $0x88, s3;
	s6 =	simm.s32 @!p1 $0x1082;
	[sflag:s4] =	ssyncset.s32 $0xFFFFF086  }
0x25: {  	[simem:s6], [sflag:s4] =	dma.local [hbm:s3], $0xF7A  }
0x26: {  	[smem:$0x3F9F] =	sst s1;
	(tag) =	ssettag s2;
	_ =	strace s9  }
0x27: {  	s1 =	sld [smem:$0x3FAF]  }
0x28: {  	s2 =	sld [smem:$0x3FB0]  }
0x29: {  	s4 =	sld [smem:$0x3FB2]  }
0x2a: {  	p0 =	seq.s32 s5, $0x0;
	s5 =	sld [smem:$0x3FB3]  }
0x2b: {  	s6 =	sld [smem:$0x3FB4]  }
0x2c: {  	s7 =	sld [smem:$0x3FB5]  }
0x2d: {  	s3 =	simm.s32 $0x108;
	s8 =	sld [smem:$0x3FB6]  }
0x2e: {  	s3 =	simm.s32 @!p0 $0x1082;
	s9 =	sld [smem:$0x3FB7]  }
0x2f: {  	lr =	sadd.s32 s0, s3;
	s0 =	sld [smem:$0x3FAE]  }
0x30: {  	s3 =	sld [smem:$0x3FB1]  }
0x31: {  	[smem:$0x3FBA] =	sst s10  }
0x32: {  	s10 =	sld [smem:$0x3FB8];
	_ =	sdelay $0x3  }
0x33: {  	p0 =	seq.s32 s10, $0x1;
	s10 =	sld [smem:$0x3FBA];
	_ =	sdelay $0x3  }
0x34: {  	[smem:$0x3FBA] =	sst s10  }
0x35: {  	s10 =	sld [smem:$0x3FB9];
	_ =	sdelay $0x3  }
0x36: {  	p1 =	seq.s32 s10, $0x1;
	s10 =	sld [smem:$0x3FBA];
	_ =	sdelay $0x3  }
0x37: {  	[smem:$0x3FBA] =	sst s10  }
0x38: {  	s10 =	sld [smem:$0x3FBB]  }
0x39: {  	_ = 	snop;
	(pc) =	sbr.ind lr, $3  }
0x3a: {  	_ = 	snop  }
0x3b: {  	_ = 	snop  }
0x3c: {  	p2 =	seq.s32 s10, $0x1;
	s10 =	sld [smem:$0x3FBA]  }
0x3d: {  	_ =	shalt  }
0x3e: {  	_ =	shalt  }
0x3f: {  	_ =	shalt  }
0x40: {  	_ =	shalt  }
0x41: {  	_ =	shalt  }
0x42: {  	_ =	shalt  }
0x43: {  	_ =	shalt  }
0x44: {  	_ =	shalt  }
0x45: {  	_ =	shalt  }
0x46: {  	_ =	shalt  }
0x47: {  	_ =	shalt  }
0x48: {  	_ =	shalt  }
0x49: {  	_ =	shalt  }
0x4a: {  	_ =	shalt  }
0x4b: {  	_ =	shalt  }
0x4c: {  	_ =	shalt  }
0x4d: {  	_ =	shalt  }
0x4e: {  	_ =	shalt  }
0x4f: {  	_ =	shalt  }
0x50: {  	_ =	shalt  }
0x51: {  	_ =	shalt  }
0x52: {  	_ =	shalt  }
0x53: {  	_ =	shalt  }
0x54: {  	_ =	shalt  }
0x55: {  	_ =	shalt  }
0x56: {  	_ =	shalt  }
0x57: {  	_ =	shalt  }
0x58: {  	_ =	shalt  }
0x59: {  	_ =	shalt  }
0x5a: {  	_ =	shalt  }
0x5b: {  	_ =	shalt  }
0x5c: {  	_ =	shalt  }
0x5d: {  	_ =	shalt  }
0x5e: {  	_ =	shalt  }
0x5f: {  	_ =	shalt  }
0x60: {  	_ =	shalt  }
0x61: {  	_ =	shalt  }
0x62: {  	_ =	shalt  }
0x63: {  	_ =	shalt  }
0x64: {  	_ =	shalt  }
0x65: {  	_ =	shalt  }
0x66: {  	_ =	shalt  }
0x67: {  	_ =	shalt  }
0x68: {  	_ =	shalt  }
0x69: {  	_ =	shalt  }
0x6a: {  	_ =	shalt  }
0x6b: {  	_ =	shalt  }
0x6c: {  	_ =	shalt  }
0x6d: {  	_ =	shalt  }
0x6e: {  	_ =	shalt  }
0x6f: {  	_ =	shalt  }
0x70: {  	_ =	shalt  }
0x71: {  	_ =	shalt  }
0x72: {  	_ =	shalt  }
0x73: {  	_ =	shalt  }
0x74: {  	_ =	shalt  }
0x75: {  	_ =	shalt  }
0x76: {  	_ =	shalt  }
0x77: {  	_ =	shalt  }
0x78: {  	_ =	shalt  }
0x79: {  	_ =	shalt  }
0x7a: {  	_ =	shalt  }
0x7b: {  	_ =	shalt  }
0x7c: {  	_ =	shalt  }
0x7d: {  	_ =	shalt  }
0x7e: {  	_ =	shalt  }
0x7f: {  	_ =	shalt  }
0x80: {  	_ =	shalt  }
0x81: {  	_ =	shalt  }
0x82: {  	_ =	shalt  }
0x83: {  	_ =	shalt  }
0x84: {  	_ =	shalt  }
0x85: {  	_ =	shalt  }
0x86: {  	_ =	shalt  }
0x87: {  	_ =	shalt  }
.Lfunc_end0:
.L_simem_size_0:
called_computation_lowered:
.L_overlay_start_0:
0x88: {  	s2 =	sld [smem:$0x3FD9]  }
0x89: {  	s3 =	sld [smem:$0x3FFE];
	_ =	sdelay $0x1  }
0x8a: {  	s1 =	srdreg.scid  }
0x8b: {  	s0 =	sand.u32 $0x1, s1  }
0x8c: {  	s18 =	sshll.u32 s0, $0xA;
	s2 =	sadd.s32 s3, s2  }
0x8d: {  	s2 =	sadd.s32 s2, s18  }
0x8e: {  	[smem:$0x3FC6] =	sst s2  }
0x8f: {  	_ = 	snop  }
0x90: {  	s2 =	sld [smem:$0x3FC9]  }
0x91: {  	s19 =	sld [smem:$0x3FC8]  }
0x92: {  	s4 =	sld [smem:$0x3FD0];
	(tm) =	ssettm $0x1  }
0x93: {  	s5 =	sld [smem:$0x3FFB];
	_ =	sdelay $0x3  }
0x94: {  	_ =	strace s5  }
0x95: {  	s5 =	sld [smem:$0x3FFC];
	_ =	sdelay $0x3  }
0x96: {  	_ =	strace s5  }
0x97: {  	s5 =	sld [smem:$0x3FFD];
	_ =	sdelay $0x3  }
0x98: {  	_ =	strace s5  }
0x99: {  	_ =	strace $0x8FFFFFFF  }
0x9a: {  	s20 =	sld [smem:$0x3FDB];
	_ =	sdelay $0x1  }
0x9b: {  	s6 =	simm.s32 $_scs_section_size  }
0x9c: {  	s7 =	simm.s32 $_size__tile_overlayer_lowered;
	s8 =	simm.s32 $_tile_overlayer_lowered  }
0x9d: {  	s23 =	simm.s32 $0x1BFF;
	s22 =	sshll.u32 s8, $0x1;
	s5 =	sadd.s32 s6, s20  }
0x9e: {  	s9 =	simm.s32 $0x0;
	s21 =	sshll.u32 s7, $0x1;
	s7 =	sadd.s32 s22, s5  }
0x9f: {  	[timem:s9], [sflag:s23] =	dma.local [hbm:s7], s21  }
0xa0: {  	_ =	swait.ge [sflag:s23], s21  }
0xa1: {  	s6 =	ssub.s32 $0x0, s21;
	[sflag:s23] =	ssyncset.done $0x0  }
0xa2: {  	[sflag:s23] =	ssyncadd.s32 s6;
	_ =	sdelay $0x1  }
0xa3: {  	s24 =	simm.s32 $0x1B8B  }
0xa4: {  	_ =	swait.ge [sflag:s24], $0x1  }
0xa5: {  	[sflag:s24] =	ssyncset.done $0x0  }
0xa6: {  	s25 =	simm.s32 $0x1B8E;
	[sflag:s24] =	ssyncadd.s32 $0xFFFFFFFF  }
0xa7: {  	s26 =	simm.s32 $execute0_lowered;
	[smem:$0x3FD2] =	sst s25  }
0xa8: {  	s6 =	sshll.u32 s26, $0x1;
	_ =	strace $0x80000046;
	[dreg:$0x1] =	wrdreg $0xFFFFFFFF  }
0xa9: {  	s28 =	simm.s32 $_size_execute0_lowered;
	s5 =	sadd.s32 s5, s6;
	[dreg:$0x0] =	wrdreg $0x0  }
0xaa: {  	s6 =	sshll.u32 s28, $0x1;
	[dreg:$0x2] =	wrdreg s5  }
0xab: {  	[dreg:$0x3] =	wrdreg s6  }
0xac: {  	[dreg:$0x4] =	wrdreg $0xC0  }
0xad: {  	_ =	task [dreg:s9], $0x5FFFF  }
0xae: {  	[dreg:$0x1] =	wrdreg $0xFFFFFFFF  }
0xaf: {  	[dreg:$0x0] =	wrdreg $0x60  }
0xb0: {  	[dreg:$0x2] =	wrdreg s2  }
0xb1: {  	[dreg:$0x3] =	wrdreg s19  }
0xb2: {  	[dreg:$0x4] =	wrdreg s4  }
0xb3: {  	[dreg:$0x5] =	wrdreg $0x9  }
0xb4: {  	_ =	task.clear_ibuf [dreg:s9], $0x6FFFF;
	_ =	strace $0x90000046  }
0xb5: {  	s29 =	simm.s32 $0x9;
	_ =	strace $0x80000048  }
0xb6: {  	_ =	swait.ge [sflag:s29], $0x1  }
0xb7: {  	[sflag:s29] =	ssyncadd.s32 $0xFFFFFFFF  }
0xb8: {  	_ =	strace $0x90000048  }
0xb9: {  	_ =	sfence  }
0xba: {  	s30 =	sld [smem:$0x0];
	_ =	sdelay $0x2  }
0xbb: {  	s31 =	sshll.u32 s1, $0xD;
	s1 =	sshrl.u32 s1, $0x2  }
0xbc: {  	s3 =	sand.u32 $0x4000, s31;
	s1 =	sadd.s32 s1, s30  }
0xbd: {  	s0 =	sor.u32 s3, s0;
	s1 =	sshll.u32 s1, $0x11  }
0xbe: {  	s0 =	sor.u32 s1, s0  }
0xbf: {  	s0 =	sadd.s32 $0x8F2B, s0  }
0xc0: {  	[sflag:s0] =	ssyncadd.remote.s32 $0x1  }
0xc1: {  	_ =	sfence.sel $0xFFFF  }
0xc2: {  	[dreg:$0x0] =	wrdreg $0xFFFFFFFF;
	(pc) =	sbr.abs _section_cstart, $3  }
0xc3: {  	[dreg:$0x1] =	wrdreg $0xFFFFFFFF  }
0xc4: {  	_ =	task.clear_ibuf [dreg:s9], $0x2FFFF;
	_ =	strace $0x9FFFFFFF  }
0xc5: {  	(tm) =	ssettm $0x7FFFFFFF  }
tec
execute0_lowered:
.L_overlay_start_1:
0x0: {  	(tag) =	ssettag $0x1  }
0x1: {  	s1 =	rddreg [dreg:$0x0]  }
0x2: {  	s0 =	srdreg.scid;
	s6 =	stileid.u32  }
0x3: {  	s2 =	rddreg [dreg:$0x1];
	s0 =	sand.u32 $0x1, s0;
	s5 =	sshll.u32 s6, $0x1  }
0x4: {  	s4 =	rddreg [dreg:$0x2];
	s6 =	sshll.u32 s6, $0x2;
	s5 =	sor.u32 s0, s5  }
0x5: {  	s3 =	simm.s32 $0x0;
	s6 =	sand.u32 $0x30, s6;
	s7 =	sshll.u32 s5, $0x9  }
0x6: {  	s8 =	smul.u32 $0x18000, s5;
	s1 =	sadd.s32 s1, s6;
	s7 =	sand.u32 $0xE00, s7  }
0x7: {  	[smem:$0x7FF] =	sst s3;
	s1 =	sadd.s32 s7, s1  }
0x8: {  	_ =	strace $0x80000047;
	s21 =	sadd.s32 s4, s8;
	[dreg:$0x4] =	wrdreg s1  }
0x9: {  	s22 =	sadd.s32 $0xC00, s21;
	[smem:$0x7F7] =	sst s21  }
0xa: {  	s23 =	sadd.s32 $0x1800, s21;
	[dreg:$0x5] =	wrdreg s22  }
0xb: {  	s24 =	sadd.s32 $0x2400, s21;
	[dreg:$0x6] =	wrdreg s23  }
0xc: {  	s25 =	sadd.s32 $0x3000, s21;
	[dreg:$0x7] =	wrdreg s24  }
0xd: {  	s26 =	sadd.s32 $0x3C00, s21;
	[dreg:$0x8] =	wrdreg s25  }
0xe: {  	s28 =	sadd.s32 $0x4800, s21;
	[dreg:$0x9] =	wrdreg s26  }
0xf: {  	s5 =	smul.u32 $0xC0000, s5;
	s29 =	sadd.s32 $0x5400, s21;
	[dreg:$0xa] =	wrdreg s28  }
0x10: {  	s30 =	sadd.s32 $0x6000, s21;
	[dreg:$0xb] =	wrdreg s29  }
0x11: {  	s5 =	sshrl.u32 s5, $0x3;
	s31 =	sadd.s32 $0x6C00, s21;
	[dreg:$0xc] =	wrdreg s30  }
0x12: {  	s6 =	sadd.s32 $0x7800, s21;
	s4 =	sadd.s32 s4, s5;
	[dreg:$0xd] =	wrdreg s31  }
0x13: {  	[dreg:$0xe] =	wrdreg s6;
	s7 =	sadd.s32 $0x8400, s4  }
0x14: {  	s8 =	sadd.s32 $0x9000, s4;
	[dreg:$0xf] =	wrdreg s7  }
0x15: {  	s9 =	sadd.s32 $0x9C00, s4;
	[dreg:$0x10] =	wrdreg s8  }
0x16: {  	s10 =	sadd.s32 $0xA800, s4;
	[dreg:$0x11] =	wrdreg s9  }
0x17: {  	s11 =	sadd.s32 $0xB400, s4;
	[dreg:$0x12] =	wrdreg s10  }
0x18: {  	s12 =	sadd.s32 $0xC000, s4;
	[dreg:$0x13] =	wrdreg s11  }
0x19: {  	s13 =	sadd.s32 $0xCC00, s4;
	[dreg:$0x14] =	wrdreg s12  }
0x1a: {  	s14 =	sadd.s32 $0xD800, s4;
	[dreg:$0x15] =	wrdreg s13  }
0x1b: {  	s15 =	sadd.s32 $0xE400, s4;
	[dreg:$0x16] =	wrdreg s14  }
0x1c: {  	s16 =	sadd.s32 $0xF000, s4;
	[dreg:$0x17] =	wrdreg s15  }
0x1d: {  	s17 =	sadd.s32 $0xFC00, s4;
	[dreg:$0x18] =	wrdreg s16  }
0x1e: {  	s18 =	sadd.s32 $0x10800, s4;
	[dreg:$0x19] =	wrdreg s17  }
0x1f: {  	s19 =	sadd.s32 $0x11400, s4;
	[dreg:$0x1a] =	wrdreg s18  }
0x20: {  	s20 =	sadd.s32 $0x12000, s4;
	[dreg:$0x1b] =	wrdreg s19  }
0x21: {  	s21 =	sadd.s32 $0x12C00, s4;
	[dreg:$0x1c] =	wrdreg s20  }
0x22: {  	s22 =	sadd.s32 $0x13800, s4;
	[dreg:$0x1d] =	wrdreg s21  }
0x23: {  	s23 =	sadd.s32 $0x14400, s4;
	[dreg:$0x1e] =	wrdreg s22  }
0x24: {  	s24 =	sadd.s32 $0x15000, s4;
	[dreg:$0x1f] =	wrdreg s23  }
0x25: {  	s25 =	sadd.s32 $0x15C00, s4;
	[smem:$0x7F8] =	sst s24  }
0x26: {  	s26 =	sadd.s32 $0x16800, s4;
	[smem:$0x7F9] =	sst s25  }
0x27: {  	s0 =	ssub.s32 $0x2, s0;
	s29 =	sadd.s32 $0x17400, s4;
	[smem:$0x7FA] =	sst s26  }
0x28: {  	s5 =	sadd.s32 $0x100, s2;
	s30 =	simm.s32 $0x80;
	[smem:$0x7FB] =	sst s29  }
0x29: {  	s28 =	sshrl.u32 s0, $0x1;
	s31 =	simm.s32 $0x200;
	[smem:$0x7FC] =	sst s30  }
0x2a: {  	s6 =	sadd.s32 $0x200, s2;
	s0 =	ssub.s32 s0, s28;
	[smem:$0x7FD] =	sst s31  }
0x2b: {  	v2 =	vlaneseq.u32;
	s20 =	simm.s32 $0x1;
	s10 =	simm.s32 $0x2;
	s11 =	simm.s32 $0x5  }
0x2c: {  	vm0 =	vmmov $0xffff;
	v1 =	vshrl.u32 v2, $0x3;
	s12 =	simm.s32 $0x3;
	s13 =	simm.s32 $0x6;
	s14 =	simm.s32 $0x4  }
0x2d: {  	v0 =	vand.u32 $0x7, v2;
	v2 =	vor.u32 $0x8, v2;
	v1 =	vmul.u32 $0x8, v1;
	s15 =	simm.s32 $0x7;
	s16 =	simm.s32 $0x8;
	s0 =	smax.u32 s0, $0x1  }
.LBB2_1:
0x2e: {  	s18 =	sld [smem:$0x7FC]  }
0x2f: {  	s19 =	sld [smem:$0x7FD]  }
0x30: {  	[smem:$0x7F6] =	sst s0  }
0x31: {  	s17 =	rddreg [dreg:$0x4];
	s0 =	simm.s32 $0x9  }
0x32: {  	[tilespmem:s3], [sflag:$0x9] =	stream.strided.gather [hbm4b:s17+s18], $0x400, s19, s18, $0x38;
	[tilespmem:$0x18400] =	vst v63  }
0x33: {  	_ =	swait.ge [sflag:s0], $0x400  }
0x34: {  	[sflag:s0] =	ssyncset.done $0x0  }
0x35: {  	[sflag:s0] =	ssyncadd.s32 $0xFFFFFC00  }
0x36: {  	v3 =	vld [tilespmem:$0x0];
	_ =	sdelay $0x4  }
0x37: {  	v4 =	vshrl.u32 v3, $0x3  }
0x38: {  	v4 =	vmul.u32 $0x30, v4  }
0x39: {  	v3 =	vand.u32 $0x7, v3  }
0x3a: {  	v3 =	vor.u32 v3, v4  }
0x3b: {  	v4 =	vperm.xlane v3, v0;
	_ =	sdelay $0x1  }
0x3c: {  	v4 =	vadd.s32 v1, v4;
	_ =	sdelay $0x3  }
0x3d: {  	s1 =	simm.s32 $0x400;
	v3 =	vperm.xlane v3, v2  }
0x3e: {  	[tilespmem:s1], [sflag:$0x1] =	stream.indirect_vreg.gather [hbm4b:s2+s3], $0x80, v4, vm0, $0xb8;
	[tilespmem:$0x18400] =	vst v63  }
0x3f: {  	s4 =	simm.s32 $0xC00;
	v3 =	vadd.s32 v1, v3  }
0x40: {  	[tilespmem:s4], [sflag:$0x1] =	stream.indirect_vreg.gather [hbm4b:s5+s3], $0x80, v4, vm0, $0xb8;
	[tilespmem:$0x18400] =	vst v63  }
0x41: {  	s7 =	simm.s32 $0x1400  }
0x42: {  	[tilespmem:s7], [sflag:$0x1] =	stream.indirect_vreg.gather [hbm4b:s6+s3], $0x80, v4, vm0, $0xb8;
	[tilespmem:$0x18400] =	vst v63  }
0x43: {  	s8 =	simm.s32 $0x1C00  }
0x44: {  	[tilespmem:s8], [sflag:$0x1] =	stream.indirect_vreg.gather [hbm4b:s2+s3], $0x80, v3, vm0, $0xb8;
	[tilespmem:$0x18400] =	vst v63  }
0x45: {  	s17 =	simm.s32 $0x2400  }
0x46: {  	[tilespmem:s17], [sflag:$0x1] =	stream.indirect_vreg.gather [hbm4b:s5+s3], $0x80, v3, vm0, $0xb8;
	[tilespmem:$0x18400] =	vst v63  }
0x47: {  	s18 =	simm.s32 $0x2C00  }
0x48: {  	[tilespmem:s18], [sflag:$0x1] =	stream.indirect_vreg.gather [hbm4b:s6+s3], $0x80, v3, vm0, $0xb8;
	[tilespmem:$0x18400] =	vst v63  }
0x49: {  	v3 =	vld [tilespmem:$0x10];
	_ =	sdelay $0x4  }
0x4a: {  	v57 =	vshrl.u32 v3, $0x3  }
0x4b: {  	v4 =	vmul.u32 $0x30, v57  }
0x4c: {  	v3 =	vand.u32 $0x7, v3  }
0x4d: {  	v3 =	vor.u32 v3, v4  }
0x4e: {  	v4 =	vperm.xlane v3, v0;
	_ =	sdelay $0x1  }
0x4f: {  	v4 =	vadd.s32 v1, v4;
	_ =	sdelay $0x3  }
0x50: {  	s19 =	simm.s32 $0x3400;
	v3 =	vperm.xlane v3, v2  }
0x51: {  	[tilespmem:s19], [sflag:$0x1] =	stream.indirect_vreg.gather [hbm4b:s2+s3], $0x80, v4, vm0, $0xb8;
	[tilespmem:$0x18400] =	vst v63  }
0x52: {  	s23 =	simm.s32 $0x3C00;
	v3 =	vadd.s32 v1, v3  }
0x53: {  	[tilespmem:s23], [sflag:$0x1] =	stream.indirect_vreg.gather [hbm4b:s5+s3], $0x80, v4, vm0, $0xb8;
	[tilespmem:$0x18400] =	vst v63  }
0x54: {  	s24 =	simm.s32 $0x4400  }
0x55: {  	[tilespmem:s24], [sflag:$0x1] =	stream.indirect_vreg.gather [hbm4b:s6+s3], $0x80, v4, vm0, $0xb8;
	[tilespmem:$0x18400] =	vst v63  }
0x56: {  	s25 =	simm.s32 $0x4C00  }
0x57: {  	[tilespmem:s25], [sflag:$0x1] =	stream.indirect_vreg.gather [hbm4b:s2+s3], $0x80, v3, vm0, $0xb8;
	[tilespmem:$0x18400] =	vst v63  }
0x58: {  	s26 =	simm.s32 $0x5400  }
0x59: {  	[tilespmem:s26], [sflag:$0x1] =	stream.indirect_vreg.gather [hbm4b:s5+s3], $0x80, v3, vm0, $0xb8;
	[tilespmem:$0x18400] =	vst v63  }
0x5a: {  	s29 =	simm.s32 $0x5C00  }
0x5b: {  	[tilespmem:s29], [sflag:$0x1] =	stream.indirect_vreg.gather [hbm4b:s6+s3], $0x80, v3, vm0, $0xb8;
	[tilespmem:$0x18400] =	vst v63  }
0x5c: {  	v3 =	vld [tilespmem:$0x20];
	_ =	sdelay $0x4  }
0x5d: {  	v58 =	vshrl.u32 v3, $0x3  }
0x5e: {  	v4 =	vmul.u32 $0x30, v58  }
0x5f: {  	v3 =	vand.u32 $0x7, v3  }
0x60: {  	v3 =	vor.u32 v3, v4  }
0x61: {  	v4 =	vperm.xlane v3, v0;
	_ =	sdelay $0x1  }
0x62: {  	v4 =	vadd.s32 v1, v4;
	_ =	sdelay $0x3  }
0x63: {  	s30 =	simm.s32 $0x6400;
	v3 =	vperm.xlane v3, v2  }
0x64: {  	[tilespmem:s30], [sflag:$0x2] =	stream.indirect_vreg.gather [hbm4b:s2+s3], $0x80, v4, vm0, $0xb8;
	[tilespmem:$0x18400] =	vst v63  }
0x65: {  	s31 =	simm.s32 $0x6C00;
	v3 =	vadd.s32 v1, v3  }
0x66: {  	[tilespmem:s31], [sflag:$0x2] =	stream.indirect_vreg.gather [hbm4b:s5+s3], $0x80, v4, vm0, $0xb8;
	[tilespmem:$0x18400] =	vst v63  }
0x67: {  	s8 =	simm.s32 $0x7400  }
0x68: {  	[tilespmem:s8], [sflag:$0x2] =	stream.indirect_vreg.gather [hbm4b:s6+s3], $0x80, v4, vm0, $0xb8;
	[tilespmem:$0x18400] =	vst v63  }
0x69: {  	s17 =	simm.s32 $0x7C00  }
0x6a: {  	[tilespmem:s17], [sflag:$0x2] =	stream.indirect_vreg.gather [hbm4b:s2+s3], $0x80, v3, vm0, $0xb8;
	[tilespmem:$0x18400] =	vst v63  }
0x6b: {  	s25 =	simm.s32 $0x8400  }
0x6c: {  	[tilespmem:s25], [sflag:$0x2] =	stream.indirect_vreg.gather [hbm4b:s5+s3], $0x80, v3, vm0, $0xb8;
	[tilespmem:$0x18400] =	vst v63  }
0x6d: {  	s26 =	simm.s32 $0x8C00  }
0x6e: {  	[tilespmem:s26], [sflag:$0x2] =	stream.indirect_vreg.gather [hbm4b:s6+s3], $0x80, v3, vm0, $0xb8;
	[tilespmem:$0x18400] =	vst v63  }
0x6f: {  	v3 =	vld [tilespmem:$0x30];
	_ =	sdelay $0x4  }
0x70: {  	v59 =	vshrl.u32 v3, $0x3  }
0x71: {  	v4 =	vmul.u32 $0x30, v59  }
0x72: {  	v3 =	vand.u32 $0x7, v3  }
0x73: {  	v3 =	vor.u32 v3, v4  }
0x74: {  	v4 =	vperm.xlane v3, v0;
	_ =	sdelay $0x1  }
0x75: {  	v4 =	vadd.s32 v1, v4;
	_ =	sdelay $0x3  }
0x76: {  	s29 =	simm.s32 $0x9400;
	v3 =	vperm.xlane v3, v2  }
0x77: {  	[tilespmem:s29], [sflag:$0x2] =	stream.indirect_vreg.gather [hbm4b:s2+s3], $0x80, v4, vm0, $0xb8;
	[tilespmem:$0x18400] =	vst v63  }
0x78: {  	s31 =	simm.s32 $0x9C00;
	v3 =	vadd.s32 v1, v3  }
0x79: {  	[tilespmem:s31], [sflag:$0x2] =	stream.indirect_vreg.gather [hbm4b:s5+s3], $0x80, v4, vm0, $0xb8;
	[tilespmem:$0x18400] =	vst v63  }
0x7a: {  	s8 =	simm.s32 $0xA400  }
0x7b: {  	[tilespmem:s8], [sflag:$0x2] =	stream.indirect_vreg.gather [hbm4b:s6+s3], $0x80, v4, vm0, $0xb8;
	[tilespmem:$0x18400] =	vst v63  }
0x7c: {  	s17 =	simm.s32 $0xAC00  }
0x7d: {  	[tilespmem:s17], [sflag:$0x2] =	stream.indirect_vreg.gather [hbm4b:s2+s3], $0x80, v3, vm0, $0xb8;
	[tilespmem:$0x18400] =	vst v63  }
0x7e: {  	s29 =	simm.s32 $0xB400  }
0x7f: {  	[tilespmem:s29], [sflag:$0x2] =	stream.indirect_vreg.gather [hbm4b:s5+s3], $0x80, v3, vm0, $0xb8;
	[tilespmem:$0x18400] =	vst v63  }
0x80: {  	s31 =	simm.s32 $0xBC00  }
0x81: {  	[tilespmem:s31], [sflag:$0x2] =	stream.indirect_vreg.gather [hbm4b:s6+s3], $0x80, v3, vm0, $0xb8;
	[tilespmem:$0x18400] =	vst v63  }
0x82: {  	v3 =	vld [tilespmem:$0x40];
	_ =	sdelay $0x4  }
0x83: {  	v60 =	vshrl.u32 v3, $0x3  }
0x84: {  	v4 =	vmul.u32 $0x30, v60  }
0x85: {  	v3 =	vand.u32 $0x7, v3  }
0x86: {  	v3 =	vor.u32 v3, v4  }
0x87: {  	v4 =	vperm.xlane v3, v0;
	_ =	sdelay $0x1  }
0x88: {  	v4 =	vadd.s32 v1, v4;
	_ =	sdelay $0x3  }
0x89: {  	s8 =	simm.s32 $0xC400;
	v3 =	vperm.xlane v3, v2  }
0x8a: {  	[tilespmem:s8], [sflag:$0x3] =	stream.indirect_vreg.gather [hbm4b:s2+s3], $0x80, v4, vm0, $0xb8;
	[tilespmem:$0x18400] =	vst v63  }
0x8b: {  	s17 =	simm.s32 $0xCC00;
	v3 =	vadd.s32 v1, v3  }
0x8c: {  	[tilespmem:s17], [sflag:$0x3] =	stream.indirect_vreg.gather [hbm4b:s5+s3], $0x80, v4, vm0, $0xb8;
	[tilespmem:$0x18400] =	vst v63  }
0x8d: {  	s8 =	simm.s32 $0xD400  }
0x8e: {  	[tilespmem:s8], [sflag:$0x3] =	stream.indirect_vreg.gather [hbm4b:s6+s3], $0x80, v4, vm0, $0xb8;
	[tilespmem:$0x18400] =	vst v63  }
0x8f: {  	s17 =	simm.s32 $0xDC00  }
0x90: {  	[tilespmem:s17], [sflag:$0x3] =	stream.indirect_vreg.gather [hbm4b:s2+s3], $0x80, v3, vm0, $0xb8;
	[tilespmem:$0x18400] =	vst v63  }
0x91: {  	s8 =	simm.s32 $0xE400  }
0x92: {  	[tilespmem:s8], [sflag:$0x3] =	stream.indirect_vreg.gather [hbm4b:s5+s3], $0x80, v3, vm0, $0xb8;
	[tilespmem:$0x18400] =	vst v63  }
0x93: {  	s17 =	simm.s32 $0xEC00  }
0x94: {  	[tilespmem:s17], [sflag:$0x3] =	stream.indirect_vreg.gather [hbm4b:s6+s3], $0x80, v3, vm0, $0xb8;
	[tilespmem:$0x18400] =	vst v63  }
0x95: {  	v3 =	vld [tilespmem:$0x50];
	_ =	sdelay $0x4  }
0x96: {  	v61 =	vshrl.u32 v3, $0x3  }
0x97: {  	v4 =	vmul.u32 $0x30, v61  }
0x98: {  	v3 =	vand.u32 $0x7, v3  }
0x99: {  	v3 =	vor.u32 v3, v4  }
0x9a: {  	v4 =	vperm.xlane v3, v0;
	_ =	sdelay $0x1  }
0x9b: {  	v4 =	vadd.s32 v1, v4;
	_ =	sdelay $0x3  }
0x9c: {  	s8 =	simm.s32 $0xF400;
	v3 =	vperm.xlane v3, v2  }
0x9d: {  	[tilespmem:s8], [sflag:$0x3] =	stream.indirect_vreg.gather [hbm4b:s2+s3], $0x80, v4, vm0, $0xb8;
	[tilespmem:$0x18400] =	vst v63  }
0x9e: {  	s17 =	simm.s32 $0xFC00;
	v3 =	vadd.s32 v1, v3  }
0x9f: {  	[tilespmem:s17], [sflag:$0x3] =	stream.indirect_vreg.gather [hbm4b:s5+s3], $0x80, v4, vm0, $0xb8;
	[tilespmem:$0x18400] =	vst v63  }
0xa0: {  	s8 =	simm.s32 $0x10400  }
0xa1: {  	[tilespmem:s8], [sflag:$0x3] =	stream.indirect_vreg.gather [hbm4b:s6+s3], $0x80, v4, vm0, $0xb8;
	[tilespmem:$0x18400] =	vst v63  }
0xa2: {  	s17 =	simm.s32 $0x10C00  }
0xa3: {  	[tilespmem:s17], [sflag:$0x3] =	stream.indirect_vreg.gather [hbm4b:s2+s3], $0x80, v3, vm0, $0xb8;
	[tilespmem:$0x18400] =	vst v63  }
0xa4: {  	s8 =	simm.s32 $0x11400  }
0xa5: {  	[tilespmem:s8], [sflag:$0x3] =	stream.indirect_vreg.gather [hbm4b:s5+s3], $0x80, v3, vm0, $0xb8;
	[tilespmem:$0x18400] =	vst v63  }
0xa6: {  	s17 =	simm.s32 $0x11C00  }
0xa7: {  	[tilespmem:s17], [sflag:$0x3] =	stream.indirect_vreg.gather [hbm4b:s6+s3], $0x80, v3, vm0, $0xb8;
	[tilespmem:$0x18400] =	vst v63  }
0xa8: {  	_ =	swait.ge [sflag:s20], $0x6000  }
0xa9: {  	[sflag:s20] =	ssyncset.done $0x0  }
0xaa: {  	[sflag:s20] =	ssyncadd.s32 $0xFFFFA000  }
0xab: {  	v3 =	vld [tilespmem:$0x60];
	_ =	sdelay $0x4  }
0xac: {  	v62 =	vshrl.u32 v3, $0x3  }
0xad: {  	v4 =	vmul.u32 $0x30, v62  }
0xae: {  	v3 =	vand.u32 $0x7, v3  }
0xaf: {  	v3 =	vor.u32 v3, v4  }
0xb0: {  	v4 =	vperm.xlane v3, v0;
	_ =	sdelay $0x1  }
0xb1: {  	v4 =	vadd.s32 v1, v4;
	_ =	sdelay $0x3  }
0xb2: {  	s8 =	simm.s32 $0x12400;
	v3 =	vperm.xlane v3, v2  }
0xb3: {  	[tilespmem:s8], [sflag:$0x4] =	stream.indirect_vreg.gather [hbm4b:s2+s3], $0x80, v4, vm0, $0xb8;
	[tilespmem:$0x18400] =	vst v63  }
0xb4: {  	s17 =	simm.s32 $0x12C00;
	v3 =	vadd.s32 v1, v3  }
0xb5: {  	[tilespmem:s17], [sflag:$0x4] =	stream.indirect_vreg.gather [hbm4b:s5+s3], $0x80, v4, vm0, $0xb8;
	[tilespmem:$0x18400] =	vst v63  }
0xb6: {  	s17 =	simm.s32 $0x13400  }
0xb7: {  	[tilespmem:s17], [sflag:$0x4] =	stream.indirect_vreg.gather [hbm4b:s6+s3], $0x80, v4, vm0, $0xb8;
	[tilespmem:$0x18400] =	vst v63  }
0xb8: {  	s17 =	simm.s32 $0x13C00  }
0xb9: {  	[tilespmem:s17], [sflag:$0x4] =	stream.indirect_vreg.gather [hbm4b:s2+s3], $0x80, v3, vm0, $0xb8;
	[tilespmem:$0x18400] =	vst v63  }
0xba: {  	s17 =	simm.s32 $0x14400  }
0xbb: {  	[tilespmem:s17], [sflag:$0x4] =	stream.indirect_vreg.gather [hbm4b:s5+s3], $0x80, v3, vm0, $0xb8;
	[tilespmem:$0x18400] =	vst v63  }
0xbc: {  	s17 =	simm.s32 $0x14C00  }
0xbd: {  	[tilespmem:s17], [sflag:$0x4] =	stream.indirect_vreg.gather [hbm4b:s6+s3], $0x80, v3, vm0, $0xb8;
	[tilespmem:$0x18400] =	vst v63  }
0xbe: {  	v3 =	vld [tilespmem:$0x70];
	_ =	sdelay $0x4  }
0xbf: {  	v63 =	vshrl.u32 v3, $0x3  }
0xc0: {  	v4 =	vmul.u32 $0x30, v63  }
0xc1: {  	v3 =	vand.u32 $0x7, v3  }
0xc2: {  	v3 =	vor.u32 v3, v4  }
0xc3: {  	v4 =	vperm.xlane v3, v0;
	_ =	sdelay $0x1  }
0xc4: {  	v4 =	vadd.s32 v1, v4;
	_ =	sdelay $0x3  }
0xc5: {  	s17 =	simm.s32 $0x15400;
	v3 =	vperm.xlane v3, v2  }
0xc6: {  	[tilespmem:s17], [sflag:$0x4] =	stream.indirect_vreg.gather [hbm4b:s2+s3], $0x80, v4, vm0, $0xb8;
	[tilespmem:$0x18400] =	vst v63  }
0xc7: {  	v3 =	vadd.s32 v1, v3;
	s17 =	simm.s32 $0x15C00  }
0xc8: {  	[tilespmem:s17], [sflag:$0x4] =	stream.indirect_vreg.gather [hbm4b:s5+s3], $0x80, v4, vm0, $0xb8;
	[tilespmem:$0x18400] =	vst v63  }
0xc9: {  	s17 =	simm.s32 $0x16400  }
0xca: {  	[tilespmem:s17], [sflag:$0x4] =	stream.indirect_vreg.gather [hbm4b:s6+s3], $0x80, v4, vm0, $0xb8;
	[tilespmem:$0x18400] =	vst v63  }
0xcb: {  	s17 =	simm.s32 $0x16C00  }
0xcc: {  	[tilespmem:s17], [sflag:$0x4] =	stream.indirect_vreg.gather [hbm4b:s2+s3], $0x80, v3, vm0, $0xb8;
	[tilespmem:$0x18400] =	vst v63  }
0xcd: {  	s17 =	simm.s32 $0x17400  }
0xce: {  	[tilespmem:s17], [sflag:$0x4] =	stream.indirect_vreg.gather [hbm4b:s5+s3], $0x80, v3, vm0, $0xb8;
	[tilespmem:$0x18400] =	vst v63  }
0xcf: {  	s0 =	simm.s32 $0x17C00;
	s17 =	sld [smem:$0x7F7]  }
0xd0: {  	[tilespmem:s0], [sflag:$0x4] =	stream.indirect_vreg.gather [hbm4b:s6+s3], $0x80, v3, vm0, $0xb8;
	[tilespmem:$0x18400] =	vst v63  }
0xd1: {  	s0 =	simm.s32 $0x400  }
0xd2: {  	[hbm4b:s17+s3] =	stream.linear.scatter [tilespmem:s0], [sflag:$0x5], $0x6000, $0x38;
	[tilespmem:$0x18400] =	vst v63  }
0xd3: {  	_ =	swait.ge [sflag:s10], $0x6000  }
0xd4: {  	[sflag:s10] =	ssyncset.done $0x0  }
0xd5: {  	[sflag:s10] =	ssyncadd.s32 $0xFFFFA000  }
0xd6: {  	_ =	swait.ge [sflag:s11], $0x6000  }
0xd7: {  	[sflag:s11] =	ssyncset.done $0x0  }
0xd8: {  	[sflag:s11] =	ssyncadd.s32 $0xFFFFA000  }
0xd9: {  	v3 =	vld [tilespmem:$0x80];
	_ =	sdelay $0x4  }
0xda: {  	v8 =	vshrl.u32 v3, $0x3  }
0xdb: {  	v4 =	vmul.u32 $0x30, v8  }
0xdc: {  	v3 =	vand.u32 $0x7, v3  }
0xdd: {  	v3 =	vor.u32 v3, v4  }
0xde: {  	v4 =	vperm.xlane v3, v0;
	_ =	sdelay $0x1  }
0xdf: {  	v4 =	vadd.s32 v1, v4;
	_ =	sdelay $0x3  }
0xe0: {  	v3 =	vperm.xlane v3, v2  }
0xe1: {  	[tilespmem:s0], [sflag:$0x1] =	stream.indirect_vreg.gather [hbm4b:s2+s3], $0x80, v4, vm0, $0xb8;
	[tilespmem:$0x18400] =	vst v63  }
0xe2: {  	s9 =	simm.s32 $0xC00;
	v3 =	vadd.s32 v1, v3  }
0xe3: {  	[tilespmem:s9], [sflag:$0x1] =	stream.indirect_vreg.gather [hbm4b:s5+s3], $0x80, v4, vm0, $0xb8;
	[tilespmem:$0x18400] =	vst v63  }
0xe4: {  	s21 =	simm.s32 $0x1400  }
0xe5: {  	[tilespmem:s21], [sflag:$0x1] =	stream.indirect_vreg.gather [hbm4b:s6+s3], $0x80, v4, vm0, $0xb8;
	[tilespmem:$0x18400] =	vst v63  }
0xe6: {  	s28 =	simm.s32 $0x1C00  }
0xe7: {  	[tilespmem:s28], [sflag:$0x1] =	stream.indirect_vreg.gather [hbm4b:s2+s3], $0x80, v3, vm0, $0xb8;
	[tilespmem:$0x18400] =	vst v63  }
0xe8: {  	s22 =	simm.s32 $0x2400  }
0xe9: {  	[tilespmem:s22], [sflag:$0x1] =	stream.indirect_vreg.gather [hbm4b:s5+s3], $0x80, v3, vm0, $0xb8;
	[tilespmem:$0x18400] =	vst v63  }
0xea: {  	s1 =	simm.s32 $0x2C00  }
0xeb: {  	[tilespmem:s1], [sflag:$0x1] =	stream.indirect_vreg.gather [hbm4b:s6+s3], $0x80, v3, vm0, $0xb8;
	[tilespmem:$0x18400] =	vst v63  }
0xec: {  	v3 =	vld [tilespmem:$0x90];
	_ =	sdelay $0x4  }
0xed: {  	v9 =	vshrl.u32 v3, $0x3  }
0xee: {  	v4 =	vmul.u32 $0x30, v9  }
0xef: {  	v3 =	vand.u32 $0x7, v3  }
0xf0: {  	v3 =	vor.u32 v3, v4  }
0xf1: {  	v4 =	vperm.xlane v3, v0;
	_ =	sdelay $0x1  }
0xf2: {  	v4 =	vadd.s32 v1, v4;
	_ =	sdelay $0x3  }
0xf3: {  	s4 =	simm.s32 $0x3400;
	v3 =	vperm.xlane v3, v2  }
0xf4: {  	[tilespmem:s4], [sflag:$0x1] =	stream.indirect_vreg.gather [hbm4b:s2+s3], $0x80, v4, vm0, $0xb8;
	[tilespmem:$0x18400] =	vst v63  }
0xf5: {  	s23 =	simm.s32 $0x3C00;
	v3 =	vadd.s32 v1, v3  }
0xf6: {  	[tilespmem:s23], [sflag:$0x1] =	stream.indirect_vreg.gather [hbm4b:s5+s3], $0x80, v4, vm0, $0xb8;
	[tilespmem:$0x18400] =	vst v63  }
0xf7: {  	s7 =	simm.s32 $0x4400  }
0xf8: {  	[tilespmem:s7], [sflag:$0x1] =	stream.indirect_vreg.gather [hbm4b:s6+s3], $0x80, v4, vm0, $0xb8;
	[tilespmem:$0x18400] =	vst v63  }
0xf9: {  	s18 =	simm.s32 $0x4C00  }
0xfa: {  	[tilespmem:s18], [sflag:$0x1] =	stream.indirect_vreg.gather [hbm4b:s2+s3], $0x80, v3, vm0, $0xb8;
	[tilespmem:$0x18400] =	vst v63  }
0xfb: {  	s19 =	simm.s32 $0x5400  }
0xfc: {  	[tilespmem:s19], [sflag:$0x1] =	stream.indirect_vreg.gather [hbm4b:s5+s3], $0x80, v3, vm0, $0xb8;
	[tilespmem:$0x18400] =	vst v63  }
0xfd: {  	s24 =	simm.s32 $0x5C00  }
0xfe: {  	[tilespmem:s24], [sflag:$0x1] =	stream.indirect_vreg.gather [hbm4b:s6+s3], $0x80, v3, vm0, $0xb8;
	[tilespmem:$0x18400] =	vst v63  }
0xff: {  	s23 =	rddreg [dreg:$0x5];
	s24 =	simm.s32 $0x6400  }
0x100: {  	[hbm4b:s23+s3] =	stream.linear.scatter [tilespmem:s24], [sflag:$0x6], $0x6000, $0x38;
	[tilespmem:$0x18400] =	vst v63  }
0x101: {  	_ =	swait.ge [sflag:s12], $0x6000  }
0x102: {  	[sflag:s12] =	ssyncset.done $0x0  }
0x103: {  	[sflag:s12] =	ssyncadd.s32 $0xFFFFA000  }
0x104: {  	_ =	swait.ge [sflag:s13], $0x6000  }
0x105: {  	[sflag:s13] =	ssyncset.done $0x0  }
0x106: {  	[sflag:s13] =	ssyncadd.s32 $0xFFFFA000  }
0x107: {  	v3 =	vld [tilespmem:$0xA0];
	_ =	sdelay $0x4  }
0x108: {  	v10 =	vshrl.u32 v3, $0x3  }
0x109: {  	v4 =	vmul.u32 $0x30, v10  }
0x10a: {  	v3 =	vand.u32 $0x7, v3  }
0x10b: {  	v3 =	vor.u32 v3, v4  }
0x10c: {  	v4 =	vperm.xlane v3, v0;
	_ =	sdelay $0x1  }
0x10d: {  	v4 =	vadd.s32 v1, v4;
	_ =	sdelay $0x3  }
0x10e: {  	v3 =	vperm.xlane v3, v2  }
0x10f: {  	[tilespmem:s24], [sflag:$0x2] =	stream.indirect_vreg.gather [hbm4b:s2+s3], $0x80, v4, vm0, $0xb8;
	[tilespmem:$0x18400] =	vst v63  }
0x110: {  	s30 =	simm.s32 $0x6C00;
	v3 =	vadd.s32 v1, v3  }
0x111: {  	[tilespmem:s30], [sflag:$0x2] =	stream.indirect_vreg.gather [hbm4b:s5+s3], $0x80, v4, vm0, $0xb8;
	[tilespmem:$0x18400] =	vst v63  }
0x112: {  	s9 =	simm.s32 $0x7400  }
0x113: {  	[tilespmem:s9], [sflag:$0x2] =	stream.indirect_vreg.gather [hbm4b:s6+s3], $0x80, v4, vm0, $0xb8;
	[tilespmem:$0x18400] =	vst v63  }
0x114: {  	s28 =	simm.s32 $0x7C00  }
0x115: {  	[tilespmem:s28], [sflag:$0x2] =	stream.indirect_vreg.gather [hbm4b:s2+s3], $0x80, v3, vm0, $0xb8;
	[tilespmem:$0x18400] =	vst v63  }
0x116: {  	s4 =	simm.s32 $0x8400  }
0x117: {  	[tilespmem:s4], [sflag:$0x2] =	stream.indirect_vreg.gather [hbm4b:s5+s3], $0x80, v3, vm0, $0xb8;
	[tilespmem:$0x18400] =	vst v63  }
0x118: {  	s26 =	simm.s32 $0x8C00  }
0x119: {  	[tilespmem:s26], [sflag:$0x2] =	stream.indirect_vreg.gather [hbm4b:s6+s3], $0x80, v3, vm0, $0xb8;
	[tilespmem:$0x18400] =	vst v63  }
0x11a: {  	v3 =	vld [tilespmem:$0xB0];
	_ =	sdelay $0x4  }
0x11b: {  	v11 =	vshrl.u32 v3, $0x3  }
0x11c: {  	v4 =	vmul.u32 $0x30, v11  }
0x11d: {  	v3 =	vand.u32 $0x7, v3  }
0x11e: {  	v3 =	vor.u32 v3, v4  }
0x11f: {  	v4 =	vperm.xlane v3, v0;
	_ =	sdelay $0x1  }
0x120: {  	v4 =	vadd.s32 v1, v4;
	_ =	sdelay $0x3  }
0x121: {  	s25 =	simm.s32 $0x9400;
	v3 =	vperm.xlane v3, v2  }
0x122: {  	[tilespmem:s25], [sflag:$0x2] =	stream.indirect_vreg.gather [hbm4b:s2+s3], $0x80, v4, vm0, $0xb8;
	[tilespmem:$0x18400] =	vst v63  }
0x123: {  	s18 =	simm.s32 $0x9C00;
	v3 =	vadd.s32 v1, v3  }
0x124: {  	[tilespmem:s18], [sflag:$0x2] =	stream.indirect_vreg.gather [hbm4b:s5+s3], $0x80, v4, vm0, $0xb8;
	[tilespmem:$0x18400] =	vst v63  }
0x125: {  	s19 =	simm.s32 $0xA400  }
0x126: {  	[tilespmem:s19], [sflag:$0x2] =	stream.indirect_vreg.gather [hbm4b:s6+s3], $0x80, v4, vm0, $0xb8;
	[tilespmem:$0x18400] =	vst v63  }
0x127: {  	s21 =	simm.s32 $0xAC00  }
0x128: {  	[tilespmem:s21], [sflag:$0x2] =	stream.indirect_vreg.gather [hbm4b:s2+s3], $0x80, v3, vm0, $0xb8;
	[tilespmem:$0x18400] =	vst v63  }
0x129: {  	s29 =	simm.s32 $0xB400  }
0x12a: {  	[tilespmem:s29], [sflag:$0x2] =	stream.indirect_vreg.gather [hbm4b:s5+s3], $0x80, v3, vm0, $0xb8;
	[tilespmem:$0x18400] =	vst v63  }
0x12b: {  	s31 =	simm.s32 $0xBC00  }
0x12c: {  	[tilespmem:s31], [sflag:$0x2] =	stream.indirect_vreg.gather [hbm4b:s6+s3], $0x80, v3, vm0, $0xb8;
	[tilespmem:$0x18400] =	vst v63  }
0x12d: {  	s26 =	rddreg [dreg:$0x6];
	s29 =	simm.s32 $0xC400  }
0x12e: {  	[hbm4b:s26+s3] =	stream.linear.scatter [tilespmem:s29], [sflag:$0x7], $0x6000, $0x38;
	[tilespmem:$0x18400] =	vst v63  }
0x12f: {  	_ =	swait.ge [sflag:s14], $0x6000  }
0x130: {  	[sflag:s14] =	ssyncset.done $0x0  }
0x131: {  	[sflag:s14] =	ssyncadd.s32 $0xFFFFA000  }
0x132: {  	_ =	swait.ge [sflag:s15], $0x6000  }
0x133: {  	[sflag:s15] =	ssyncset.done $0x0  }
0x134: {  	[sflag:s15] =	ssyncadd.s32 $0xFFFFA000  }
0x135: {  	v3 =	vld [tilespmem:$0xC0];
	_ =	sdelay $0x4  }
0x136: {  	v12 =	vshrl.u32 v3, $0x3  }
0x137: {  	v4 =	vmul.u32 $0x30, v12  }
0x138: {  	v3 =	vand.u32 $0x7, v3  }
0x139: {  	v3 =	vor.u32 v3, v4  }
0x13a: {  	v4 =	vperm.xlane v3, v0;
	_ =	sdelay $0x1  }
0x13b: {  	v4 =	vadd.s32 v1, v4;
	_ =	sdelay $0x3  }
0x13c: {  	v3 =	vperm.xlane v3, v2  }
0x13d: {  	[tilespmem:s29], [sflag:$0x3] =	stream.indirect_vreg.gather [hbm4b:s2+s3], $0x80, v4, vm0, $0xb8;
	[tilespmem:$0x18400] =	vst v63  }
0x13e: {  	s30 =	simm.s32 $0xCC00;
	v3 =	vadd.s32 v1, v3  }
0x13f: {  	[tilespmem:s30], [sflag:$0x3] =	stream.indirect_vreg.gather [hbm4b:s5+s3], $0x80, v4, vm0, $0xb8;
	[tilespmem:$0x18400] =	vst v63  }
0x140: {  	s31 =	simm.s32 $0xD400  }
0x141: {  	[tilespmem:s31], [sflag:$0x3] =	stream.indirect_vreg.gather [hbm4b:s6+s3], $0x80, v4, vm0, $0xb8;
	[tilespmem:$0x18400] =	vst v63  }
0x142: {  	s1 =	simm.s32 $0xDC00  }
0x143: {  	[tilespmem:s1], [sflag:$0x3] =	stream.indirect_vreg.gather [hbm4b:s2+s3], $0x80, v3, vm0, $0xb8;
	[tilespmem:$0x18400] =	vst v63  }
0x144: {  	s7 =	simm.s32 $0xE400  }
0x145: {  	[tilespmem:s7], [sflag:$0x3] =	stream.indirect_vreg.gather [hbm4b:s5+s3], $0x80, v3, vm0, $0xb8;
	[tilespmem:$0x18400] =	vst v63  }
0x146: {  	s17 =	simm.s32 $0xEC00  }
0x147: {  	[tilespmem:s17], [sflag:$0x3] =	stream.indirect_vreg.gather [hbm4b:s6+s3], $0x80, v3, vm0, $0xb8;
	[tilespmem:$0x18400] =	vst v63  }
0x148: {  	v3 =	vld [tilespmem:$0xD0];
	_ =	sdelay $0x4  }
0x149: {  	v13 =	vshrl.u32 v3, $0x3  }
0x14a: {  	v4 =	vmul.u32 $0x30, v13  }
0x14b: {  	v3 =	vand.u32 $0x7, v3  }
0x14c: {  	v3 =	vor.u32 v3, v4  }
0x14d: {  	v4 =	vperm.xlane v3, v0;
	_ =	sdelay $0x1  }
0x14e: {  	v4 =	vadd.s32 v1, v4;
	_ =	sdelay $0x3  }
0x14f: {  	s22 =	simm.s32 $0xF400;
	v3 =	vperm.xlane v3, v2  }
0x150: {  	[tilespmem:s22], [sflag:$0x3] =	stream.indirect_vreg.gather [hbm4b:s2+s3], $0x80, v4, vm0, $0xb8;
	[tilespmem:$0x18400] =	vst v63  }
0x151: {  	s29 =	simm.s32 $0xFC00;
	v3 =	vadd.s32 v1, v3  }
0x152: {  	[tilespmem:s29], [sflag:$0x3] =	stream.indirect_vreg.gather [hbm4b:s5+s3], $0x80, v4, vm0, $0xb8;
	[tilespmem:$0x18400] =	vst v63  }
0x153: {  	s30 =	simm.s32 $0x10400  }
0x154: {  	[tilespmem:s30], [sflag:$0x3] =	stream.indirect_vreg.gather [hbm4b:s6+s3], $0x80, v4, vm0, $0xb8;
	[tilespmem:$0x18400] =	vst v63  }
0x155: {  	s31 =	simm.s32 $0x10C00  }
0x156: {  	[tilespmem:s31], [sflag:$0x3] =	stream.indirect_vreg.gather [hbm4b:s2+s3], $0x80, v3, vm0, $0xb8;
	[tilespmem:$0x18400] =	vst v63  }
0x157: {  	s22 =	simm.s32 $0x11400  }
0x158: {  	[tilespmem:s22], [sflag:$0x3] =	stream.indirect_vreg.gather [hbm4b:s5+s3], $0x80, v3, vm0, $0xb8;
	[tilespmem:$0x18400] =	vst v63  }
0x159: {  	s24 =	simm.s32 $0x11C00  }
0x15a: {  	[tilespmem:s24], [sflag:$0x3] =	stream.indirect_vreg.gather [hbm4b:s6+s3], $0x80, v3, vm0, $0xb8;
	[tilespmem:$0x18400] =	vst v63  }
0x15b: {  	s8 =	simm.s32 $0x12400;
	s23 =	rddreg [dreg:$0x7]  }
0x15c: {  	[hbm4b:s23+s3] =	stream.linear.scatter [tilespmem:s8], [sflag:$0x8], $0x6000, $0x38;
	[tilespmem:$0x18400] =	vst v63  }
0x15d: {  	_ =	swait.ge [sflag:s20], $0x6000  }
0x15e: {  	[sflag:s20] =	ssyncset.done $0x0  }
0x15f: {  	[sflag:s20] =	ssyncadd.s32 $0xFFFFA000  }
0x160: {  	_ =	swait.ge [sflag:s16], $0x6000  }
0x161: {  	[sflag:s16] =	ssyncset.done $0x0  }
0x162: {  	[sflag:s16] =	ssyncadd.s32 $0xFFFFA000  }
0x163: {  	v3 =	vld [tilespmem:$0xE0];
	_ =	sdelay $0x4  }
0x164: {  	v14 =	vshrl.u32 v3, $0x3  }
0x165: {  	v4 =	vmul.u32 $0x30, v14  }
0x166: {  	v3 =	vand.u32 $0x7, v3  }
0x167: {  	v3 =	vor.u32 v3, v4  }
0x168: {  	v4 =	vperm.xlane v3, v0;
	_ =	sdelay $0x1  }
0x169: {  	v4 =	vadd.s32 v1, v4;
	_ =	sdelay $0x3  }
0x16a: {  	v3 =	vperm.xlane v3, v2  }
0x16b: {  	[tilespmem:s8], [sflag:$0x4] =	stream.indirect_vreg.gather [hbm4b:s2+s3], $0x80, v4, vm0, $0xb8;
	[tilespmem:$0x18400] =	vst v63  }
0x16c: {  	s7 =	simm.s32 $0x12C00;
	v3 =	vadd.s32 v1, v3  }
0x16d: {  	[tilespmem:s7], [sflag:$0x4] =	stream.indirect_vreg.gather [hbm4b:s5+s3], $0x80, v4, vm0, $0xb8;
	[tilespmem:$0x18400] =	vst v63  }
0x16e: {  	s8 =	simm.s32 $0x13400  }
0x16f: {  	[tilespmem:s8], [sflag:$0x4] =	stream.indirect_vreg.gather [hbm4b:s6+s3], $0x80, v4, vm0, $0xb8;
	[tilespmem:$0x18400] =	vst v63  }
0x170: {  	s1 =	simm.s32 $0x13C00  }
0x171: {  	[tilespmem:s1], [sflag:$0x4] =	stream.indirect_vreg.gather [hbm4b:s2+s3], $0x80, v3, vm0, $0xb8;
	[tilespmem:$0x18400] =	vst v63  }
0x172: {  	s23 =	simm.s32 $0x14400  }
0x173: {  	[tilespmem:s23], [sflag:$0x4] =	stream.indirect_vreg.gather [hbm4b:s5+s3], $0x80, v3, vm0, $0xb8;
	[tilespmem:$0x18400] =	vst v63  }
0x174: {  	s25 =	simm.s32 $0x14C00  }
0x175: {  	[tilespmem:s25], [sflag:$0x4] =	stream.indirect_vreg.gather [hbm4b:s6+s3], $0x80, v3, vm0, $0xb8;
	[tilespmem:$0x18400] =	vst v63  }
0x176: {  	v3 =	vld [tilespmem:$0xF0];
	_ =	sdelay $0x4  }
0x177: {  	v15 =	vshrl.u32 v3, $0x3  }
0x178: {  	v4 =	vmul.u32 $0x30, v15  }
0x179: {  	v3 =	vand.u32 $0x7, v3  }
0x17a: {  	v3 =	vor.u32 v3, v4  }
0x17b: {  	v4 =	vperm.xlane v3, v0;
	_ =	sdelay $0x1  }
0x17c: {  	v4 =	vadd.s32 v1, v4;
	_ =	sdelay $0x3  }
0x17d: {  	s26 =	simm.s32 $0x15400;
	v3 =	vperm.xlane v3, v2  }
0x17e: {  	[tilespmem:s26], [sflag:$0x4] =	stream.indirect_vreg.gather [hbm4b:s2+s3], $0x80, v4, vm0, $0xb8;
	[tilespmem:$0x18400] =	vst v63  }
0x17f: {  	s24 =	simm.s32 $0x15C00;
	v3 =	vadd.s32 v1, v3  }
0x180: {  	[tilespmem:s24], [sflag:$0x4] =	stream.indirect_vreg.gather [hbm4b:s5+s3], $0x80, v4, vm0, $0xb8;
	[tilespmem:$0x18400] =	vst v63  }
0x181: {  	s25 =	simm.s32 $0x16400  }
0x182: {  	[tilespmem:s25], [sflag:$0x4] =	stream.indirect_vreg.gather [hbm4b:s6+s3], $0x80, v4, vm0, $0xb8;
	[tilespmem:$0x18400] =	vst v63  }
0x183: {  	s26 =	simm.s32 $0x16C00  }
0x184: {  	[tilespmem:s26], [sflag:$0x4] =	stream.indirect_vreg.gather [hbm4b:s2+s3], $0x80, v3, vm0, $0xb8;
	[tilespmem:$0x18400] =	vst v63  }
0x185: {  	s17 =	simm.s32 $0x17400  }
0x186: {  	[tilespmem:s17], [sflag:$0x4] =	stream.indirect_vreg.gather [hbm4b:s5+s3], $0x80, v3, vm0, $0xb8;
	[tilespmem:$0x18400] =	vst v63  }
0x187: {  	s0 =	simm.s32 $0x17C00  }
0x188: {  	[tilespmem:s0], [sflag:$0x4] =	stream.indirect_vreg.gather [hbm4b:s6+s3], $0x80, v3, vm0, $0xb8;
	[tilespmem:$0x18400] =	vst v63  }
0x189: {  	s17 =	rddreg [dreg:$0x8];
	s0 =	simm.s32 $0x400  }
0x18a: {  	[hbm4b:s17+s3] =	stream.linear.scatter [tilespmem:s0], [sflag:$0x5], $0x6000, $0x38;
	[tilespmem:$0x18400] =	vst v63  }
0x18b: {  	_ =	swait.ge [sflag:s10], $0x6000  }
0x18c: {  	[sflag:s10] =	ssyncset.done $0x0  }
0x18d: {  	[sflag:s10] =	ssyncadd.s32 $0xFFFFA000  }
0x18e: {  	_ =	swait.ge [sflag:s11], $0x6000  }
0x18f: {  	[sflag:s11] =	ssyncset.done $0x0  }
0x190: {  	[sflag:s11] =	ssyncadd.s32 $0xFFFFA000  }
0x191: {  	v3 =	vld [tilespmem:$0x100];
	_ =	sdelay $0x4  }
0x192: {  	v16 =	vshrl.u32 v3, $0x3  }
0x193: {  	v4 =	vmul.u32 $0x30, v16  }
0x194: {  	v3 =	vand.u32 $0x7, v3  }
0x195: {  	v3 =	vor.u32 v3, v4  }
0x196: {  	v4 =	vperm.xlane v3, v0;
	_ =	sdelay $0x1  }
0x197: {  	v4 =	vadd.s32 v1, v4;
	_ =	sdelay $0x3  }
0x198: {  	v3 =	vperm.xlane v3, v2  }
0x199: {  	[tilespmem:s0], [sflag:$0x1] =	stream.indirect_vreg.gather [hbm4b:s2+s3], $0x80, v4, vm0, $0xb8;
	[tilespmem:$0x18400] =	vst v63  }
0x19a: {  	s17 =	simm.s32 $0xC00;
	v3 =	vadd.s32 v1, v3  }
0x19b: {  	[tilespmem:s17], [sflag:$0x1] =	stream.indirect_vreg.gather [hbm4b:s5+s3], $0x80, v4, vm0, $0xb8;
	[tilespmem:$0x18400] =	vst v63  }
0x19c: {  	s17 =	simm.s32 $0x1400  }
0x19d: {  	[tilespmem:s17], [sflag:$0x1] =	stream.indirect_vreg.gather [hbm4b:s6+s3], $0x80, v4, vm0, $0xb8;
	[tilespmem:$0x18400] =	vst v63  }
0x19e: {  	s17 =	simm.s32 $0x1C00  }
0x19f: {  	[tilespmem:s17], [sflag:$0x1] =	stream.indirect_vreg.gather [hbm4b:s2+s3], $0x80, v3, vm0, $0xb8;
	[tilespmem:$0x18400] =	vst v63  }
0x1a0: {  	s17 =	simm.s32 $0x2400  }
0x1a1: {  	[tilespmem:s17], [sflag:$0x1] =	stream.indirect_vreg.gather [hbm4b:s5+s3], $0x80, v3, vm0, $0xb8;
	[tilespmem:$0x18400] =	vst v63  }
0x1a2: {  	s17 =	simm.s32 $0x2C00  }
0x1a3: {  	[tilespmem:s17], [sflag:$0x1] =	stream.indirect_vreg.gather [hbm4b:s6+s3], $0x80, v3, vm0, $0xb8;
	[tilespmem:$0x18400] =	vst v63  }
0x1a4: {  	v3 =	vld [tilespmem:$0x110];
	_ =	sdelay $0x4  }
0x1a5: {  	v17 =	vshrl.u32 v3, $0x3  }
0x1a6: {  	v4 =	vmul.u32 $0x30, v17  }
0x1a7: {  	v3 =	vand.u32 $0x7, v3  }
0x1a8: {  	v3 =	vor.u32 v3, v4  }
0x1a9: {  	v4 =	vperm.xlane v3, v0;
	_ =	sdelay $0x1  }
0x1aa: {  	v4 =	vadd.s32 v1, v4;
	_ =	sdelay $0x3  }
0x1ab: {  	s17 =	simm.s32 $0x3400;
	v3 =	vperm.xlane v3, v2  }
0x1ac: {  	[tilespmem:s17], [sflag:$0x1] =	stream.indirect_vreg.gather [hbm4b:s2+s3], $0x80, v4, vm0, $0xb8;
	[tilespmem:$0x18400] =	vst v63  }
0x1ad: {  	v3 =	vadd.s32 v1, v3;
	s17 =	simm.s32 $0x3C00  }
0x1ae: {  	[tilespmem:s17], [sflag:$0x1] =	stream.indirect_vreg.gather [hbm4b:s5+s3], $0x80, v4, vm0, $0xb8;
	[tilespmem:$0x18400] =	vst v63  }
0x1af: {  	s17 =	simm.s32 $0x4400  }
0x1b0: {  	[tilespmem:s17], [sflag:$0x1] =	stream.indirect_vreg.gather [hbm4b:s6+s3], $0x80, v4, vm0, $0xb8;
	[tilespmem:$0x18400] =	vst v63  }
0x1b1: {  	s17 =	simm.s32 $0x4C00  }
0x1b2: {  	[tilespmem:s17], [sflag:$0x1] =	stream.indirect_vreg.gather [hbm4b:s2+s3], $0x80, v3, vm0, $0xb8;
	[tilespmem:$0x18400] =	vst v63  }
0x1b3: {  	s17 =	simm.s32 $0x5400  }
0x1b4: {  	[tilespmem:s17], [sflag:$0x1] =	stream.indirect_vreg.gather [hbm4b:s5+s3], $0x80, v3, vm0, $0xb8;
	[tilespmem:$0x18400] =	vst v63  }
0x1b5: {  	s0 =	simm.s32 $0x5C00  }
0x1b6: {  	[tilespmem:s0], [sflag:$0x1] =	stream.indirect_vreg.gather [hbm4b:s6+s3], $0x80, v3, vm0, $0xb8;
	[tilespmem:$0x18400] =	vst v63  }
0x1b7: {  	s17 =	rddreg [dreg:$0x9];
	s0 =	simm.s32 $0x6400  }
0x1b8: {  	[hbm4b:s17+s3] =	stream.linear.scatter [tilespmem:s0], [sflag:$0x6], $0x6000, $0x38;
	[tilespmem:$0x18400] =	vst v63  }
0x1b9: {  	_ =	swait.ge [sflag:s12], $0x6000  }
0x1ba: {  	[sflag:s12] =	ssyncset.done $0x0  }
0x1bb: {  	[sflag:s12] =	ssyncadd.s32 $0xFFFFA000  }
0x1bc: {  	_ =	swait.ge [sflag:s13], $0x6000  }
0x1bd: {  	[sflag:s13] =	ssyncset.done $0x0  }
0x1be: {  	[sflag:s13] =	ssyncadd.s32 $0xFFFFA000  }
0x1bf: {  	v3 =	vld [tilespmem:$0x120];
	_ =	sdelay $0x4  }
0x1c0: {  	v18 =	vshrl.u32 v3, $0x3  }
0x1c1: {  	v4 =	vmul.u32 $0x30, v18  }
0x1c2: {  	v3 =	vand.u32 $0x7, v3  }
0x1c3: {  	v3 =	vor.u32 v3, v4  }
0x1c4: {  	v4 =	vperm.xlane v3, v0;
	_ =	sdelay $0x1  }
0x1c5: {  	v4 =	vadd.s32 v1, v4;
	_ =	sdelay $0x3  }
0x1c6: {  	v3 =	vperm.xlane v3, v2  }
0x1c7: {  	[tilespmem:s0], [sflag:$0x2] =	stream.indirect_vreg.gather [hbm4b:s2+s3], $0x80, v4, vm0, $0xb8;
	[tilespmem:$0x18400] =	vst v63  }
0x1c8: {  	s17 =	simm.s32 $0x6C00;
	v3 =	vadd.s32 v1, v3  }
0x1c9: {  	[tilespmem:s17], [sflag:$0x2] =	stream.indirect_vreg.gather [hbm4b:s5+s3], $0x80, v4, vm0, $0xb8;
	[tilespmem:$0x18400] =	vst v63  }
0x1ca: {  	_ = 	snop  }
0x1cb: {  	[tilespmem:s9], [sflag:$0x2] =	stream.indirect_vreg.gather [hbm4b:s6+s3], $0x80, v4, vm0, $0xb8;
	[tilespmem:$0x18400] =	vst v63  }
0x1cc: {  	_ = 	snop  }
0x1cd: {  	[tilespmem:s28], [sflag:$0x2] =	stream.indirect_vreg.gather [hbm4b:s2+s3], $0x80, v3, vm0, $0xb8;
	[tilespmem:$0x18400] =	vst v63  }
0x1ce: {  	_ = 	snop  }
0x1cf: {  	[tilespmem:s4], [sflag:$0x2] =	stream.indirect_vreg.gather [hbm4b:s5+s3], $0x80, v3, vm0, $0xb8;
	[tilespmem:$0x18400] =	vst v63  }
0x1d0: {  	s9 =	simm.s32 $0x8C00  }
0x1d1: {  	[tilespmem:s9], [sflag:$0x2] =	stream.indirect_vreg.gather [hbm4b:s6+s3], $0x80, v3, vm0, $0xb8;
	[tilespmem:$0x18400] =	vst v63  }
0x1d2: {  	v3 =	vld [tilespmem:$0x130];
	_ =	sdelay $0x4  }
0x1d3: {  	v19 =	vshrl.u32 v3, $0x3  }
0x1d4: {  	v4 =	vmul.u32 $0x30, v19  }
0x1d5: {  	v3 =	vand.u32 $0x7, v3  }
0x1d6: {  	v3 =	vor.u32 v3, v4  }
0x1d7: {  	v4 =	vperm.xlane v3, v0;
	_ =	sdelay $0x1  }
0x1d8: {  	v4 =	vadd.s32 v1, v4;
	_ =	sdelay $0x3  }
0x1d9: {  	s17 =	simm.s32 $0x9400;
	v3 =	vperm.xlane v3, v2  }
0x1da: {  	[tilespmem:s17], [sflag:$0x2] =	stream.indirect_vreg.gather [hbm4b:s2+s3], $0x80, v4, vm0, $0xb8;
	[tilespmem:$0x18400] =	vst v63  }
0x1db: {  	v3 =	vadd.s32 v1, v3  }
0x1dc: {  	[tilespmem:s18], [sflag:$0x2] =	stream.indirect_vreg.gather [hbm4b:s5+s3], $0x80, v4, vm0, $0xb8;
	[tilespmem:$0x18400] =	vst v63  }
0x1dd: {  	_ = 	snop  }
0x1de: {  	[tilespmem:s19], [sflag:$0x2] =	stream.indirect_vreg.gather [hbm4b:s6+s3], $0x80, v4, vm0, $0xb8;
	[tilespmem:$0x18400] =	vst v63  }
0x1df: {  	_ = 	snop  }
0x1e0: {  	[tilespmem:s21], [sflag:$0x2] =	stream.indirect_vreg.gather [hbm4b:s2+s3], $0x80, v3, vm0, $0xb8;
	[tilespmem:$0x18400] =	vst v63  }
0x1e1: {  	s21 =	simm.s32 $0xB400  }
0x1e2: {  	[tilespmem:s21], [sflag:$0x2] =	stream.indirect_vreg.gather [hbm4b:s5+s3], $0x80, v3, vm0, $0xb8;
	[tilespmem:$0x18400] =	vst v63  }
0x1e3: {  	s9 =	simm.s32 $0xBC00  }
0x1e4: {  	[tilespmem:s9], [sflag:$0x2] =	stream.indirect_vreg.gather [hbm4b:s6+s3], $0x80, v3, vm0, $0xb8;
	[tilespmem:$0x18400] =	vst v63  }
0x1e5: {  	s4 =	rddreg [dreg:$0xa];
	s18 =	simm.s32 $0xC400  }
0x1e6: {  	[hbm4b:s4+s3] =	stream.linear.scatter [tilespmem:s18], [sflag:$0x7], $0x6000, $0x38;
	[tilespmem:$0x18400] =	vst v63  }
0x1e7: {  	_ =	swait.ge [sflag:s14], $0x6000  }
0x1e8: {  	[sflag:s14] =	ssyncset.done $0x0  }
0x1e9: {  	[sflag:s14] =	ssyncadd.s32 $0xFFFFA000  }
0x1ea: {  	_ =	swait.ge [sflag:s15], $0x6000  }
0x1eb: {  	[sflag:s15] =	ssyncset.done $0x0  }
0x1ec: {  	[sflag:s15] =	ssyncadd.s32 $0xFFFFA000  }
0x1ed: {  	v3 =	vld [tilespmem:$0x140];
	_ =	sdelay $0x4  }
0x1ee: {  	v20 =	vshrl.u32 v3, $0x3  }
0x1ef: {  	v4 =	vmul.u32 $0x30, v20  }
0x1f0: {  	v3 =	vand.u32 $0x7, v3  }
0x1f1: {  	v3 =	vor.u32 v3, v4  }
0x1f2: {  	v4 =	vperm.xlane v3, v0;
	_ =	sdelay $0x1  }
0x1f3: {  	v4 =	vadd.s32 v1, v4;
	_ =	sdelay $0x3  }
0x1f4: {  	v3 =	vperm.xlane v3, v2  }
0x1f5: {  	[tilespmem:s18], [sflag:$0x3] =	stream.indirect_vreg.gather [hbm4b:s2+s3], $0x80, v4, vm0, $0xb8;
	[tilespmem:$0x18400] =	vst v63  }
0x1f6: {  	s19 =	simm.s32 $0xCC00;
	v3 =	vadd.s32 v1, v3  }
0x1f7: {  	[tilespmem:s19], [sflag:$0x3] =	stream.indirect_vreg.gather [hbm4b:s5+s3], $0x80, v4, vm0, $0xb8;
	[tilespmem:$0x18400] =	vst v63  }
0x1f8: {  	s4 =	simm.s32 $0xD400  }
0x1f9: {  	[tilespmem:s4], [sflag:$0x3] =	stream.indirect_vreg.gather [hbm4b:s6+s3], $0x80, v4, vm0, $0xb8;
	[tilespmem:$0x18400] =	vst v63  }
0x1fa: {  	s9 =	simm.s32 $0xDC00  }
0x1fb: {  	[tilespmem:s9], [sflag:$0x3] =	stream.indirect_vreg.gather [hbm4b:s2+s3], $0x80, v3, vm0, $0xb8;
	[tilespmem:$0x18400] =	vst v63  }
0x1fc: {  	s17 =	simm.s32 $0xE400  }
0x1fd: {  	[tilespmem:s17], [sflag:$0x3] =	stream.indirect_vreg.gather [hbm4b:s5+s3], $0x80, v3, vm0, $0xb8;
	[tilespmem:$0x18400] =	vst v63  }
0x1fe: {  	s18 =	simm.s32 $0xEC00  }
0x1ff: {  	[tilespmem:s18], [sflag:$0x3] =	stream.indirect_vreg.gather [hbm4b:s6+s3], $0x80, v3, vm0, $0xb8;
	[tilespmem:$0x18400] =	vst v63  }
0x200: {  	v3 =	vld [tilespmem:$0x150];
	_ =	sdelay $0x4  }
0x201: {  	v21 =	vshrl.u32 v3, $0x3  }
0x202: {  	v4 =	vmul.u32 $0x30, v21  }
0x203: {  	v3 =	vand.u32 $0x7, v3  }
0x204: {  	v3 =	vor.u32 v3, v4  }
0x205: {  	v4 =	vperm.xlane v3, v0;
	_ =	sdelay $0x1  }
0x206: {  	v4 =	vadd.s32 v1, v4;
	_ =	sdelay $0x3  }
0x207: {  	s19 =	simm.s32 $0xF400;
	v3 =	vperm.xlane v3, v2  }
0x208: {  	[tilespmem:s19], [sflag:$0x3] =	stream.indirect_vreg.gather [hbm4b:s2+s3], $0x80, v4, vm0, $0xb8;
	[tilespmem:$0x18400] =	vst v63  }
0x209: {  	v3 =	vadd.s32 v1, v3  }
0x20a: {  	[tilespmem:s29], [sflag:$0x3] =	stream.indirect_vreg.gather [hbm4b:s5+s3], $0x80, v4, vm0, $0xb8;
	[tilespmem:$0x18400] =	vst v63  }
0x20b: {  	_ = 	snop  }
0x20c: {  	[tilespmem:s30], [sflag:$0x3] =	stream.indirect_vreg.gather [hbm4b:s6+s3], $0x80, v4, vm0, $0xb8;
	[tilespmem:$0x18400] =	vst v63  }
0x20d: {  	_ = 	snop  }
0x20e: {  	[tilespmem:s31], [sflag:$0x3] =	stream.indirect_vreg.gather [hbm4b:s2+s3], $0x80, v3, vm0, $0xb8;
	[tilespmem:$0x18400] =	vst v63  }
0x20f: {  	_ = 	snop  }
0x210: {  	[tilespmem:s22], [sflag:$0x3] =	stream.indirect_vreg.gather [hbm4b:s5+s3], $0x80, v3, vm0, $0xb8;
	[tilespmem:$0x18400] =	vst v63  }
0x211: {  	s4 =	simm.s32 $0x11C00  }
0x212: {  	[tilespmem:s4], [sflag:$0x3] =	stream.indirect_vreg.gather [hbm4b:s6+s3], $0x80, v3, vm0, $0xb8;
	[tilespmem:$0x18400] =	vst v63  }
0x213: {  	s9 =	simm.s32 $0x12400;
	s31 =	rddreg [dreg:$0xb]  }
0x214: {  	[hbm4b:s31+s3] =	stream.linear.scatter [tilespmem:s9], [sflag:$0x8], $0x6000, $0x38;
	[tilespmem:$0x18400] =	vst v63  }
0x215: {  	_ =	swait.ge [sflag:s20], $0x6000  }
0x216: {  	[sflag:s20] =	ssyncset.done $0x0  }
0x217: {  	[sflag:s20] =	ssyncadd.s32 $0xFFFFA000  }
0x218: {  	_ =	swait.ge [sflag:s16], $0x6000  }
0x219: {  	[sflag:s16] =	ssyncset.done $0x0  }
0x21a: {  	[sflag:s16] =	ssyncadd.s32 $0xFFFFA000  }
0x21b: {  	v3 =	vld [tilespmem:$0x160];
	_ =	sdelay $0x4  }
0x21c: {  	v22 =	vshrl.u32 v3, $0x3  }
0x21d: {  	v4 =	vmul.u32 $0x30, v22  }
0x21e: {  	v3 =	vand.u32 $0x7, v3  }
0x21f: {  	v3 =	vor.u32 v3, v4  }
0x220: {  	v4 =	vperm.xlane v3, v0;
	_ =	sdelay $0x1  }
0x221: {  	v4 =	vadd.s32 v1, v4;
	_ =	sdelay $0x3  }
0x222: {  	v3 =	vperm.xlane v3, v2  }
0x223: {  	[tilespmem:s9], [sflag:$0x4] =	stream.indirect_vreg.gather [hbm4b:s2+s3], $0x80, v4, vm0, $0xb8;
	[tilespmem:$0x18400] =	vst v63  }
0x224: {  	v3 =	vadd.s32 v1, v3  }
0x225: {  	[tilespmem:s7], [sflag:$0x4] =	stream.indirect_vreg.gather [hbm4b:s5+s3], $0x80, v4, vm0, $0xb8;
	[tilespmem:$0x18400] =	vst v63  }
0x226: {  	_ = 	snop  }
0x227: {  	[tilespmem:s8], [sflag:$0x4] =	stream.indirect_vreg.gather [hbm4b:s6+s3], $0x80, v4, vm0, $0xb8;
	[tilespmem:$0x18400] =	vst v63  }
0x228: {  	_ = 	snop  }
0x229: {  	[tilespmem:s1], [sflag:$0x4] =	stream.indirect_vreg.gather [hbm4b:s2+s3], $0x80, v3, vm0, $0xb8;
	[tilespmem:$0x18400] =	vst v63  }
0x22a: {  	_ = 	snop  }
0x22b: {  	[tilespmem:s23], [sflag:$0x4] =	stream.indirect_vreg.gather [hbm4b:s5+s3], $0x80, v3, vm0, $0xb8;
	[tilespmem:$0x18400] =	vst v63  }
0x22c: {  	s4 =	simm.s32 $0x14C00  }
0x22d: {  	[tilespmem:s4], [sflag:$0x4] =	stream.indirect_vreg.gather [hbm4b:s6+s3], $0x80, v3, vm0, $0xb8;
	[tilespmem:$0x18400] =	vst v63  }
0x22e: {  	v3 =	vld [tilespmem:$0x170];
	_ =	sdelay $0x4  }
0x22f: {  	v23 =	vshrl.u32 v3, $0x3  }
0x230: {  	v4 =	vmul.u32 $0x30, v23  }
0x231: {  	v3 =	vand.u32 $0x7, v3  }
0x232: {  	v3 =	vor.u32 v3, v4  }
0x233: {  	v4 =	vperm.xlane v3, v0;
	_ =	sdelay $0x1  }
0x234: {  	v4 =	vadd.s32 v1, v4;
	_ =	sdelay $0x3  }
0x235: {  	s29 =	simm.s32 $0x15400;
	v3 =	vperm.xlane v3, v2  }
0x236: {  	[tilespmem:s29], [sflag:$0x4] =	stream.indirect_vreg.gather [hbm4b:s2+s3], $0x80, v4, vm0, $0xb8;
	[tilespmem:$0x18400] =	vst v63  }
0x237: {  	v3 =	vadd.s32 v1, v3  }
0x238: {  	[tilespmem:s24], [sflag:$0x4] =	stream.indirect_vreg.gather [hbm4b:s5+s3], $0x80, v4, vm0, $0xb8;
	[tilespmem:$0x18400] =	vst v63  }
0x239: {  	_ = 	snop  }
0x23a: {  	[tilespmem:s25], [sflag:$0x4] =	stream.indirect_vreg.gather [hbm4b:s6+s3], $0x80, v4, vm0, $0xb8;
	[tilespmem:$0x18400] =	vst v63  }
0x23b: {  	_ = 	snop  }
0x23c: {  	[tilespmem:s26], [sflag:$0x4] =	stream.indirect_vreg.gather [hbm4b:s2+s3], $0x80, v3, vm0, $0xb8;
	[tilespmem:$0x18400] =	vst v63  }
0x23d: {  	s24 =	simm.s32 $0x17400  }
0x23e: {  	[tilespmem:s24], [sflag:$0x4] =	stream.indirect_vreg.gather [hbm4b:s5+s3], $0x80, v3, vm0, $0xb8;
	[tilespmem:$0x18400] =	vst v63  }
0x23f: {  	s23 =	simm.s32 $0x17C00  }
0x240: {  	[tilespmem:s23], [sflag:$0x4] =	stream.indirect_vreg.gather [hbm4b:s6+s3], $0x80, v3, vm0, $0xb8;
	[tilespmem:$0x18400] =	vst v63  }
0x241: {  	s19 =	simm.s32 $0x400;
	s18 =	rddreg [dreg:$0xc]  }
0x242: {  	[hbm4b:s18+s3] =	stream.linear.scatter [tilespmem:s19], [sflag:$0x5], $0x6000, $0x38;
	[tilespmem:$0x18400] =	vst v63  }
0x243: {  	_ =	swait.ge [sflag:s10], $0x6000  }
0x244: {  	[sflag:s10] =	ssyncset.done $0x0  }
0x245: {  	[sflag:s10] =	ssyncadd.s32 $0xFFFFA000  }
0x246: {  	_ =	swait.ge [sflag:s11], $0x6000  }
0x247: {  	[sflag:s11] =	ssyncset.done $0x0  }
0x248: {  	[sflag:s11] =	ssyncadd.s32 $0xFFFFA000  }
0x249: {  	v3 =	vld [tilespmem:$0x180];
	_ =	sdelay $0x4  }
0x24a: {  	v24 =	vshrl.u32 v3, $0x3  }
0x24b: {  	v4 =	vmul.u32 $0x30, v24  }
0x24c: {  	v3 =	vand.u32 $0x7, v3  }
0x24d: {  	v3 =	vor.u32 v3, v4  }
0x24e: {  	v4 =	vperm.xlane v3, v0;
	_ =	sdelay $0x1  }
0x24f: {  	v4 =	vadd.s32 v1, v4;
	_ =	sdelay $0x3  }
0x250: {  	v3 =	vperm.xlane v3, v2  }
0x251: {  	[tilespmem:s19], [sflag:$0x1] =	stream.indirect_vreg.gather [hbm4b:s2+s3], $0x80, v4, vm0, $0xb8;
	[tilespmem:$0x18400] =	vst v63  }
0x252: {  	s22 =	simm.s32 $0xC00;
	v3 =	vadd.s32 v1, v3  }
0x253: {  	[tilespmem:s22], [sflag:$0x1] =	stream.indirect_vreg.gather [hbm4b:s5+s3], $0x80, v4, vm0, $0xb8;
	[tilespmem:$0x18400] =	vst v63  }
0x254: {  	s25 =	simm.s32 $0x1400  }
0x255: {  	[tilespmem:s25], [sflag:$0x1] =	stream.indirect_vreg.gather [hbm4b:s6+s3], $0x80, v4, vm0, $0xb8;
	[tilespmem:$0x18400] =	vst v63  }
0x256: {  	s26 =	simm.s32 $0x1C00  }
0x257: {  	[tilespmem:s26], [sflag:$0x1] =	stream.indirect_vreg.gather [hbm4b:s2+s3], $0x80, v3, vm0, $0xb8;
	[tilespmem:$0x18400] =	vst v63  }
0x258: {  	s26 =	simm.s32 $0x2400  }
0x259: {  	[tilespmem:s26], [sflag:$0x1] =	stream.indirect_vreg.gather [hbm4b:s5+s3], $0x80, v3, vm0, $0xb8;
	[tilespmem:$0x18400] =	vst v63  }
0x25a: {  	s8 =	simm.s32 $0x2C00  }
0x25b: {  	[tilespmem:s8], [sflag:$0x1] =	stream.indirect_vreg.gather [hbm4b:s6+s3], $0x80, v3, vm0, $0xb8;
	[tilespmem:$0x18400] =	vst v63  }
0x25c: {  	v3 =	vld [tilespmem:$0x190];
	_ =	sdelay $0x4  }
0x25d: {  	v25 =	vshrl.u32 v3, $0x3  }
0x25e: {  	v4 =	vmul.u32 $0x30, v25  }
0x25f: {  	v3 =	vand.u32 $0x7, v3  }
0x260: {  	v3 =	vor.u32 v3, v4  }
0x261: {  	v4 =	vperm.xlane v3, v0;
	_ =	sdelay $0x1  }
0x262: {  	v4 =	vadd.s32 v1, v4;
	_ =	sdelay $0x3  }
0x263: {  	s9 =	simm.s32 $0x3400;
	v3 =	vperm.xlane v3, v2  }
0x264: {  	[tilespmem:s9], [sflag:$0x1] =	stream.indirect_vreg.gather [hbm4b:s2+s3], $0x80, v4, vm0, $0xb8;
	[tilespmem:$0x18400] =	vst v63  }
0x265: {  	s18 =	simm.s32 $0x3C00;
	v3 =	vadd.s32 v1, v3  }
0x266: {  	[tilespmem:s18], [sflag:$0x1] =	stream.indirect_vreg.gather [hbm4b:s5+s3], $0x80, v4, vm0, $0xb8;
	[tilespmem:$0x18400] =	vst v63  }
0x267: {  	s30 =	simm.s32 $0x4400  }
0x268: {  	[tilespmem:s30], [sflag:$0x1] =	stream.indirect_vreg.gather [hbm4b:s6+s3], $0x80, v4, vm0, $0xb8;
	[tilespmem:$0x18400] =	vst v63  }
0x269: {  	s31 =	simm.s32 $0x4C00  }
0x26a: {  	[tilespmem:s31], [sflag:$0x1] =	stream.indirect_vreg.gather [hbm4b:s2+s3], $0x80, v3, vm0, $0xb8;
	[tilespmem:$0x18400] =	vst v63  }
0x26b: {  	s7 =	simm.s32 $0x5400  }
0x26c: {  	[tilespmem:s7], [sflag:$0x1] =	stream.indirect_vreg.gather [hbm4b:s5+s3], $0x80, v3, vm0, $0xb8;
	[tilespmem:$0x18400] =	vst v63  }
0x26d: {  	s19 =	simm.s32 $0x5C00  }
0x26e: {  	[tilespmem:s19], [sflag:$0x1] =	stream.indirect_vreg.gather [hbm4b:s6+s3], $0x80, v3, vm0, $0xb8;
	[tilespmem:$0x18400] =	vst v63  }
0x26f: {  	s1 =	simm.s32 $0x6400;
	s0 =	rddreg [dreg:$0xd]  }
0x270: {  	[hbm4b:s0+s3] =	stream.linear.scatter [tilespmem:s1], [sflag:$0x6], $0x6000, $0x38;
	[tilespmem:$0x18400] =	vst v63  }
0x271: {  	_ =	swait.ge [sflag:s12], $0x6000  }
0x272: {  	[sflag:s12] =	ssyncset.done $0x0  }
0x273: {  	[sflag:s12] =	ssyncadd.s32 $0xFFFFA000  }
0x274: {  	_ =	swait.ge [sflag:s13], $0x6000  }
0x275: {  	[sflag:s13] =	ssyncset.done $0x0  }
0x276: {  	[sflag:s13] =	ssyncadd.s32 $0xFFFFA000  }
0x277: {  	v3 =	vld [tilespmem:$0x1A0];
	_ =	sdelay $0x4  }
0x278: {  	v26 =	vshrl.u32 v3, $0x3  }
0x279: {  	v4 =	vmul.u32 $0x30, v26  }
0x27a: {  	v3 =	vand.u32 $0x7, v3  }
0x27b: {  	v3 =	vor.u32 v3, v4  }
0x27c: {  	v4 =	vperm.xlane v3, v0;
	_ =	sdelay $0x1  }
0x27d: {  	v4 =	vadd.s32 v1, v4;
	_ =	sdelay $0x3  }
0x27e: {  	v3 =	vperm.xlane v3, v2  }
0x27f: {  	[tilespmem:s1], [sflag:$0x2] =	stream.indirect_vreg.gather [hbm4b:s2+s3], $0x80, v4, vm0, $0xb8;
	[tilespmem:$0x18400] =	vst v63  }
0x280: {  	s25 =	simm.s32 $0x6C00;
	v3 =	vadd.s32 v1, v3  }
0x281: {  	[tilespmem:s25], [sflag:$0x2] =	stream.indirect_vreg.gather [hbm4b:s5+s3], $0x80, v4, vm0, $0xb8;
	[tilespmem:$0x18400] =	vst v63  }
0x282: {  	s30 =	simm.s32 $0x7400  }
0x283: {  	[tilespmem:s30], [sflag:$0x2] =	stream.indirect_vreg.gather [hbm4b:s6+s3], $0x80, v4, vm0, $0xb8;
	[tilespmem:$0x18400] =	vst v63  }
0x284: {  	s28 =	simm.s32 $0x7C00  }
0x285: {  	[tilespmem:s28], [sflag:$0x2] =	stream.indirect_vreg.gather [hbm4b:s2+s3], $0x80, v3, vm0, $0xb8;
	[tilespmem:$0x18400] =	vst v63  }
0x286: {  	s1 =	simm.s32 $0x8400  }
0x287: {  	[tilespmem:s1], [sflag:$0x2] =	stream.indirect_vreg.gather [hbm4b:s5+s3], $0x80, v3, vm0, $0xb8;
	[tilespmem:$0x18400] =	vst v63  }
0x288: {  	s31 =	simm.s32 $0x8C00  }
0x289: {  	[tilespmem:s31], [sflag:$0x2] =	stream.indirect_vreg.gather [hbm4b:s6+s3], $0x80, v3, vm0, $0xb8;
	[tilespmem:$0x18400] =	vst v63  }
0x28a: {  	v3 =	vld [tilespmem:$0x1B0];
	_ =	sdelay $0x4  }
0x28b: {  	v27 =	vshrl.u32 v3, $0x3  }
0x28c: {  	v4 =	vmul.u32 $0x30, v27  }
0x28d: {  	v3 =	vand.u32 $0x7, v3  }
0x28e: {  	v3 =	vor.u32 v3, v4  }
0x28f: {  	v4 =	vperm.xlane v3, v0;
	_ =	sdelay $0x1  }
0x290: {  	v4 =	vadd.s32 v1, v4;
	_ =	sdelay $0x3  }
0x291: {  	s17 =	simm.s32 $0x9400;
	v3 =	vperm.xlane v3, v2  }
0x292: {  	[tilespmem:s17], [sflag:$0x2] =	stream.indirect_vreg.gather [hbm4b:s2+s3], $0x80, v4, vm0, $0xb8;
	[tilespmem:$0x18400] =	vst v63  }
0x293: {  	s22 =	simm.s32 $0x9C00;
	v3 =	vadd.s32 v1, v3  }
0x294: {  	[tilespmem:s22], [sflag:$0x2] =	stream.indirect_vreg.gather [hbm4b:s5+s3], $0x80, v4, vm0, $0xb8;
	[tilespmem:$0x18400] =	vst v63  }
0x295: {  	s25 =	simm.s32 $0xA400  }
0x296: {  	[tilespmem:s25], [sflag:$0x2] =	stream.indirect_vreg.gather [hbm4b:s6+s3], $0x80, v4, vm0, $0xb8;
	[tilespmem:$0x18400] =	vst v63  }
0x297: {  	s28 =	simm.s32 $0xAC00  }
0x298: {  	[tilespmem:s28], [sflag:$0x2] =	stream.indirect_vreg.gather [hbm4b:s2+s3], $0x80, v3, vm0, $0xb8;
	[tilespmem:$0x18400] =	vst v63  }
0x299: {  	_ = 	snop  }
0x29a: {  	[tilespmem:s21], [sflag:$0x2] =	stream.indirect_vreg.gather [hbm4b:s5+s3], $0x80, v3, vm0, $0xb8;
	[tilespmem:$0x18400] =	vst v63  }
0x29b: {  	s31 =	simm.s32 $0xBC00  }
0x29c: {  	[tilespmem:s31], [sflag:$0x2] =	stream.indirect_vreg.gather [hbm4b:s6+s3], $0x80, v3, vm0, $0xb8;
	[tilespmem:$0x18400] =	vst v63  }
0x29d: {  	s0 =	simm.s32 $0xC400;
	s30 =	rddreg [dreg:$0xe]  }
0x29e: {  	[hbm4b:s30+s3] =	stream.linear.scatter [tilespmem:s0], [sflag:$0x7], $0x6000, $0x38;
	[tilespmem:$0x18400] =	vst v63  }
0x29f: {  	_ =	swait.ge [sflag:s14], $0x6000  }
0x2a0: {  	[sflag:s14] =	ssyncset.done $0x0  }
0x2a1: {  	[sflag:s14] =	ssyncadd.s32 $0xFFFFA000  }
0x2a2: {  	_ =	swait.ge [sflag:s15], $0x6000  }
0x2a3: {  	[sflag:s15] =	ssyncset.done $0x0  }
0x2a4: {  	[sflag:s15] =	ssyncadd.s32 $0xFFFFA000  }
0x2a5: {  	v3 =	vld [tilespmem:$0x1C0];
	_ =	sdelay $0x4  }
0x2a6: {  	v28 =	vshrl.u32 v3, $0x3  }
0x2a7: {  	v4 =	vmul.u32 $0x30, v28  }
0x2a8: {  	v3 =	vand.u32 $0x7, v3  }
0x2a9: {  	v3 =	vor.u32 v3, v4  }
0x2aa: {  	v4 =	vperm.xlane v3, v0;
	_ =	sdelay $0x1  }
0x2ab: {  	v4 =	vadd.s32 v1, v4;
	_ =	sdelay $0x3  }
0x2ac: {  	v3 =	vperm.xlane v3, v2  }
0x2ad: {  	[tilespmem:s0], [sflag:$0x3] =	stream.indirect_vreg.gather [hbm4b:s2+s3], $0x80, v4, vm0, $0xb8;
	[tilespmem:$0x18400] =	vst v63  }
0x2ae: {  	s22 =	simm.s32 $0xCC00;
	v3 =	vadd.s32 v1, v3  }
0x2af: {  	[tilespmem:s22], [sflag:$0x3] =	stream.indirect_vreg.gather [hbm4b:s5+s3], $0x80, v4, vm0, $0xb8;
	[tilespmem:$0x18400] =	vst v63  }
0x2b0: {  	s25 =	simm.s32 $0xD400  }
0x2b1: {  	[tilespmem:s25], [sflag:$0x3] =	stream.indirect_vreg.gather [hbm4b:s6+s3], $0x80, v4, vm0, $0xb8;
	[tilespmem:$0x18400] =	vst v63  }
0x2b2: {  	s28 =	simm.s32 $0xDC00  }
0x2b3: {  	[tilespmem:s28], [sflag:$0x3] =	stream.indirect_vreg.gather [hbm4b:s2+s3], $0x80, v3, vm0, $0xb8;
	[tilespmem:$0x18400] =	vst v63  }
0x2b4: {  	s30 =	simm.s32 $0xE400  }
0x2b5: {  	[tilespmem:s30], [sflag:$0x3] =	stream.indirect_vreg.gather [hbm4b:s5+s3], $0x80, v3, vm0, $0xb8;
	[tilespmem:$0x18400] =	vst v63  }
0x2b6: {  	s31 =	simm.s32 $0xEC00  }
0x2b7: {  	[tilespmem:s31], [sflag:$0x3] =	stream.indirect_vreg.gather [hbm4b:s6+s3], $0x80, v3, vm0, $0xb8;
	[tilespmem:$0x18400] =	vst v63  }
0x2b8: {  	v3 =	vld [tilespmem:$0x1D0];
	_ =	sdelay $0x4  }
0x2b9: {  	v29 =	vshrl.u32 v3, $0x3  }
0x2ba: {  	v4 =	vmul.u32 $0x30, v29  }
0x2bb: {  	v3 =	vand.u32 $0x7, v3  }
0x2bc: {  	v3 =	vor.u32 v3, v4  }
0x2bd: {  	v4 =	vperm.xlane v3, v0;
	_ =	sdelay $0x1  }
0x2be: {  	v4 =	vadd.s32 v1, v4;
	_ =	sdelay $0x3  }
0x2bf: {  	s21 =	simm.s32 $0xF400;
	v3 =	vperm.xlane v3, v2  }
0x2c0: {  	[tilespmem:s21], [sflag:$0x3] =	stream.indirect_vreg.gather [hbm4b:s2+s3], $0x80, v4, vm0, $0xb8;
	[tilespmem:$0x18400] =	vst v63  }
0x2c1: {  	s17 =	simm.s32 $0xFC00;
	v3 =	vadd.s32 v1, v3  }
0x2c2: {  	[tilespmem:s17], [sflag:$0x3] =	stream.indirect_vreg.gather [hbm4b:s5+s3], $0x80, v4, vm0, $0xb8;
	[tilespmem:$0x18400] =	vst v63  }
0x2c3: {  	s21 =	simm.s32 $0x10400  }
0x2c4: {  	[tilespmem:s21], [sflag:$0x3] =	stream.indirect_vreg.gather [hbm4b:s6+s3], $0x80, v4, vm0, $0xb8;
	[tilespmem:$0x18400] =	vst v63  }
0x2c5: {  	s17 =	simm.s32 $0x10C00  }
0x2c6: {  	[tilespmem:s17], [sflag:$0x3] =	stream.indirect_vreg.gather [hbm4b:s2+s3], $0x80, v3, vm0, $0xb8;
	[tilespmem:$0x18400] =	vst v63  }
0x2c7: {  	s21 =	simm.s32 $0x11400  }
0x2c8: {  	[tilespmem:s21], [sflag:$0x3] =	stream.indirect_vreg.gather [hbm4b:s5+s3], $0x80, v3, vm0, $0xb8;
	[tilespmem:$0x18400] =	vst v63  }
0x2c9: {  	s21 =	simm.s32 $0x11C00  }
0x2ca: {  	[tilespmem:s21], [sflag:$0x3] =	stream.indirect_vreg.gather [hbm4b:s6+s3], $0x80, v3, vm0, $0xb8;
	[tilespmem:$0x18400] =	vst v63  }
0x2cb: {  	s0 =	simm.s32 $0x12400;
	s17 =	rddreg [dreg:$0xf]  }
0x2cc: {  	[hbm4b:s17+s3] =	stream.linear.scatter [tilespmem:s0], [sflag:$0x8], $0x6000, $0x38;
	[tilespmem:$0x18400] =	vst v63  }
0x2cd: {  	_ =	swait.ge [sflag:s20], $0x6000  }
0x2ce: {  	[sflag:s20] =	ssyncset.done $0x0  }
0x2cf: {  	[sflag:s20] =	ssyncadd.s32 $0xFFFFA000  }
0x2d0: {  	_ =	swait.ge [sflag:s16], $0x6000  }
0x2d1: {  	[sflag:s16] =	ssyncset.done $0x0  }
0x2d2: {  	[sflag:s16] =	ssyncadd.s32 $0xFFFFA000  }
0x2d3: {  	v3 =	vld [tilespmem:$0x1E0];
	_ =	sdelay $0x4  }
0x2d4: {  	v30 =	vshrl.u32 v3, $0x3  }
0x2d5: {  	v4 =	vmul.u32 $0x30, v30  }
0x2d6: {  	v3 =	vand.u32 $0x7, v3  }
0x2d7: {  	v3 =	vor.u32 v3, v4  }
0x2d8: {  	v4 =	vperm.xlane v3, v0;
	_ =	sdelay $0x1  }
0x2d9: {  	v4 =	vadd.s32 v1, v4;
	_ =	sdelay $0x3  }
0x2da: {  	v3 =	vperm.xlane v3, v2  }
0x2db: {  	[tilespmem:s0], [sflag:$0x4] =	stream.indirect_vreg.gather [hbm4b:s2+s3], $0x80, v4, vm0, $0xb8;
	[tilespmem:$0x18400] =	vst v63  }
0x2dc: {  	s17 =	simm.s32 $0x12C00;
	v3 =	vadd.s32 v1, v3  }
0x2dd: {  	[tilespmem:s17], [sflag:$0x4] =	stream.indirect_vreg.gather [hbm4b:s5+s3], $0x80, v4, vm0, $0xb8;
	[tilespmem:$0x18400] =	vst v63  }
0x2de: {  	s17 =	simm.s32 $0x13400  }
0x2df: {  	[tilespmem:s17], [sflag:$0x4] =	stream.indirect_vreg.gather [hbm4b:s6+s3], $0x80, v4, vm0, $0xb8;
	[tilespmem:$0x18400] =	vst v63  }
0x2e0: {  	s17 =	simm.s32 $0x13C00  }
0x2e1: {  	[tilespmem:s17], [sflag:$0x4] =	stream.indirect_vreg.gather [hbm4b:s2+s3], $0x80, v3, vm0, $0xb8;
	[tilespmem:$0x18400] =	vst v63  }
0x2e2: {  	s17 =	simm.s32 $0x14400  }
0x2e3: {  	[tilespmem:s17], [sflag:$0x4] =	stream.indirect_vreg.gather [hbm4b:s5+s3], $0x80, v3, vm0, $0xb8;
	[tilespmem:$0x18400] =	vst v63  }
0x2e4: {  	_ = 	snop  }
0x2e5: {  	[tilespmem:s4], [sflag:$0x4] =	stream.indirect_vreg.gather [hbm4b:s6+s3], $0x80, v3, vm0, $0xb8;
	[tilespmem:$0x18400] =	vst v63  }
0x2e6: {  	v3 =	vld [tilespmem:$0x1F0];
	_ =	sdelay $0x4  }
0x2e7: {  	v31 =	vshrl.u32 v3, $0x3  }
0x2e8: {  	v4 =	vmul.u32 $0x30, v31  }
0x2e9: {  	v3 =	vand.u32 $0x7, v3  }
0x2ea: {  	v3 =	vor.u32 v3, v4  }
0x2eb: {  	v4 =	vperm.xlane v3, v0;
	_ =	sdelay $0x1  }
0x2ec: {  	v4 =	vadd.s32 v1, v4;
	_ =	sdelay $0x3  }
0x2ed: {  	v3 =	vperm.xlane v3, v2  }
0x2ee: {  	[tilespmem:s29], [sflag:$0x4] =	stream.indirect_vreg.gather [hbm4b:s2+s3], $0x80, v4, vm0, $0xb8;
	[tilespmem:$0x18400] =	vst v63  }
0x2ef: {  	s4 =	simm.s32 $0x15C00;
	v3 =	vadd.s32 v1, v3  }
0x2f0: {  	[tilespmem:s4], [sflag:$0x4] =	stream.indirect_vreg.gather [hbm4b:s5+s3], $0x80, v4, vm0, $0xb8;
	[tilespmem:$0x18400] =	vst v63  }
0x2f1: {  	s29 =	simm.s32 $0x16400  }
0x2f2: {  	[tilespmem:s29], [sflag:$0x4] =	stream.indirect_vreg.gather [hbm4b:s6+s3], $0x80, v4, vm0, $0xb8;
	[tilespmem:$0x18400] =	vst v63  }
0x2f3: {  	s17 =	simm.s32 $0x16C00  }
0x2f4: {  	[tilespmem:s17], [sflag:$0x4] =	stream.indirect_vreg.gather [hbm4b:s2+s3], $0x80, v3, vm0, $0xb8;
	[tilespmem:$0x18400] =	vst v63  }
0x2f5: {  	_ = 	snop  }
0x2f6: {  	[tilespmem:s24], [sflag:$0x4] =	stream.indirect_vreg.gather [hbm4b:s5+s3], $0x80, v3, vm0, $0xb8;
	[tilespmem:$0x18400] =	vst v63  }
0x2f7: {  	_ = 	snop  }
0x2f8: {  	[tilespmem:s23], [sflag:$0x4] =	stream.indirect_vreg.gather [hbm4b:s6+s3], $0x80, v3, vm0, $0xb8;
	[tilespmem:$0x18400] =	vst v63  }
0x2f9: {  	s0 =	simm.s32 $0x400;
	s24 =	rddreg [dreg:$0x10]  }
0x2fa: {  	[hbm4b:s24+s3] =	stream.linear.scatter [tilespmem:s0], [sflag:$0x5], $0x6000, $0x38;
	[tilespmem:$0x18400] =	vst v63  }
0x2fb: {  	_ =	swait.ge [sflag:s10], $0x6000  }
0x2fc: {  	[sflag:s10] =	ssyncset.done $0x0  }
0x2fd: {  	[sflag:s10] =	ssyncadd.s32 $0xFFFFA000  }
0x2fe: {  	_ =	swait.ge [sflag:s11], $0x6000  }
0x2ff: {  	[sflag:s11] =	ssyncset.done $0x0  }
0x300: {  	[sflag:s11] =	ssyncadd.s32 $0xFFFFA000  }
0x301: {  	v3 =	vld [tilespmem:$0x200];
	_ =	sdelay $0x4  }
0x302: {  	v32 =	vshrl.u32 v3, $0x3  }
0x303: {  	v4 =	vmul.u32 $0x30, v32  }
0x304: {  	v3 =	vand.u32 $0x7, v3  }
0x305: {  	v3 =	vor.u32 v3, v4  }
0x306: {  	v4 =	vperm.xlane v3, v0;
	_ =	sdelay $0x1  }
0x307: {  	v4 =	vadd.s32 v1, v4;
	_ =	sdelay $0x3  }
0x308: {  	v3 =	vperm.xlane v3, v2  }
0x309: {  	[tilespmem:s0], [sflag:$0x1] =	stream.indirect_vreg.gather [hbm4b:s2+s3], $0x80, v4, vm0, $0xb8;
	[tilespmem:$0x18400] =	vst v63  }
0x30a: {  	s23 =	simm.s32 $0xC00;
	v3 =	vadd.s32 v1, v3  }
0x30b: {  	[tilespmem:s23], [sflag:$0x1] =	stream.indirect_vreg.gather [hbm4b:s5+s3], $0x80, v4, vm0, $0xb8;
	[tilespmem:$0x18400] =	vst v63  }
0x30c: {  	s24 =	simm.s32 $0x1400  }
0x30d: {  	[tilespmem:s24], [sflag:$0x1] =	stream.indirect_vreg.gather [hbm4b:s6+s3], $0x80, v4, vm0, $0xb8;
	[tilespmem:$0x18400] =	vst v63  }
0x30e: {  	s17 =	simm.s32 $0x1C00  }
0x30f: {  	[tilespmem:s17], [sflag:$0x1] =	stream.indirect_vreg.gather [hbm4b:s2+s3], $0x80, v3, vm0, $0xb8;
	[tilespmem:$0x18400] =	vst v63  }
0x310: {  	_ = 	snop  }
0x311: {  	[tilespmem:s26], [sflag:$0x1] =	stream.indirect_vreg.gather [hbm4b:s5+s3], $0x80, v3, vm0, $0xb8;
	[tilespmem:$0x18400] =	vst v63  }
0x312: {  	_ = 	snop  }
0x313: {  	[tilespmem:s8], [sflag:$0x1] =	stream.indirect_vreg.gather [hbm4b:s6+s3], $0x80, v3, vm0, $0xb8;
	[tilespmem:$0x18400] =	vst v63  }
0x314: {  	v3 =	vld [tilespmem:$0x210];
	_ =	sdelay $0x4  }
0x315: {  	v33 =	vshrl.u32 v3, $0x3  }
0x316: {  	v4 =	vmul.u32 $0x30, v33  }
0x317: {  	v3 =	vand.u32 $0x7, v3  }
0x318: {  	v3 =	vor.u32 v3, v4  }
0x319: {  	v4 =	vperm.xlane v3, v0;
	_ =	sdelay $0x1  }
0x31a: {  	v4 =	vadd.s32 v1, v4;
	_ =	sdelay $0x3  }
0x31b: {  	v3 =	vperm.xlane v3, v2  }
0x31c: {  	[tilespmem:s9], [sflag:$0x1] =	stream.indirect_vreg.gather [hbm4b:s2+s3], $0x80, v4, vm0, $0xb8;
	[tilespmem:$0x18400] =	vst v63  }
0x31d: {  	v3 =	vadd.s32 v1, v3  }
0x31e: {  	[tilespmem:s18], [sflag:$0x1] =	stream.indirect_vreg.gather [hbm4b:s5+s3], $0x80, v4, vm0, $0xb8;
	[tilespmem:$0x18400] =	vst v63  }
0x31f: {  	s17 =	simm.s32 $0x4400  }
0x320: {  	[tilespmem:s17], [sflag:$0x1] =	stream.indirect_vreg.gather [hbm4b:s6+s3], $0x80, v4, vm0, $0xb8;
	[tilespmem:$0x18400] =	vst v63  }
0x321: {  	s18 =	simm.s32 $0x4C00  }
0x322: {  	[tilespmem:s18], [sflag:$0x1] =	stream.indirect_vreg.gather [hbm4b:s2+s3], $0x80, v3, vm0, $0xb8;
	[tilespmem:$0x18400] =	vst v63  }
0x323: {  	_ = 	snop  }
0x324: {  	[tilespmem:s7], [sflag:$0x1] =	stream.indirect_vreg.gather [hbm4b:s5+s3], $0x80, v3, vm0, $0xb8;
	[tilespmem:$0x18400] =	vst v63  }
0x325: {  	_ = 	snop  }
0x326: {  	[tilespmem:s19], [sflag:$0x1] =	stream.indirect_vreg.gather [hbm4b:s6+s3], $0x80, v3, vm0, $0xb8;
	[tilespmem:$0x18400] =	vst v63  }
0x327: {  	s0 =	simm.s32 $0x6400;
	s26 =	rddreg [dreg:$0x11]  }
0x328: {  	[hbm4b:s26+s3] =	stream.linear.scatter [tilespmem:s0], [sflag:$0x6], $0x6000, $0x38;
	[tilespmem:$0x18400] =	vst v63  }
0x329: {  	_ =	swait.ge [sflag:s12], $0x6000  }
0x32a: {  	[sflag:s12] =	ssyncset.done $0x0  }
0x32b: {  	[sflag:s12] =	ssyncadd.s32 $0xFFFFA000  }
0x32c: {  	_ =	swait.ge [sflag:s13], $0x6000  }
0x32d: {  	[sflag:s13] =	ssyncset.done $0x0  }
0x32e: {  	[sflag:s13] =	ssyncadd.s32 $0xFFFFA000  }
0x32f: {  	v3 =	vld [tilespmem:$0x220];
	_ =	sdelay $0x4  }
0x330: {  	v34 =	vshrl.u32 v3, $0x3  }
0x331: {  	v4 =	vmul.u32 $0x30, v34  }
0x332: {  	v3 =	vand.u32 $0x7, v3  }
0x333: {  	v3 =	vor.u32 v3, v4  }
0x334: {  	v4 =	vperm.xlane v3, v0;
	_ =	sdelay $0x1  }
0x335: {  	v4 =	vadd.s32 v1, v4;
	_ =	sdelay $0x3  }
0x336: {  	v3 =	vperm.xlane v3, v2  }
0x337: {  	[tilespmem:s0], [sflag:$0x2] =	stream.indirect_vreg.gather [hbm4b:s2+s3], $0x80, v4, vm0, $0xb8;
	[tilespmem:$0x18400] =	vst v63  }
0x338: {  	s8 =	simm.s32 $0x6C00;
	v3 =	vadd.s32 v1, v3  }
0x339: {  	[tilespmem:s8], [sflag:$0x2] =	stream.indirect_vreg.gather [hbm4b:s5+s3], $0x80, v4, vm0, $0xb8;
	[tilespmem:$0x18400] =	vst v63  }
0x33a: {  	s9 =	simm.s32 $0x7400  }
0x33b: {  	[tilespmem:s9], [sflag:$0x2] =	stream.indirect_vreg.gather [hbm4b:s6+s3], $0x80, v4, vm0, $0xb8;
	[tilespmem:$0x18400] =	vst v63  }
0x33c: {  	s19 =	simm.s32 $0x7C00  }
0x33d: {  	[tilespmem:s19], [sflag:$0x2] =	stream.indirect_vreg.gather [hbm4b:s2+s3], $0x80, v3, vm0, $0xb8;
	[tilespmem:$0x18400] =	vst v63  }
0x33e: {  	_ = 	snop  }
0x33f: {  	[tilespmem:s1], [sflag:$0x2] =	stream.indirect_vreg.gather [hbm4b:s5+s3], $0x80, v3, vm0, $0xb8;
	[tilespmem:$0x18400] =	vst v63  }
0x340: {  	s17 =	simm.s32 $0x8C00  }
0x341: {  	[tilespmem:s17], [sflag:$0x2] =	stream.indirect_vreg.gather [hbm4b:s6+s3], $0x80, v3, vm0, $0xb8;
	[tilespmem:$0x18400] =	vst v63  }
0x342: {  	v3 =	vld [tilespmem:$0x230];
	_ =	sdelay $0x4  }
0x343: {  	v35 =	vshrl.u32 v3, $0x3  }
0x344: {  	v4 =	vmul.u32 $0x30, v35  }
0x345: {  	v3 =	vand.u32 $0x7, v3  }
0x346: {  	v3 =	vor.u32 v3, v4  }
0x347: {  	v4 =	vperm.xlane v3, v0;
	_ =	sdelay $0x1  }
0x348: {  	v4 =	vadd.s32 v1, v4;
	_ =	sdelay $0x3  }
0x349: {  	s18 =	simm.s32 $0x9400;
	v3 =	vperm.xlane v3, v2  }
0x34a: {  	[tilespmem:s18], [sflag:$0x2] =	stream.indirect_vreg.gather [hbm4b:s2+s3], $0x80, v4, vm0, $0xb8;
	[tilespmem:$0x18400] =	vst v63  }
0x34b: {  	s26 =	simm.s32 $0x9C00;
	v3 =	vadd.s32 v1, v3  }
0x34c: {  	[tilespmem:s26], [sflag:$0x2] =	stream.indirect_vreg.gather [hbm4b:s5+s3], $0x80, v4, vm0, $0xb8;
	[tilespmem:$0x18400] =	vst v63  }
0x34d: {  	s1 =	simm.s32 $0xA400  }
0x34e: {  	[tilespmem:s1], [sflag:$0x2] =	stream.indirect_vreg.gather [hbm4b:s6+s3], $0x80, v4, vm0, $0xb8;
	[tilespmem:$0x18400] =	vst v63  }
0x34f: {  	s7 =	simm.s32 $0xAC00  }
0x350: {  	[tilespmem:s7], [sflag:$0x2] =	stream.indirect_vreg.gather [hbm4b:s2+s3], $0x80, v3, vm0, $0xb8;
	[tilespmem:$0x18400] =	vst v63  }
0x351: {  	s0 =	simm.s32 $0xB400  }
0x352: {  	[tilespmem:s0], [sflag:$0x2] =	stream.indirect_vreg.gather [hbm4b:s5+s3], $0x80, v3, vm0, $0xb8;
	[tilespmem:$0x18400] =	vst v63  }
0x353: {  	s9 =	simm.s32 $0xBC00  }
0x354: {  	[tilespmem:s9], [sflag:$0x2] =	stream.indirect_vreg.gather [hbm4b:s6+s3], $0x80, v3, vm0, $0xb8;
	[tilespmem:$0x18400] =	vst v63  }
0x355: {  	s8 =	rddreg [dreg:$0x12];
	s18 =	simm.s32 $0xC400  }
0x356: {  	[hbm4b:s8+s3] =	stream.linear.scatter [tilespmem:s18], [sflag:$0x7], $0x6000, $0x38;
	[tilespmem:$0x18400] =	vst v63  }
0x357: {  	_ =	swait.ge [sflag:s14], $0x6000  }
0x358: {  	[sflag:s14] =	ssyncset.done $0x0  }
0x359: {  	[sflag:s14] =	ssyncadd.s32 $0xFFFFA000  }
0x35a: {  	_ =	swait.ge [sflag:s15], $0x6000  }
0x35b: {  	[sflag:s15] =	ssyncset.done $0x0  }
0x35c: {  	[sflag:s15] =	ssyncadd.s32 $0xFFFFA000  }
0x35d: {  	v3 =	vld [tilespmem:$0x240];
	_ =	sdelay $0x4  }
0x35e: {  	v36 =	vshrl.u32 v3, $0x3  }
0x35f: {  	v4 =	vmul.u32 $0x30, v36  }
0x360: {  	v3 =	vand.u32 $0x7, v3  }
0x361: {  	v3 =	vor.u32 v3, v4  }
0x362: {  	v4 =	vperm.xlane v3, v0;
	_ =	sdelay $0x1  }
0x363: {  	v4 =	vadd.s32 v1, v4;
	_ =	sdelay $0x3  }
0x364: {  	v3 =	vperm.xlane v3, v2  }
0x365: {  	[tilespmem:s18], [sflag:$0x3] =	stream.indirect_vreg.gather [hbm4b:s2+s3], $0x80, v4, vm0, $0xb8;
	[tilespmem:$0x18400] =	vst v63  }
0x366: {  	v3 =	vadd.s32 v1, v3  }
0x367: {  	[tilespmem:s22], [sflag:$0x3] =	stream.indirect_vreg.gather [hbm4b:s5+s3], $0x80, v4, vm0, $0xb8;
	[tilespmem:$0x18400] =	vst v63  }
0x368: {  	_ = 	snop  }
0x369: {  	[tilespmem:s25], [sflag:$0x3] =	stream.indirect_vreg.gather [hbm4b:s6+s3], $0x80, v4, vm0, $0xb8;
	[tilespmem:$0x18400] =	vst v63  }
0x36a: {  	_ = 	snop  }
0x36b: {  	[tilespmem:s28], [sflag:$0x3] =	stream.indirect_vreg.gather [hbm4b:s2+s3], $0x80, v3, vm0, $0xb8;
	[tilespmem:$0x18400] =	vst v63  }
0x36c: {  	_ = 	snop  }
0x36d: {  	[tilespmem:s30], [sflag:$0x3] =	stream.indirect_vreg.gather [hbm4b:s5+s3], $0x80, v3, vm0, $0xb8;
	[tilespmem:$0x18400] =	vst v63  }
0x36e: {  	_ = 	snop  }
0x36f: {  	[tilespmem:s31], [sflag:$0x3] =	stream.indirect_vreg.gather [hbm4b:s6+s3], $0x80, v3, vm0, $0xb8;
	[tilespmem:$0x18400] =	vst v63  }
0x370: {  	v3 =	vld [tilespmem:$0x250];
	_ =	sdelay $0x4  }
0x371: {  	v37 =	vshrl.u32 v3, $0x3  }
0x372: {  	v4 =	vmul.u32 $0x30, v37  }
0x373: {  	v3 =	vand.u32 $0x7, v3  }
0x374: {  	v3 =	vor.u32 v3, v4  }
0x375: {  	v4 =	vperm.xlane v3, v0;
	_ =	sdelay $0x1  }
0x376: {  	v4 =	vadd.s32 v1, v4;
	_ =	sdelay $0x3  }
0x377: {  	s26 =	simm.s32 $0xF400;
	v3 =	vperm.xlane v3, v2  }
0x378: {  	[tilespmem:s26], [sflag:$0x3] =	stream.indirect_vreg.gather [hbm4b:s2+s3], $0x80, v4, vm0, $0xb8;
	[tilespmem:$0x18400] =	vst v63  }
0x379: {  	s28 =	simm.s32 $0xFC00;
	v3 =	vadd.s32 v1, v3  }
0x37a: {  	[tilespmem:s28], [sflag:$0x3] =	stream.indirect_vreg.gather [hbm4b:s5+s3], $0x80, v4, vm0, $0xb8;
	[tilespmem:$0x18400] =	vst v63  }
0x37b: {  	s30 =	simm.s32 $0x10400  }
0x37c: {  	[tilespmem:s30], [sflag:$0x3] =	stream.indirect_vreg.gather [hbm4b:s6+s3], $0x80, v4, vm0, $0xb8;
	[tilespmem:$0x18400] =	vst v63  }
0x37d: {  	s31 =	simm.s32 $0x10C00  }
0x37e: {  	[tilespmem:s31], [sflag:$0x3] =	stream.indirect_vreg.gather [hbm4b:s2+s3], $0x80, v3, vm0, $0xb8;
	[tilespmem:$0x18400] =	vst v63  }
0x37f: {  	s7 =	simm.s32 $0x11400  }
0x380: {  	[tilespmem:s7], [sflag:$0x3] =	stream.indirect_vreg.gather [hbm4b:s5+s3], $0x80, v3, vm0, $0xb8;
	[tilespmem:$0x18400] =	vst v63  }
0x381: {  	_ = 	snop  }
0x382: {  	[tilespmem:s21], [sflag:$0x3] =	stream.indirect_vreg.gather [hbm4b:s6+s3], $0x80, v3, vm0, $0xb8;
	[tilespmem:$0x18400] =	vst v63  }
0x383: {  	s9 =	simm.s32 $0x12400;
	s8 =	rddreg [dreg:$0x13]  }
0x384: {  	[hbm4b:s8+s3] =	stream.linear.scatter [tilespmem:s9], [sflag:$0x8], $0x6000, $0x38;
	[tilespmem:$0x18400] =	vst v63  }
0x385: {  	_ =	swait.ge [sflag:s20], $0x6000  }
0x386: {  	[sflag:s20] =	ssyncset.done $0x0  }
0x387: {  	[sflag:s20] =	ssyncadd.s32 $0xFFFFA000  }
0x388: {  	_ =	swait.ge [sflag:s16], $0x6000  }
0x389: {  	[sflag:s16] =	ssyncset.done $0x0  }
0x38a: {  	[sflag:s16] =	ssyncadd.s32 $0xFFFFA000  }
0x38b: {  	v3 =	vld [tilespmem:$0x260];
	_ =	sdelay $0x4  }
0x38c: {  	v38 =	vshrl.u32 v3, $0x3  }
0x38d: {  	v4 =	vmul.u32 $0x30, v38  }
0x38e: {  	v3 =	vand.u32 $0x7, v3  }
0x38f: {  	v3 =	vor.u32 v3, v4  }
0x390: {  	v4 =	vperm.xlane v3, v0;
	_ =	sdelay $0x1  }
0x391: {  	v4 =	vadd.s32 v1, v4;
	_ =	sdelay $0x3  }
0x392: {  	v3 =	vperm.xlane v3, v2  }
0x393: {  	[tilespmem:s9], [sflag:$0x4] =	stream.indirect_vreg.gather [hbm4b:s2+s3], $0x80, v4, vm0, $0xb8;
	[tilespmem:$0x18400] =	vst v63  }
0x394: {  	s17 =	simm.s32 $0x12C00;
	v3 =	vadd.s32 v1, v3  }
0x395: {  	[tilespmem:s17], [sflag:$0x4] =	stream.indirect_vreg.gather [hbm4b:s5+s3], $0x80, v4, vm0, $0xb8;
	[tilespmem:$0x18400] =	vst v63  }
0x396: {  	s18 =	simm.s32 $0x13400  }
0x397: {  	[tilespmem:s18], [sflag:$0x4] =	stream.indirect_vreg.gather [hbm4b:s6+s3], $0x80, v4, vm0, $0xb8;
	[tilespmem:$0x18400] =	vst v63  }
0x398: {  	s21 =	simm.s32 $0x13C00  }
0x399: {  	[tilespmem:s21], [sflag:$0x4] =	stream.indirect_vreg.gather [hbm4b:s2+s3], $0x80, v3, vm0, $0xb8;
	[tilespmem:$0x18400] =	vst v63  }
0x39a: {  	s22 =	simm.s32 $0x14400  }
0x39b: {  	[tilespmem:s22], [sflag:$0x4] =	stream.indirect_vreg.gather [hbm4b:s5+s3], $0x80, v3, vm0, $0xb8;
	[tilespmem:$0x18400] =	vst v63  }
0x39c: {  	s9 =	simm.s32 $0x14C00  }
0x39d: {  	[tilespmem:s9], [sflag:$0x4] =	stream.indirect_vreg.gather [hbm4b:s6+s3], $0x80, v3, vm0, $0xb8;
	[tilespmem:$0x18400] =	vst v63  }
0x39e: {  	v3 =	vld [tilespmem:$0x270];
	_ =	sdelay $0x4  }
0x39f: {  	v39 =	vshrl.u32 v3, $0x3  }
0x3a0: {  	v4 =	vmul.u32 $0x30, v39  }
0x3a1: {  	v3 =	vand.u32 $0x7, v3  }
0x3a2: {  	v3 =	vor.u32 v3, v4  }
0x3a3: {  	v4 =	vperm.xlane v3, v0;
	_ =	sdelay $0x1  }
0x3a4: {  	v4 =	vadd.s32 v1, v4;
	_ =	sdelay $0x3  }
0x3a5: {  	s18 =	simm.s32 $0x15400;
	v3 =	vperm.xlane v3, v2  }
0x3a6: {  	[tilespmem:s18], [sflag:$0x4] =	stream.indirect_vreg.gather [hbm4b:s2+s3], $0x80, v4, vm0, $0xb8;
	[tilespmem:$0x18400] =	vst v63  }
0x3a7: {  	v3 =	vadd.s32 v1, v3  }
0x3a8: {  	[tilespmem:s4], [sflag:$0x4] =	stream.indirect_vreg.gather [hbm4b:s5+s3], $0x80, v4, vm0, $0xb8;
	[tilespmem:$0x18400] =	vst v63  }
0x3a9: {  	_ = 	snop  }
0x3aa: {  	[tilespmem:s29], [sflag:$0x4] =	stream.indirect_vreg.gather [hbm4b:s6+s3], $0x80, v4, vm0, $0xb8;
	[tilespmem:$0x18400] =	vst v63  }
0x3ab: {  	s25 =	simm.s32 $0x16C00  }
0x3ac: {  	[tilespmem:s25], [sflag:$0x4] =	stream.indirect_vreg.gather [hbm4b:s2+s3], $0x80, v3, vm0, $0xb8;
	[tilespmem:$0x18400] =	vst v63  }
0x3ad: {  	s8 =	simm.s32 $0x17400  }
0x3ae: {  	[tilespmem:s8], [sflag:$0x4] =	stream.indirect_vreg.gather [hbm4b:s5+s3], $0x80, v3, vm0, $0xb8;
	[tilespmem:$0x18400] =	vst v63  }
0x3af: {  	s28 =	simm.s32 $0x17C00  }
0x3b0: {  	[tilespmem:s28], [sflag:$0x4] =	stream.indirect_vreg.gather [hbm4b:s6+s3], $0x80, v3, vm0, $0xb8;
	[tilespmem:$0x18400] =	vst v63  }
0x3b1: {  	s26 =	rddreg [dreg:$0x14];
	s29 =	simm.s32 $0x400  }
0x3b2: {  	[hbm4b:s26+s3] =	stream.linear.scatter [tilespmem:s29], [sflag:$0x5], $0x6000, $0x38;
	[tilespmem:$0x18400] =	vst v63  }
0x3b3: {  	_ =	swait.ge [sflag:s10], $0x6000  }
0x3b4: {  	[sflag:s10] =	ssyncset.done $0x0  }
0x3b5: {  	[sflag:s10] =	ssyncadd.s32 $0xFFFFA000  }
0x3b6: {  	_ =	swait.ge [sflag:s11], $0x6000  }
0x3b7: {  	[sflag:s11] =	ssyncset.done $0x0  }
0x3b8: {  	[sflag:s11] =	ssyncadd.s32 $0xFFFFA000  }
0x3b9: {  	v3 =	vld [tilespmem:$0x280];
	_ =	sdelay $0x4  }
0x3ba: {  	v40 =	vshrl.u32 v3, $0x3  }
0x3bb: {  	v4 =	vmul.u32 $0x30, v40  }
0x3bc: {  	v3 =	vand.u32 $0x7, v3  }
0x3bd: {  	v3 =	vor.u32 v3, v4  }
0x3be: {  	v4 =	vperm.xlane v3, v0;
	_ =	sdelay $0x1  }
0x3bf: {  	v4 =	vadd.s32 v1, v4;
	_ =	sdelay $0x3  }
0x3c0: {  	v3 =	vperm.xlane v3, v2  }
0x3c1: {  	[tilespmem:s29], [sflag:$0x1] =	stream.indirect_vreg.gather [hbm4b:s2+s3], $0x80, v4, vm0, $0xb8;
	[tilespmem:$0x18400] =	vst v63  }
0x3c2: {  	s23 =	simm.s32 $0xC00;
	v3 =	vadd.s32 v1, v3  }
0x3c3: {  	[tilespmem:s23], [sflag:$0x1] =	stream.indirect_vreg.gather [hbm4b:s5+s3], $0x80, v4, vm0, $0xb8;
	[tilespmem:$0x18400] =	vst v63  }
0x3c4: {  	s24 =	simm.s32 $0x1400  }
0x3c5: {  	[tilespmem:s24], [sflag:$0x1] =	stream.indirect_vreg.gather [hbm4b:s6+s3], $0x80, v4, vm0, $0xb8;
	[tilespmem:$0x18400] =	vst v63  }
0x3c6: {  	s1 =	simm.s32 $0x1C00  }
0x3c7: {  	[tilespmem:s1], [sflag:$0x1] =	stream.indirect_vreg.gather [hbm4b:s2+s3], $0x80, v3, vm0, $0xb8;
	[tilespmem:$0x18400] =	vst v63  }
0x3c8: {  	s23 =	simm.s32 $0x2400  }
0x3c9: {  	[tilespmem:s23], [sflag:$0x1] =	stream.indirect_vreg.gather [hbm4b:s5+s3], $0x80, v3, vm0, $0xb8;
	[tilespmem:$0x18400] =	vst v63  }
0x3ca: {  	s24 =	simm.s32 $0x2C00  }
0x3cb: {  	[tilespmem:s24], [sflag:$0x1] =	stream.indirect_vreg.gather [hbm4b:s6+s3], $0x80, v3, vm0, $0xb8;
	[tilespmem:$0x18400] =	vst v63  }
0x3cc: {  	v3 =	vld [tilespmem:$0x290];
	_ =	sdelay $0x4  }
0x3cd: {  	v41 =	vshrl.u32 v3, $0x3  }
0x3ce: {  	v4 =	vmul.u32 $0x30, v41  }
0x3cf: {  	v3 =	vand.u32 $0x7, v3  }
0x3d0: {  	v3 =	vor.u32 v3, v4  }
0x3d1: {  	v4 =	vperm.xlane v3, v0;
	_ =	sdelay $0x1  }
0x3d2: {  	v4 =	vadd.s32 v1, v4;
	_ =	sdelay $0x3  }
0x3d3: {  	s26 =	simm.s32 $0x3400;
	v3 =	vperm.xlane v3, v2  }
0x3d4: {  	[tilespmem:s26], [sflag:$0x1] =	stream.indirect_vreg.gather [hbm4b:s2+s3], $0x80, v4, vm0, $0xb8;
	[tilespmem:$0x18400] =	vst v63  }
0x3d5: {  	s30 =	simm.s32 $0x3C00;
	v3 =	vadd.s32 v1, v3  }
0x3d6: {  	[tilespmem:s30], [sflag:$0x1] =	stream.indirect_vreg.gather [hbm4b:s5+s3], $0x80, v4, vm0, $0xb8;
	[tilespmem:$0x18400] =	vst v63  }
0x3d7: {  	s7 =	simm.s32 $0x4400  }
0x3d8: {  	[tilespmem:s7], [sflag:$0x1] =	stream.indirect_vreg.gather [hbm4b:s6+s3], $0x80, v4, vm0, $0xb8;
	[tilespmem:$0x18400] =	vst v63  }
0x3d9: {  	s21 =	simm.s32 $0x4C00  }
0x3da: {  	[tilespmem:s21], [sflag:$0x1] =	stream.indirect_vreg.gather [hbm4b:s2+s3], $0x80, v3, vm0, $0xb8;
	[tilespmem:$0x18400] =	vst v63  }
0x3db: {  	s22 =	simm.s32 $0x5400  }
0x3dc: {  	[tilespmem:s22], [sflag:$0x1] =	stream.indirect_vreg.gather [hbm4b:s5+s3], $0x80, v3, vm0, $0xb8;
	[tilespmem:$0x18400] =	vst v63  }
0x3dd: {  	s28 =	simm.s32 $0x5C00  }
0x3de: {  	[tilespmem:s28], [sflag:$0x1] =	stream.indirect_vreg.gather [hbm4b:s6+s3], $0x80, v3, vm0, $0xb8;
	[tilespmem:$0x18400] =	vst v63  }
0x3df: {  	s4 =	simm.s32 $0x6400;
	s31 =	rddreg [dreg:$0x15]  }
0x3e0: {  	[hbm4b:s31+s3] =	stream.linear.scatter [tilespmem:s4], [sflag:$0x6], $0x6000, $0x38;
	[tilespmem:$0x18400] =	vst v63  }
0x3e1: {  	_ =	swait.ge [sflag:s12], $0x6000  }
0x3e2: {  	[sflag:s12] =	ssyncset.done $0x0  }
0x3e3: {  	[sflag:s12] =	ssyncadd.s32 $0xFFFFA000  }
0x3e4: {  	_ =	swait.ge [sflag:s13], $0x6000  }
0x3e5: {  	[sflag:s13] =	ssyncset.done $0x0  }
0x3e6: {  	[sflag:s13] =	ssyncadd.s32 $0xFFFFA000  }
0x3e7: {  	v3 =	vld [tilespmem:$0x2A0];
	_ =	sdelay $0x4  }
0x3e8: {  	v42 =	vshrl.u32 v3, $0x3  }
0x3e9: {  	v4 =	vmul.u32 $0x30, v42  }
0x3ea: {  	v3 =	vand.u32 $0x7, v3  }
0x3eb: {  	v3 =	vor.u32 v3, v4  }
0x3ec: {  	v4 =	vperm.xlane v3, v0;
	_ =	sdelay $0x1  }
0x3ed: {  	v4 =	vadd.s32 v1, v4;
	_ =	sdelay $0x3  }
0x3ee: {  	v3 =	vperm.xlane v3, v2  }
0x3ef: {  	[tilespmem:s4], [sflag:$0x2] =	stream.indirect_vreg.gather [hbm4b:s2+s3], $0x80, v4, vm0, $0xb8;
	[tilespmem:$0x18400] =	vst v63  }
0x3f0: {  	s25 =	simm.s32 $0x6C00;
	v3 =	vadd.s32 v1, v3  }
0x3f1: {  	[tilespmem:s25], [sflag:$0x2] =	stream.indirect_vreg.gather [hbm4b:s5+s3], $0x80, v4, vm0, $0xb8;
	[tilespmem:$0x18400] =	vst v63  }
0x3f2: {  	s29 =	simm.s32 $0x7400  }
0x3f3: {  	[tilespmem:s29], [sflag:$0x2] =	stream.indirect_vreg.gather [hbm4b:s6+s3], $0x80, v4, vm0, $0xb8;
	[tilespmem:$0x18400] =	vst v63  }
0x3f4: {  	_ = 	snop  }
0x3f5: {  	[tilespmem:s19], [sflag:$0x2] =	stream.indirect_vreg.gather [hbm4b:s2+s3], $0x80, v3, vm0, $0xb8;
	[tilespmem:$0x18400] =	vst v63  }
0x3f6: {  	s4 =	simm.s32 $0x8400  }
0x3f7: {  	[tilespmem:s4], [sflag:$0x2] =	stream.indirect_vreg.gather [hbm4b:s5+s3], $0x80, v3, vm0, $0xb8;
	[tilespmem:$0x18400] =	vst v63  }
0x3f8: {  	s30 =	simm.s32 $0x8C00  }
0x3f9: {  	[tilespmem:s30], [sflag:$0x2] =	stream.indirect_vreg.gather [hbm4b:s6+s3], $0x80, v3, vm0, $0xb8;
	[tilespmem:$0x18400] =	vst v63  }
0x3fa: {  	v3 =	vld [tilespmem:$0x2B0];
	_ =	sdelay $0x4  }
0x3fb: {  	v43 =	vshrl.u32 v3, $0x3  }
0x3fc: {  	v4 =	vmul.u32 $0x30, v43  }
0x3fd: {  	v3 =	vand.u32 $0x7, v3  }
0x3fe: {  	v3 =	vor.u32 v3, v4  }
0x3ff: {  	v4 =	vperm.xlane v3, v0;
	_ =	sdelay $0x1  }
0x400: {  	v4 =	vadd.s32 v1, v4;
	_ =	sdelay $0x3  }
0x401: {  	s31 =	simm.s32 $0x9400;
	v3 =	vperm.xlane v3, v2  }
0x402: {  	[tilespmem:s31], [sflag:$0x2] =	stream.indirect_vreg.gather [hbm4b:s2+s3], $0x80, v4, vm0, $0xb8;
	[tilespmem:$0x18400] =	vst v63  }
0x403: {  	s19 =	simm.s32 $0x9C00;
	v3 =	vadd.s32 v1, v3  }
0x404: {  	[tilespmem:s19], [sflag:$0x2] =	stream.indirect_vreg.gather [hbm4b:s5+s3], $0x80, v4, vm0, $0xb8;
	[tilespmem:$0x18400] =	vst v63  }
0x405: {  	s25 =	simm.s32 $0xA400  }
0x406: {  	[tilespmem:s25], [sflag:$0x2] =	stream.indirect_vreg.gather [hbm4b:s6+s3], $0x80, v4, vm0, $0xb8;
	[tilespmem:$0x18400] =	vst v63  }
0x407: {  	s29 =	simm.s32 $0xAC00  }
0x408: {  	[tilespmem:s29], [sflag:$0x2] =	stream.indirect_vreg.gather [hbm4b:s2+s3], $0x80, v3, vm0, $0xb8;
	[tilespmem:$0x18400] =	vst v63  }
0x409: {  	_ = 	snop  }
0x40a: {  	[tilespmem:s0], [sflag:$0x2] =	stream.indirect_vreg.gather [hbm4b:s5+s3], $0x80, v3, vm0, $0xb8;
	[tilespmem:$0x18400] =	vst v63  }
0x40b: {  	s31 =	simm.s32 $0xBC00  }
0x40c: {  	[tilespmem:s31], [sflag:$0x2] =	stream.indirect_vreg.gather [hbm4b:s6+s3], $0x80, v3, vm0, $0xb8;
	[tilespmem:$0x18400] =	vst v63  }
0x40d: {  	s30 =	rddreg [dreg:$0x16];
	s0 =	simm.s32 $0xC400  }
0x40e: {  	[hbm4b:s30+s3] =	stream.linear.scatter [tilespmem:s0], [sflag:$0x7], $0x6000, $0x38;
	[tilespmem:$0x18400] =	vst v63  }
0x40f: {  	_ =	swait.ge [sflag:s14], $0x6000  }
0x410: {  	[sflag:s14] =	ssyncset.done $0x0  }
0x411: {  	[sflag:s14] =	ssyncadd.s32 $0xFFFFA000  }
0x412: {  	_ =	swait.ge [sflag:s15], $0x6000  }
0x413: {  	[sflag:s15] =	ssyncset.done $0x0  }
0x414: {  	[sflag:s15] =	ssyncadd.s32 $0xFFFFA000  }
0x415: {  	v3 =	vld [tilespmem:$0x2C0];
	_ =	sdelay $0x4  }
0x416: {  	v44 =	vshrl.u32 v3, $0x3  }
0x417: {  	v4 =	vmul.u32 $0x30, v44  }
0x418: {  	v3 =	vand.u32 $0x7, v3  }
0x419: {  	v3 =	vor.u32 v3, v4  }
0x41a: {  	v4 =	vperm.xlane v3, v0;
	_ =	sdelay $0x1  }
0x41b: {  	v4 =	vadd.s32 v1, v4;
	_ =	sdelay $0x3  }
0x41c: {  	v3 =	vperm.xlane v3, v2  }
0x41d: {  	[tilespmem:s0], [sflag:$0x3] =	stream.indirect_vreg.gather [hbm4b:s2+s3], $0x80, v4, vm0, $0xb8;
	[tilespmem:$0x18400] =	vst v63  }
0x41e: {  	s19 =	simm.s32 $0xCC00;
	v3 =	vadd.s32 v1, v3  }
0x41f: {  	[tilespmem:s19], [sflag:$0x3] =	stream.indirect_vreg.gather [hbm4b:s5+s3], $0x80, v4, vm0, $0xb8;
	[tilespmem:$0x18400] =	vst v63  }
0x420: {  	s25 =	simm.s32 $0xD400  }
0x421: {  	[tilespmem:s25], [sflag:$0x3] =	stream.indirect_vreg.gather [hbm4b:s6+s3], $0x80, v4, vm0, $0xb8;
	[tilespmem:$0x18400] =	vst v63  }
0x422: {  	s29 =	simm.s32 $0xDC00  }
0x423: {  	[tilespmem:s29], [sflag:$0x3] =	stream.indirect_vreg.gather [hbm4b:s2+s3], $0x80, v3, vm0, $0xb8;
	[tilespmem:$0x18400] =	vst v63  }
0x424: {  	s30 =	simm.s32 $0xE400  }
0x425: {  	[tilespmem:s30], [sflag:$0x3] =	stream.indirect_vreg.gather [hbm4b:s5+s3], $0x80, v3, vm0, $0xb8;
	[tilespmem:$0x18400] =	vst v63  }
0x426: {  	s31 =	simm.s32 $0xEC00  }
0x427: {  	[tilespmem:s31], [sflag:$0x3] =	stream.indirect_vreg.gather [hbm4b:s6+s3], $0x80, v3, vm0, $0xb8;
	[tilespmem:$0x18400] =	vst v63  }
0x428: {  	v3 =	vld [tilespmem:$0x2D0];
	_ =	sdelay $0x4  }
0x429: {  	v45 =	vshrl.u32 v3, $0x3  }
0x42a: {  	v4 =	vmul.u32 $0x30, v45  }
0x42b: {  	v3 =	vand.u32 $0x7, v3  }
0x42c: {  	v3 =	vor.u32 v3, v4  }
0x42d: {  	v4 =	vperm.xlane v3, v0;
	_ =	sdelay $0x1  }
0x42e: {  	v4 =	vadd.s32 v1, v4;
	_ =	sdelay $0x3  }
0x42f: {  	s17 =	simm.s32 $0xF400;
	v3 =	vperm.xlane v3, v2  }
0x430: {  	[tilespmem:s17], [sflag:$0x3] =	stream.indirect_vreg.gather [hbm4b:s2+s3], $0x80, v4, vm0, $0xb8;
	[tilespmem:$0x18400] =	vst v63  }
0x431: {  	v3 =	vadd.s32 v1, v3;
	s17 =	simm.s32 $0xFC00  }
0x432: {  	[tilespmem:s17], [sflag:$0x3] =	stream.indirect_vreg.gather [hbm4b:s5+s3], $0x80, v4, vm0, $0xb8;
	[tilespmem:$0x18400] =	vst v63  }
0x433: {  	s17 =	simm.s32 $0x10400  }
0x434: {  	[tilespmem:s17], [sflag:$0x3] =	stream.indirect_vreg.gather [hbm4b:s6+s3], $0x80, v4, vm0, $0xb8;
	[tilespmem:$0x18400] =	vst v63  }
0x435: {  	s17 =	simm.s32 $0x10C00  }
0x436: {  	[tilespmem:s17], [sflag:$0x3] =	stream.indirect_vreg.gather [hbm4b:s2+s3], $0x80, v3, vm0, $0xb8;
	[tilespmem:$0x18400] =	vst v63  }
0x437: {  	s17 =	simm.s32 $0x11400  }
0x438: {  	[tilespmem:s17], [sflag:$0x3] =	stream.indirect_vreg.gather [hbm4b:s5+s3], $0x80, v3, vm0, $0xb8;
	[tilespmem:$0x18400] =	vst v63  }
0x439: {  	s0 =	simm.s32 $0x11C00  }
0x43a: {  	[tilespmem:s0], [sflag:$0x3] =	stream.indirect_vreg.gather [hbm4b:s6+s3], $0x80, v3, vm0, $0xb8;
	[tilespmem:$0x18400] =	vst v63  }
0x43b: {  	s17 =	rddreg [dreg:$0x17];
	s0 =	simm.s32 $0x12400  }
0x43c: {  	[hbm4b:s17+s3] =	stream.linear.scatter [tilespmem:s0], [sflag:$0x8], $0x6000, $0x38;
	[tilespmem:$0x18400] =	vst v63  }
0x43d: {  	_ =	swait.ge [sflag:s20], $0x6000  }
0x43e: {  	[sflag:s20] =	ssyncset.done $0x0  }
0x43f: {  	[sflag:s20] =	ssyncadd.s32 $0xFFFFA000  }
0x440: {  	_ =	swait.ge [sflag:s16], $0x6000  }
0x441: {  	[sflag:s16] =	ssyncset.done $0x0  }
0x442: {  	[sflag:s16] =	ssyncadd.s32 $0xFFFFA000  }
0x443: {  	v3 =	vld [tilespmem:$0x2E0];
	_ =	sdelay $0x4  }
0x444: {  	v46 =	vshrl.u32 v3, $0x3  }
0x445: {  	v4 =	vmul.u32 $0x30, v46  }
0x446: {  	v3 =	vand.u32 $0x7, v3  }
0x447: {  	v3 =	vor.u32 v3, v4  }
0x448: {  	v4 =	vperm.xlane v3, v0;
	_ =	sdelay $0x1  }
0x449: {  	v4 =	vadd.s32 v1, v4;
	_ =	sdelay $0x3  }
0x44a: {  	v3 =	vperm.xlane v3, v2  }
0x44b: {  	[tilespmem:s0], [sflag:$0x4] =	stream.indirect_vreg.gather [hbm4b:s2+s3], $0x80, v4, vm0, $0xb8;
	[tilespmem:$0x18400] =	vst v63  }
0x44c: {  	s17 =	simm.s32 $0x12C00;
	v3 =	vadd.s32 v1, v3  }
0x44d: {  	[tilespmem:s17], [sflag:$0x4] =	stream.indirect_vreg.gather [hbm4b:s5+s3], $0x80, v4, vm0, $0xb8;
	[tilespmem:$0x18400] =	vst v63  }
0x44e: {  	s17 =	simm.s32 $0x13400  }
0x44f: {  	[tilespmem:s17], [sflag:$0x4] =	stream.indirect_vreg.gather [hbm4b:s6+s3], $0x80, v4, vm0, $0xb8;
	[tilespmem:$0x18400] =	vst v63  }
0x450: {  	s17 =	simm.s32 $0x13C00  }
0x451: {  	[tilespmem:s17], [sflag:$0x4] =	stream.indirect_vreg.gather [hbm4b:s2+s3], $0x80, v3, vm0, $0xb8;
	[tilespmem:$0x18400] =	vst v63  }
0x452: {  	s17 =	simm.s32 $0x14400  }
0x453: {  	[tilespmem:s17], [sflag:$0x4] =	stream.indirect_vreg.gather [hbm4b:s5+s3], $0x80, v3, vm0, $0xb8;
	[tilespmem:$0x18400] =	vst v63  }
0x454: {  	_ = 	snop  }
0x455: {  	[tilespmem:s9], [sflag:$0x4] =	stream.indirect_vreg.gather [hbm4b:s6+s3], $0x80, v3, vm0, $0xb8;
	[tilespmem:$0x18400] =	vst v63  }
0x456: {  	v3 =	vld [tilespmem:$0x2F0];
	_ =	sdelay $0x4  }
0x457: {  	v47 =	vshrl.u32 v3, $0x3  }
0x458: {  	v4 =	vmul.u32 $0x30, v47  }
0x459: {  	v3 =	vand.u32 $0x7, v3  }
0x45a: {  	v3 =	vor.u32 v3, v4  }
0x45b: {  	v4 =	vperm.xlane v3, v0;
	_ =	sdelay $0x1  }
0x45c: {  	v4 =	vadd.s32 v1, v4;
	_ =	sdelay $0x3  }
0x45d: {  	v3 =	vperm.xlane v3, v2  }
0x45e: {  	[tilespmem:s18], [sflag:$0x4] =	stream.indirect_vreg.gather [hbm4b:s2+s3], $0x80, v4, vm0, $0xb8;
	[tilespmem:$0x18400] =	vst v63  }
0x45f: {  	s9 =	simm.s32 $0x15C00;
	v3 =	vadd.s32 v1, v3  }
0x460: {  	[tilespmem:s9], [sflag:$0x4] =	stream.indirect_vreg.gather [hbm4b:s5+s3], $0x80, v4, vm0, $0xb8;
	[tilespmem:$0x18400] =	vst v63  }
0x461: {  	s18 =	simm.s32 $0x16400  }
0x462: {  	[tilespmem:s18], [sflag:$0x4] =	stream.indirect_vreg.gather [hbm4b:s6+s3], $0x80, v4, vm0, $0xb8;
	[tilespmem:$0x18400] =	vst v63  }
0x463: {  	s17 =	simm.s32 $0x16C00  }
0x464: {  	[tilespmem:s17], [sflag:$0x4] =	stream.indirect_vreg.gather [hbm4b:s2+s3], $0x80, v3, vm0, $0xb8;
	[tilespmem:$0x18400] =	vst v63  }
0x465: {  	_ = 	snop  }
0x466: {  	[tilespmem:s8], [sflag:$0x4] =	stream.indirect_vreg.gather [hbm4b:s5+s3], $0x80, v3, vm0, $0xb8;
	[tilespmem:$0x18400] =	vst v63  }
0x467: {  	s8 =	simm.s32 $0x17C00  }
0x468: {  	[tilespmem:s8], [sflag:$0x4] =	stream.indirect_vreg.gather [hbm4b:s6+s3], $0x80, v3, vm0, $0xb8;
	[tilespmem:$0x18400] =	vst v63  }
0x469: {  	s17 =	rddreg [dreg:$0x18];
	s8 =	simm.s32 $0x400  }
0x46a: {  	[hbm4b:s17+s3] =	stream.linear.scatter [tilespmem:s8], [sflag:$0x5], $0x6000, $0x38;
	[tilespmem:$0x18400] =	vst v63  }
0x46b: {  	_ =	swait.ge [sflag:s10], $0x6000  }
0x46c: {  	[sflag:s10] =	ssyncset.done $0x0  }
0x46d: {  	[sflag:s10] =	ssyncadd.s32 $0xFFFFA000  }
0x46e: {  	_ =	swait.ge [sflag:s11], $0x6000  }
0x46f: {  	[sflag:s11] =	ssyncset.done $0x0  }
0x470: {  	[sflag:s11] =	ssyncadd.s32 $0xFFFFA000  }
0x471: {  	v3 =	vld [tilespmem:$0x300];
	_ =	sdelay $0x4  }
0x472: {  	v48 =	vshrl.u32 v3, $0x3  }
0x473: {  	v4 =	vmul.u32 $0x30, v48  }
0x474: {  	v3 =	vand.u32 $0x7, v3  }
0x475: {  	v3 =	vor.u32 v3, v4  }
0x476: {  	v4 =	vperm.xlane v3, v0;
	_ =	sdelay $0x1  }
0x477: {  	v4 =	vadd.s32 v1, v4;
	_ =	sdelay $0x3  }
0x478: {  	v3 =	vperm.xlane v3, v2  }
0x479: {  	[tilespmem:s8], [sflag:$0x1] =	stream.indirect_vreg.gather [hbm4b:s2+s3], $0x80, v4, vm0, $0xb8;
	[tilespmem:$0x18400] =	vst v63  }
0x47a: {  	s17 =	simm.s32 $0xC00;
	v3 =	vadd.s32 v1, v3  }
0x47b: {  	[tilespmem:s17], [sflag:$0x1] =	stream.indirect_vreg.gather [hbm4b:s5+s3], $0x80, v4, vm0, $0xb8;
	[tilespmem:$0x18400] =	vst v63  }
0x47c: {  	s17 =	simm.s32 $0x1400  }
0x47d: {  	[tilespmem:s17], [sflag:$0x1] =	stream.indirect_vreg.gather [hbm4b:s6+s3], $0x80, v4, vm0, $0xb8;
	[tilespmem:$0x18400] =	vst v63  }
0x47e: {  	_ = 	snop  }
0x47f: {  	[tilespmem:s1], [sflag:$0x1] =	stream.indirect_vreg.gather [hbm4b:s2+s3], $0x80, v3, vm0, $0xb8;
	[tilespmem:$0x18400] =	vst v63  }
0x480: {  	_ = 	snop  }
0x481: {  	[tilespmem:s23], [sflag:$0x1] =	stream.indirect_vreg.gather [hbm4b:s5+s3], $0x80, v3, vm0, $0xb8;
	[tilespmem:$0x18400] =	vst v63  }
0x482: {  	_ = 	snop  }
0x483: {  	[tilespmem:s24], [sflag:$0x1] =	stream.indirect_vreg.gather [hbm4b:s6+s3], $0x80, v3, vm0, $0xb8;
	[tilespmem:$0x18400] =	vst v63  }
0x484: {  	v3 =	vld [tilespmem:$0x310];
	_ =	sdelay $0x4  }
0x485: {  	v49 =	vshrl.u32 v3, $0x3  }
0x486: {  	v4 =	vmul.u32 $0x30, v49  }
0x487: {  	v3 =	vand.u32 $0x7, v3  }
0x488: {  	v3 =	vor.u32 v3, v4  }
0x489: {  	v4 =	vperm.xlane v3, v0;
	_ =	sdelay $0x1  }
0x48a: {  	v4 =	vadd.s32 v1, v4;
	_ =	sdelay $0x3  }
0x48b: {  	v3 =	vperm.xlane v3, v2  }
0x48c: {  	[tilespmem:s26], [sflag:$0x1] =	stream.indirect_vreg.gather [hbm4b:s2+s3], $0x80, v4, vm0, $0xb8;
	[tilespmem:$0x18400] =	vst v63  }
0x48d: {  	s17 =	simm.s32 $0x3C00;
	v3 =	vadd.s32 v1, v3  }
0x48e: {  	[tilespmem:s17], [sflag:$0x1] =	stream.indirect_vreg.gather [hbm4b:s5+s3], $0x80, v4, vm0, $0xb8;
	[tilespmem:$0x18400] =	vst v63  }
0x48f: {  	_ = 	snop  }
0x490: {  	[tilespmem:s7], [sflag:$0x1] =	stream.indirect_vreg.gather [hbm4b:s6+s3], $0x80, v4, vm0, $0xb8;
	[tilespmem:$0x18400] =	vst v63  }
0x491: {  	_ = 	snop  }
0x492: {  	[tilespmem:s21], [sflag:$0x1] =	stream.indirect_vreg.gather [hbm4b:s2+s3], $0x80, v3, vm0, $0xb8;
	[tilespmem:$0x18400] =	vst v63  }
0x493: {  	_ = 	snop  }
0x494: {  	[tilespmem:s22], [sflag:$0x1] =	stream.indirect_vreg.gather [hbm4b:s5+s3], $0x80, v3, vm0, $0xb8;
	[tilespmem:$0x18400] =	vst v63  }
0x495: {  	_ = 	snop  }
0x496: {  	[tilespmem:s28], [sflag:$0x1] =	stream.indirect_vreg.gather [hbm4b:s6+s3], $0x80, v3, vm0, $0xb8;
	[tilespmem:$0x18400] =	vst v63  }
0x497: {  	s1 =	rddreg [dreg:$0x19];
	s7 =	simm.s32 $0x6400  }
0x498: {  	[hbm4b:s1+s3] =	stream.linear.scatter [tilespmem:s7], [sflag:$0x6], $0x6000, $0x38;
	[tilespmem:$0x18400] =	vst v63  }
0x499: {  	_ =	swait.ge [sflag:s12], $0x6000  }
0x49a: {  	[sflag:s12] =	ssyncset.done $0x0  }
0x49b: {  	[sflag:s12] =	ssyncadd.s32 $0xFFFFA000  }
0x49c: {  	_ =	swait.ge [sflag:s13], $0x6000  }
0x49d: {  	[sflag:s13] =	ssyncset.done $0x0  }
0x49e: {  	[sflag:s13] =	ssyncadd.s32 $0xFFFFA000  }
0x49f: {  	v3 =	vld [tilespmem:$0x320];
	_ =	sdelay $0x4  }
0x4a0: {  	v50 =	vshrl.u32 v3, $0x3  }
0x4a1: {  	v4 =	vmul.u32 $0x30, v50  }
0x4a2: {  	v3 =	vand.u32 $0x7, v3  }
0x4a3: {  	v3 =	vor.u32 v3, v4  }
0x4a4: {  	v4 =	vperm.xlane v3, v0;
	_ =	sdelay $0x1  }
0x4a5: {  	v4 =	vadd.s32 v1, v4;
	_ =	sdelay $0x3  }
0x4a6: {  	v3 =	vperm.xlane v3, v2  }
0x4a7: {  	[tilespmem:s7], [sflag:$0x2] =	stream.indirect_vreg.gather [hbm4b:s2+s3], $0x80, v4, vm0, $0xb8;
	[tilespmem:$0x18400] =	vst v63  }
0x4a8: {  	s17 =	simm.s32 $0x6C00;
	v3 =	vadd.s32 v1, v3  }
0x4a9: {  	[tilespmem:s17], [sflag:$0x2] =	stream.indirect_vreg.gather [hbm4b:s5+s3], $0x80, v4, vm0, $0xb8;
	[tilespmem:$0x18400] =	vst v63  }
0x4aa: {  	s1 =	simm.s32 $0x7400  }
0x4ab: {  	[tilespmem:s1], [sflag:$0x2] =	stream.indirect_vreg.gather [hbm4b:s6+s3], $0x80, v4, vm0, $0xb8;
	[tilespmem:$0x18400] =	vst v63  }
0x4ac: {  	s17 =	simm.s32 $0x7C00  }
0x4ad: {  	[tilespmem:s17], [sflag:$0x2] =	stream.indirect_vreg.gather [hbm4b:s2+s3], $0x80, v3, vm0, $0xb8;
	[tilespmem:$0x18400] =	vst v63  }
0x4ae: {  	_ = 	snop  }
0x4af: {  	[tilespmem:s4], [sflag:$0x2] =	stream.indirect_vreg.gather [hbm4b:s5+s3], $0x80, v3, vm0, $0xb8;
	[tilespmem:$0x18400] =	vst v63  }
0x4b0: {  	s1 =	simm.s32 $0x8C00  }
0x4b1: {  	[tilespmem:s1], [sflag:$0x2] =	stream.indirect_vreg.gather [hbm4b:s6+s3], $0x80, v3, vm0, $0xb8;
	[tilespmem:$0x18400] =	vst v63  }
0x4b2: {  	v3 =	vld [tilespmem:$0x330];
	_ =	sdelay $0x4  }
0x4b3: {  	v51 =	vshrl.u32 v3, $0x3  }
0x4b4: {  	v4 =	vmul.u32 $0x30, v51  }
0x4b5: {  	v3 =	vand.u32 $0x7, v3  }
0x4b6: {  	v3 =	vor.u32 v3, v4  }
0x4b7: {  	v4 =	vperm.xlane v3, v0;
	_ =	sdelay $0x1  }
0x4b8: {  	v4 =	vadd.s32 v1, v4;
	_ =	sdelay $0x3  }
0x4b9: {  	s4 =	simm.s32 $0x9400;
	v3 =	vperm.xlane v3, v2  }
0x4ba: {  	[tilespmem:s4], [sflag:$0x2] =	stream.indirect_vreg.gather [hbm4b:s2+s3], $0x80, v4, vm0, $0xb8;
	[tilespmem:$0x18400] =	vst v63  }
0x4bb: {  	s17 =	simm.s32 $0x9C00;
	v3 =	vadd.s32 v1, v3  }
0x4bc: {  	[tilespmem:s17], [sflag:$0x2] =	stream.indirect_vreg.gather [hbm4b:s5+s3], $0x80, v4, vm0, $0xb8;
	[tilespmem:$0x18400] =	vst v63  }
0x4bd: {  	s1 =	simm.s32 $0xA400  }
0x4be: {  	[tilespmem:s1], [sflag:$0x2] =	stream.indirect_vreg.gather [hbm4b:s6+s3], $0x80, v4, vm0, $0xb8;
	[tilespmem:$0x18400] =	vst v63  }
0x4bf: {  	s4 =	simm.s32 $0xAC00  }
0x4c0: {  	[tilespmem:s4], [sflag:$0x2] =	stream.indirect_vreg.gather [hbm4b:s2+s3], $0x80, v3, vm0, $0xb8;
	[tilespmem:$0x18400] =	vst v63  }
0x4c1: {  	s17 =	simm.s32 $0xB400  }
0x4c2: {  	[tilespmem:s17], [sflag:$0x2] =	stream.indirect_vreg.gather [hbm4b:s5+s3], $0x80, v3, vm0, $0xb8;
	[tilespmem:$0x18400] =	vst v63  }
0x4c3: {  	s1 =	simm.s32 $0xBC00  }
0x4c4: {  	[tilespmem:s1], [sflag:$0x2] =	stream.indirect_vreg.gather [hbm4b:s6+s3], $0x80, v3, vm0, $0xb8;
	[tilespmem:$0x18400] =	vst v63  }
0x4c5: {  	s4 =	simm.s32 $0xC400;
	s17 =	rddreg [dreg:$0x1a]  }
0x4c6: {  	[hbm4b:s17+s3] =	stream.linear.scatter [tilespmem:s4], [sflag:$0x7], $0x6000, $0x38;
	[tilespmem:$0x18400] =	vst v63  }
0x4c7: {  	_ =	swait.ge [sflag:s14], $0x6000  }
0x4c8: {  	[sflag:s14] =	ssyncset.done $0x0  }
0x4c9: {  	[sflag:s14] =	ssyncadd.s32 $0xFFFFA000  }
0x4ca: {  	_ =	swait.ge [sflag:s15], $0x6000  }
0x4cb: {  	[sflag:s15] =	ssyncset.done $0x0  }
0x4cc: {  	[sflag:s15] =	ssyncadd.s32 $0xFFFFA000  }
0x4cd: {  	v3 =	vld [tilespmem:$0x340];
	_ =	sdelay $0x4  }
0x4ce: {  	v52 =	vshrl.u32 v3, $0x3  }
0x4cf: {  	v4 =	vmul.u32 $0x30, v52  }
0x4d0: {  	v3 =	vand.u32 $0x7, v3  }
0x4d1: {  	v3 =	vor.u32 v3, v4  }
0x4d2: {  	v4 =	vperm.xlane v3, v0;
	_ =	sdelay $0x1  }
0x4d3: {  	v4 =	vadd.s32 v1, v4;
	_ =	sdelay $0x3  }
0x4d4: {  	v3 =	vperm.xlane v3, v2  }
0x4d5: {  	[tilespmem:s4], [sflag:$0x3] =	stream.indirect_vreg.gather [hbm4b:s2+s3], $0x80, v4, vm0, $0xb8;
	[tilespmem:$0x18400] =	vst v63  }
0x4d6: {  	v3 =	vadd.s32 v1, v3  }
0x4d7: {  	[tilespmem:s19], [sflag:$0x3] =	stream.indirect_vreg.gather [hbm4b:s5+s3], $0x80, v4, vm0, $0xb8;
	[tilespmem:$0x18400] =	vst v63  }
0x4d8: {  	_ = 	snop  }
0x4d9: {  	[tilespmem:s25], [sflag:$0x3] =	stream.indirect_vreg.gather [hbm4b:s6+s3], $0x80, v4, vm0, $0xb8;
	[tilespmem:$0x18400] =	vst v63  }
0x4da: {  	_ = 	snop  }
0x4db: {  	[tilespmem:s29], [sflag:$0x3] =	stream.indirect_vreg.gather [hbm4b:s2+s3], $0x80, v3, vm0, $0xb8;
	[tilespmem:$0x18400] =	vst v63  }
0x4dc: {  	_ = 	snop  }
0x4dd: {  	[tilespmem:s30], [sflag:$0x3] =	stream.indirect_vreg.gather [hbm4b:s5+s3], $0x80, v3, vm0, $0xb8;
	[tilespmem:$0x18400] =	vst v63  }
0x4de: {  	_ = 	snop  }
0x4df: {  	[tilespmem:s31], [sflag:$0x3] =	stream.indirect_vreg.gather [hbm4b:s6+s3], $0x80, v3, vm0, $0xb8;
	[tilespmem:$0x18400] =	vst v63  }
0x4e0: {  	v3 =	vld [tilespmem:$0x350];
	_ =	sdelay $0x4  }
0x4e1: {  	v53 =	vshrl.u32 v3, $0x3  }
0x4e2: {  	v4 =	vmul.u32 $0x30, v53  }
0x4e3: {  	v3 =	vand.u32 $0x7, v3  }
0x4e4: {  	v3 =	vor.u32 v3, v4  }
0x4e5: {  	v4 =	vperm.xlane v3, v0;
	_ =	sdelay $0x1  }
0x4e6: {  	v4 =	vadd.s32 v1, v4;
	_ =	sdelay $0x3  }
0x4e7: {  	s17 =	simm.s32 $0xF400;
	v3 =	vperm.xlane v3, v2  }
0x4e8: {  	[tilespmem:s17], [sflag:$0x3] =	stream.indirect_vreg.gather [hbm4b:s2+s3], $0x80, v4, vm0, $0xb8;
	[tilespmem:$0x18400] =	vst v63  }
0x4e9: {  	s1 =	simm.s32 $0xFC00;
	v3 =	vadd.s32 v1, v3  }
0x4ea: {  	[tilespmem:s1], [sflag:$0x3] =	stream.indirect_vreg.gather [hbm4b:s5+s3], $0x80, v4, vm0, $0xb8;
	[tilespmem:$0x18400] =	vst v63  }
0x4eb: {  	s17 =	simm.s32 $0x10400  }
0x4ec: {  	[tilespmem:s17], [sflag:$0x3] =	stream.indirect_vreg.gather [hbm4b:s6+s3], $0x80, v4, vm0, $0xb8;
	[tilespmem:$0x18400] =	vst v63  }
0x4ed: {  	s1 =	simm.s32 $0x10C00  }
0x4ee: {  	[tilespmem:s1], [sflag:$0x3] =	stream.indirect_vreg.gather [hbm4b:s2+s3], $0x80, v3, vm0, $0xb8;
	[tilespmem:$0x18400] =	vst v63  }
0x4ef: {  	s17 =	simm.s32 $0x11400  }
0x4f0: {  	[tilespmem:s17], [sflag:$0x3] =	stream.indirect_vreg.gather [hbm4b:s5+s3], $0x80, v3, vm0, $0xb8;
	[tilespmem:$0x18400] =	vst v63  }
0x4f1: {  	s1 =	simm.s32 $0x11C00  }
0x4f2: {  	[tilespmem:s1], [sflag:$0x3] =	stream.indirect_vreg.gather [hbm4b:s6+s3], $0x80, v3, vm0, $0xb8;
	[tilespmem:$0x18400] =	vst v63  }
0x4f3: {  	s0 =	simm.s32 $0x12400;
	s17 =	rddreg [dreg:$0x1b]  }
0x4f4: {  	[hbm4b:s17+s3] =	stream.linear.scatter [tilespmem:s0], [sflag:$0x8], $0x6000, $0x38;
	[tilespmem:$0x18400] =	vst v63  }
0x4f5: {  	_ =	swait.ge [sflag:s20], $0x6000  }
0x4f6: {  	[sflag:s20] =	ssyncset.done $0x0  }
0x4f7: {  	[sflag:s20] =	ssyncadd.s32 $0xFFFFA000  }
0x4f8: {  	_ =	swait.ge [sflag:s16], $0x6000  }
0x4f9: {  	[sflag:s16] =	ssyncset.done $0x0  }
0x4fa: {  	[sflag:s16] =	ssyncadd.s32 $0xFFFFA000  }
0x4fb: {  	v3 =	vld [tilespmem:$0x360];
	_ =	sdelay $0x4  }
0x4fc: {  	v54 =	vshrl.u32 v3, $0x3  }
0x4fd: {  	v4 =	vmul.u32 $0x30, v54  }
0x4fe: {  	v3 =	vand.u32 $0x7, v3  }
0x4ff: {  	v3 =	vor.u32 v3, v4  }
0x500: {  	v4 =	vperm.xlane v3, v0;
	_ =	sdelay $0x1  }
0x501: {  	v4 =	vadd.s32 v1, v4;
	_ =	sdelay $0x3  }
0x502: {  	v3 =	vperm.xlane v3, v2  }
0x503: {  	[tilespmem:s0], [sflag:$0x4] =	stream.indirect_vreg.gather [hbm4b:s2+s3], $0x80, v4, vm0, $0xb8;
	[tilespmem:$0x18400] =	vst v63  }
0x504: {  	v3 =	vadd.s32 v1, v3;
	s0 =	simm.s32 $0x12C00  }
0x505: {  	[tilespmem:s0], [sflag:$0x4] =	stream.indirect_vreg.gather [hbm4b:s5+s3], $0x80, v4, vm0, $0xb8;
	[tilespmem:$0x18400] =	vst v63  }
0x506: {  	s0 =	simm.s32 $0x13400  }
0x507: {  	[tilespmem:s0], [sflag:$0x4] =	stream.indirect_vreg.gather [hbm4b:s6+s3], $0x80, v4, vm0, $0xb8;
	[tilespmem:$0x18400] =	vst v63  }
0x508: {  	s0 =	simm.s32 $0x13C00  }
0x509: {  	[tilespmem:s0], [sflag:$0x4] =	stream.indirect_vreg.gather [hbm4b:s2+s3], $0x80, v3, vm0, $0xb8;
	[tilespmem:$0x18400] =	vst v63  }
0x50a: {  	s0 =	simm.s32 $0x14400  }
0x50b: {  	[tilespmem:s0], [sflag:$0x4] =	stream.indirect_vreg.gather [hbm4b:s5+s3], $0x80, v3, vm0, $0xb8;
	[tilespmem:$0x18400] =	vst v63  }
0x50c: {  	s17 =	simm.s32 $0x14C00  }
0x50d: {  	[tilespmem:s17], [sflag:$0x4] =	stream.indirect_vreg.gather [hbm4b:s6+s3], $0x80, v3, vm0, $0xb8;
	[tilespmem:$0x18400] =	vst v63  }
0x50e: {  	v3 =	vld [tilespmem:$0x370];
	_ =	sdelay $0x4  }
0x50f: {  	v55 =	vshrl.u32 v3, $0x3  }
0x510: {  	v4 =	vmul.u32 $0x30, v55  }
0x511: {  	v3 =	vand.u32 $0x7, v3  }
0x512: {  	v3 =	vor.u32 v3, v4  }
0x513: {  	v4 =	vperm.xlane v3, v0;
	_ =	sdelay $0x1  }
0x514: {  	v4 =	vadd.s32 v1, v4;
	_ =	sdelay $0x3  }
0x515: {  	s17 =	simm.s32 $0x15400;
	v3 =	vperm.xlane v3, v2  }
0x516: {  	[tilespmem:s17], [sflag:$0x4] =	stream.indirect_vreg.gather [hbm4b:s2+s3], $0x80, v4, vm0, $0xb8;
	[tilespmem:$0x18400] =	vst v63  }
0x517: {  	v3 =	vadd.s32 v1, v3  }
0x518: {  	[tilespmem:s9], [sflag:$0x4] =	stream.indirect_vreg.gather [hbm4b:s5+s3], $0x80, v4, vm0, $0xb8;
	[tilespmem:$0x18400] =	vst v63  }
0x519: {  	_ = 	snop  }
0x51a: {  	[tilespmem:s18], [sflag:$0x4] =	stream.indirect_vreg.gather [hbm4b:s6+s3], $0x80, v4, vm0, $0xb8;
	[tilespmem:$0x18400] =	vst v63  }
0x51b: {  	s0 =	simm.s32 $0x16C00  }
0x51c: {  	[tilespmem:s0], [sflag:$0x4] =	stream.indirect_vreg.gather [hbm4b:s2+s3], $0x80, v3, vm0, $0xb8;
	[tilespmem:$0x18400] =	vst v63  }
0x51d: {  	s17 =	simm.s32 $0x17400  }
0x51e: {  	[tilespmem:s17], [sflag:$0x4] =	stream.indirect_vreg.gather [hbm4b:s5+s3], $0x80, v3, vm0, $0xb8;
	[tilespmem:$0x18400] =	vst v63  }
0x51f: {  	s0 =	simm.s32 $0x17C00  }
0x520: {  	[tilespmem:s0], [sflag:$0x4] =	stream.indirect_vreg.gather [hbm4b:s6+s3], $0x80, v3, vm0, $0xb8;
	[tilespmem:$0x18400] =	vst v63  }
0x521: {  	s8 =	simm.s32 $0x400;
	s17 =	rddreg [dreg:$0x1c]  }
0x522: {  	[hbm4b:s17+s3] =	stream.linear.scatter [tilespmem:s8], [sflag:$0x5], $0x6000, $0x38;
	[tilespmem:$0x18400] =	vst v63  }
0x523: {  	_ =	swait.ge [sflag:s10], $0x6000  }
0x524: {  	[sflag:s10] =	ssyncset.done $0x0  }
0x525: {  	[sflag:s10] =	ssyncadd.s32 $0xFFFFA000  }
0x526: {  	_ =	swait.ge [sflag:s11], $0x6000  }
0x527: {  	[sflag:s11] =	ssyncset.done $0x0  }
0x528: {  	[sflag:s11] =	ssyncadd.s32 $0xFFFFA000  }
0x529: {  	v3 =	vld [tilespmem:$0x380];
	_ =	sdelay $0x4  }
0x52a: {  	v56 =	vshrl.u32 v3, $0x3  }
0x52b: {  	v4 =	vmul.u32 $0x30, v56  }
0x52c: {  	v3 =	vand.u32 $0x7, v3  }
0x52d: {  	v3 =	vor.u32 v3, v4  }
0x52e: {  	v4 =	vperm.xlane v3, v0;
	_ =	sdelay $0x1  }
0x52f: {  	v4 =	vadd.s32 v1, v4;
	_ =	sdelay $0x3  }
0x530: {  	v3 =	vperm.xlane v3, v2  }
0x531: {  	[tilespmem:s8], [sflag:$0x1] =	stream.indirect_vreg.gather [hbm4b:s2+s3], $0x80, v4, vm0, $0xb8;
	[tilespmem:$0x18400] =	vst v63  }
0x532: {  	s17 =	simm.s32 $0xC00;
	v3 =	vadd.s32 v1, v3  }
0x533: {  	[tilespmem:s17], [sflag:$0x1] =	stream.indirect_vreg.gather [hbm4b:s5+s3], $0x80, v4, vm0, $0xb8;
	[tilespmem:$0x18400] =	vst v63  }
0x534: {  	s17 =	simm.s32 $0x1400  }
0x535: {  	[tilespmem:s17], [sflag:$0x1] =	stream.indirect_vreg.gather [hbm4b:s6+s3], $0x80, v4, vm0, $0xb8;
	[tilespmem:$0x18400] =	vst v63  }
0x536: {  	s17 =	simm.s32 $0x1C00  }
0x537: {  	[tilespmem:s17], [sflag:$0x1] =	stream.indirect_vreg.gather [hbm4b:s2+s3], $0x80, v3, vm0, $0xb8;
	[tilespmem:$0x18400] =	vst v63  }
0x538: {  	s23 =	simm.s32 $0x2400  }
0x539: {  	[tilespmem:s23], [sflag:$0x1] =	stream.indirect_vreg.gather [hbm4b:s5+s3], $0x80, v3, vm0, $0xb8;
	[tilespmem:$0x18400] =	vst v63  }
0x53a: {  	s24 =	simm.s32 $0x2C00  }
0x53b: {  	[tilespmem:s24], [sflag:$0x1] =	stream.indirect_vreg.gather [hbm4b:s6+s3], $0x80, v3, vm0, $0xb8;
	[tilespmem:$0x18400] =	vst v63  }
0x53c: {  	v3 =	vld [tilespmem:$0x390];
	_ =	sdelay $0x4  }
0x53d: {  	v57 =	vshrl.u32 v3, $0x3  }
0x53e: {  	v4 =	vmul.u32 $0x30, v57  }
0x53f: {  	v3 =	vand.u32 $0x7, v3  }
0x540: {  	v3 =	vor.u32 v3, v4  }
0x541: {  	v4 =	vperm.xlane v3, v0;
	_ =	sdelay $0x1  }
0x542: {  	v4 =	vadd.s32 v1, v4;
	_ =	sdelay $0x3  }
0x543: {  	s26 =	simm.s32 $0x3400;
	v3 =	vperm.xlane v3, v2  }
0x544: {  	[tilespmem:s26], [sflag:$0x1] =	stream.indirect_vreg.gather [hbm4b:s2+s3], $0x80, v4, vm0, $0xb8;
	[tilespmem:$0x18400] =	vst v63  }
0x545: {  	v3 =	vadd.s32 v1, v3;
	s26 =	simm.s32 $0x3C00  }
0x546: {  	[tilespmem:s26], [sflag:$0x1] =	stream.indirect_vreg.gather [hbm4b:s5+s3], $0x80, v4, vm0, $0xb8;
	[tilespmem:$0x18400] =	vst v63  }
0x547: {  	s17 =	simm.s32 $0x4400  }
0x548: {  	[tilespmem:s17], [sflag:$0x1] =	stream.indirect_vreg.gather [hbm4b:s6+s3], $0x80, v4, vm0, $0xb8;
	[tilespmem:$0x18400] =	vst v63  }
0x549: {  	s21 =	simm.s32 $0x4C00  }
0x54a: {  	[tilespmem:s21], [sflag:$0x1] =	stream.indirect_vreg.gather [hbm4b:s2+s3], $0x80, v3, vm0, $0xb8;
	[tilespmem:$0x18400] =	vst v63  }
0x54b: {  	s22 =	simm.s32 $0x5400  }
0x54c: {  	[tilespmem:s22], [sflag:$0x1] =	stream.indirect_vreg.gather [hbm4b:s5+s3], $0x80, v3, vm0, $0xb8;
	[tilespmem:$0x18400] =	vst v63  }
0x54d: {  	s28 =	simm.s32 $0x5C00  }
0x54e: {  	[tilespmem:s28], [sflag:$0x1] =	stream.indirect_vreg.gather [hbm4b:s6+s3], $0x80, v3, vm0, $0xb8;
	[tilespmem:$0x18400] =	vst v63  }
0x54f: {  	s7 =	simm.s32 $0x6400;
	s22 =	rddreg [dreg:$0x1d]  }
0x550: {  	[hbm4b:s22+s3] =	stream.linear.scatter [tilespmem:s7], [sflag:$0x6], $0x6000, $0x38;
	[tilespmem:$0x18400] =	vst v63  }
0x551: {  	_ =	swait.ge [sflag:s12], $0x6000  }
0x552: {  	[sflag:s12] =	ssyncset.done $0x0  }
0x553: {  	[sflag:s12] =	ssyncadd.s32 $0xFFFFA000  }
0x554: {  	_ =	swait.ge [sflag:s13], $0x6000  }
0x555: {  	[sflag:s13] =	ssyncset.done $0x0  }
0x556: {  	[sflag:s13] =	ssyncadd.s32 $0xFFFFA000  }
0x557: {  	v3 =	vld [tilespmem:$0x3A0];
	_ =	sdelay $0x4  }
0x558: {  	v58 =	vshrl.u32 v3, $0x3  }
0x559: {  	v4 =	vmul.u32 $0x30, v58  }
0x55a: {  	v3 =	vand.u32 $0x7, v3  }
0x55b: {  	v3 =	vor.u32 v3, v4  }
0x55c: {  	v4 =	vperm.xlane v3, v0;
	_ =	sdelay $0x1  }
0x55d: {  	v4 =	vadd.s32 v1, v4;
	_ =	sdelay $0x3  }
0x55e: {  	v3 =	vperm.xlane v3, v2  }
0x55f: {  	[tilespmem:s7], [sflag:$0x2] =	stream.indirect_vreg.gather [hbm4b:s2+s3], $0x80, v4, vm0, $0xb8;
	[tilespmem:$0x18400] =	vst v63  }
0x560: {  	s23 =	simm.s32 $0x6C00;
	v3 =	vadd.s32 v1, v3  }
0x561: {  	[tilespmem:s23], [sflag:$0x2] =	stream.indirect_vreg.gather [hbm4b:s5+s3], $0x80, v4, vm0, $0xb8;
	[tilespmem:$0x18400] =	vst v63  }
0x562: {  	s24 =	simm.s32 $0x7400  }
0x563: {  	[tilespmem:s24], [sflag:$0x2] =	stream.indirect_vreg.gather [hbm4b:s6+s3], $0x80, v4, vm0, $0xb8;
	[tilespmem:$0x18400] =	vst v63  }
0x564: {  	s26 =	simm.s32 $0x7C00  }
0x565: {  	[tilespmem:s26], [sflag:$0x2] =	stream.indirect_vreg.gather [hbm4b:s2+s3], $0x80, v3, vm0, $0xb8;
	[tilespmem:$0x18400] =	vst v63  }
0x566: {  	s28 =	simm.s32 $0x8400  }
0x567: {  	[tilespmem:s28], [sflag:$0x2] =	stream.indirect_vreg.gather [hbm4b:s5+s3], $0x80, v3, vm0, $0xb8;
	[tilespmem:$0x18400] =	vst v63  }
0x568: {  	s17 =	simm.s32 $0x8C00  }
0x569: {  	[tilespmem:s17], [sflag:$0x2] =	stream.indirect_vreg.gather [hbm4b:s6+s3], $0x80, v3, vm0, $0xb8;
	[tilespmem:$0x18400] =	vst v63  }
0x56a: {  	v3 =	vld [tilespmem:$0x3B0];
	_ =	sdelay $0x4  }
0x56b: {  	v59 =	vshrl.u32 v3, $0x3  }
0x56c: {  	v4 =	vmul.u32 $0x30, v59  }
0x56d: {  	v3 =	vand.u32 $0x7, v3  }
0x56e: {  	v3 =	vor.u32 v3, v4  }
0x56f: {  	v4 =	vperm.xlane v3, v0;
	_ =	sdelay $0x1  }
0x570: {  	v4 =	vadd.s32 v1, v4;
	_ =	sdelay $0x3  }
0x571: {  	s21 =	simm.s32 $0x9400;
	v3 =	vperm.xlane v3, v2  }
0x572: {  	[tilespmem:s21], [sflag:$0x2] =	stream.indirect_vreg.gather [hbm4b:s2+s3], $0x80, v4, vm0, $0xb8;
	[tilespmem:$0x18400] =	vst v63  }
0x573: {  	s22 =	simm.s32 $0x9C00;
	v3 =	vadd.s32 v1, v3  }
0x574: {  	[tilespmem:s22], [sflag:$0x2] =	stream.indirect_vreg.gather [hbm4b:s5+s3], $0x80, v4, vm0, $0xb8;
	[tilespmem:$0x18400] =	vst v63  }
0x575: {  	s23 =	simm.s32 $0xA400  }
0x576: {  	[tilespmem:s23], [sflag:$0x2] =	stream.indirect_vreg.gather [hbm4b:s6+s3], $0x80, v4, vm0, $0xb8;
	[tilespmem:$0x18400] =	vst v63  }
0x577: {  	s24 =	simm.s32 $0xAC00  }
0x578: {  	[tilespmem:s24], [sflag:$0x2] =	stream.indirect_vreg.gather [hbm4b:s2+s3], $0x80, v3, vm0, $0xb8;
	[tilespmem:$0x18400] =	vst v63  }
0x579: {  	s26 =	simm.s32 $0xB400  }
0x57a: {  	[tilespmem:s26], [sflag:$0x2] =	stream.indirect_vreg.gather [hbm4b:s5+s3], $0x80, v3, vm0, $0xb8;
	[tilespmem:$0x18400] =	vst v63  }
0x57b: {  	s21 =	simm.s32 $0xBC00  }
0x57c: {  	[tilespmem:s21], [sflag:$0x2] =	stream.indirect_vreg.gather [hbm4b:s6+s3], $0x80, v3, vm0, $0xb8;
	[tilespmem:$0x18400] =	vst v63  }
0x57d: {  	s4 =	simm.s32 $0xC400;
	s28 =	rddreg [dreg:$0x1e]  }
0x57e: {  	[hbm4b:s28+s3] =	stream.linear.scatter [tilespmem:s4], [sflag:$0x7], $0x6000, $0x38;
	[tilespmem:$0x18400] =	vst v63  }
0x57f: {  	_ =	swait.ge [sflag:s14], $0x6000  }
0x580: {  	[sflag:s14] =	ssyncset.done $0x0  }
0x581: {  	[sflag:s14] =	ssyncadd.s32 $0xFFFFA000  }
0x582: {  	_ =	swait.ge [sflag:s15], $0x6000  }
0x583: {  	[sflag:s15] =	ssyncset.done $0x0  }
0x584: {  	[sflag:s15] =	ssyncadd.s32 $0xFFFFA000  }
0x585: {  	v3 =	vld [tilespmem:$0x3C0];
	_ =	sdelay $0x4  }
0x586: {  	v60 =	vshrl.u32 v3, $0x3  }
0x587: {  	v4 =	vmul.u32 $0x30, v60  }
0x588: {  	v3 =	vand.u32 $0x7, v3  }
0x589: {  	v3 =	vor.u32 v3, v4  }
0x58a: {  	v4 =	vperm.xlane v3, v0;
	_ =	sdelay $0x1  }
0x58b: {  	v4 =	vadd.s32 v1, v4;
	_ =	sdelay $0x3  }
0x58c: {  	v3 =	vperm.xlane v3, v2  }
0x58d: {  	[tilespmem:s4], [sflag:$0x3] =	stream.indirect_vreg.gather [hbm4b:s2+s3], $0x80, v4, vm0, $0xb8;
	[tilespmem:$0x18400] =	vst v63  }
0x58e: {  	s19 =	simm.s32 $0xCC00;
	v3 =	vadd.s32 v1, v3  }
0x58f: {  	[tilespmem:s19], [sflag:$0x3] =	stream.indirect_vreg.gather [hbm4b:s5+s3], $0x80, v4, vm0, $0xb8;
	[tilespmem:$0x18400] =	vst v63  }
0x590: {  	s25 =	simm.s32 $0xD400  }
0x591: {  	[tilespmem:s25], [sflag:$0x3] =	stream.indirect_vreg.gather [hbm4b:s6+s3], $0x80, v4, vm0, $0xb8;
	[tilespmem:$0x18400] =	vst v63  }
0x592: {  	s29 =	simm.s32 $0xDC00  }
0x593: {  	[tilespmem:s29], [sflag:$0x3] =	stream.indirect_vreg.gather [hbm4b:s2+s3], $0x80, v3, vm0, $0xb8;
	[tilespmem:$0x18400] =	vst v63  }
0x594: {  	s30 =	simm.s32 $0xE400  }
0x595: {  	[tilespmem:s30], [sflag:$0x3] =	stream.indirect_vreg.gather [hbm4b:s5+s3], $0x80, v3, vm0, $0xb8;
	[tilespmem:$0x18400] =	vst v63  }
0x596: {  	s31 =	simm.s32 $0xEC00  }
0x597: {  	[tilespmem:s31], [sflag:$0x3] =	stream.indirect_vreg.gather [hbm4b:s6+s3], $0x80, v3, vm0, $0xb8;
	[tilespmem:$0x18400] =	vst v63  }
0x598: {  	v3 =	vld [tilespmem:$0x3D0];
	_ =	sdelay $0x4  }
0x599: {  	v61 =	vshrl.u32 v3, $0x3  }
0x59a: {  	v4 =	vmul.u32 $0x30, v61  }
0x59b: {  	v3 =	vand.u32 $0x7, v3  }
0x59c: {  	v3 =	vor.u32 v3, v4  }
0x59d: {  	v4 =	vperm.xlane v3, v0;
	_ =	sdelay $0x1  }
0x59e: {  	v4 =	vadd.s32 v1, v4;
	_ =	sdelay $0x3  }
0x59f: {  	s22 =	simm.s32 $0xF400;
	v3 =	vperm.xlane v3, v2  }
0x5a0: {  	[tilespmem:s22], [sflag:$0x3] =	stream.indirect_vreg.gather [hbm4b:s2+s3], $0x80, v4, vm0, $0xb8;
	[tilespmem:$0x18400] =	vst v63  }
0x5a1: {  	s23 =	simm.s32 $0xFC00;
	v3 =	vadd.s32 v1, v3  }
0x5a2: {  	[tilespmem:s23], [sflag:$0x3] =	stream.indirect_vreg.gather [hbm4b:s5+s3], $0x80, v4, vm0, $0xb8;
	[tilespmem:$0x18400] =	vst v63  }
0x5a3: {  	s24 =	simm.s32 $0x10400  }
0x5a4: {  	[tilespmem:s24], [sflag:$0x3] =	stream.indirect_vreg.gather [hbm4b:s6+s3], $0x80, v4, vm0, $0xb8;
	[tilespmem:$0x18400] =	vst v63  }
0x5a5: {  	s25 =	simm.s32 $0x10C00  }
0x5a6: {  	[tilespmem:s25], [sflag:$0x3] =	stream.indirect_vreg.gather [hbm4b:s2+s3], $0x80, v3, vm0, $0xb8;
	[tilespmem:$0x18400] =	vst v63  }
0x5a7: {  	s26 =	simm.s32 $0x11400  }
0x5a8: {  	[tilespmem:s26], [sflag:$0x3] =	stream.indirect_vreg.gather [hbm4b:s5+s3], $0x80, v3, vm0, $0xb8;
	[tilespmem:$0x18400] =	vst v63  }
0x5a9: {  	s29 =	simm.s32 $0x11C00  }
0x5aa: {  	[tilespmem:s29], [sflag:$0x3] =	stream.indirect_vreg.gather [hbm4b:s6+s3], $0x80, v3, vm0, $0xb8;
	[tilespmem:$0x18400] =	vst v63  }
0x5ab: {  	s1 =	simm.s32 $0x12400;
	s28 =	rddreg [dreg:$0x1f]  }
0x5ac: {  	[hbm4b:s28+s3] =	stream.linear.scatter [tilespmem:s1], [sflag:$0x8], $0x6000, $0x38;
	[tilespmem:$0x18400] =	vst v63  }
0x5ad: {  	_ =	swait.ge [sflag:s20], $0x6000  }
0x5ae: {  	[sflag:s20] =	ssyncset.done $0x0  }
0x5af: {  	[sflag:s20] =	ssyncadd.s32 $0xFFFFA000  }
0x5b0: {  	_ =	swait.ge [sflag:s16], $0x6000  }
0x5b1: {  	[sflag:s16] =	ssyncset.done $0x0  }
0x5b2: {  	[sflag:s16] =	ssyncadd.s32 $0xFFFFA000  }
0x5b3: {  	v3 =	vld [tilespmem:$0x3E0];
	_ =	sdelay $0x4  }
0x5b4: {  	v62 =	vshrl.u32 v3, $0x3  }
0x5b5: {  	v4 =	vmul.u32 $0x30, v62  }
0x5b6: {  	v3 =	vand.u32 $0x7, v3  }
0x5b7: {  	v3 =	vor.u32 v3, v4  }
0x5b8: {  	v4 =	vperm.xlane v3, v0;
	_ =	sdelay $0x1  }
0x5b9: {  	v4 =	vadd.s32 v1, v4;
	_ =	sdelay $0x3  }
0x5ba: {  	v3 =	vperm.xlane v3, v2  }
0x5bb: {  	[tilespmem:s1], [sflag:$0x4] =	stream.indirect_vreg.gather [hbm4b:s2+s3], $0x80, v4, vm0, $0xb8;
	[tilespmem:$0x18400] =	vst v63  }
0x5bc: {  	s30 =	simm.s32 $0x12C00;
	v3 =	vadd.s32 v1, v3  }
0x5bd: {  	[tilespmem:s30], [sflag:$0x4] =	stream.indirect_vreg.gather [hbm4b:s5+s3], $0x80, v4, vm0, $0xb8;
	[tilespmem:$0x18400] =	vst v63  }
0x5be: {  	s31 =	simm.s32 $0x13400  }
0x5bf: {  	[tilespmem:s31], [sflag:$0x4] =	stream.indirect_vreg.gather [hbm4b:s6+s3], $0x80, v4, vm0, $0xb8;
	[tilespmem:$0x18400] =	vst v63  }
0x5c0: {  	s19 =	simm.s32 $0x13C00  }
0x5c1: {  	[tilespmem:s19], [sflag:$0x4] =	stream.indirect_vreg.gather [hbm4b:s2+s3], $0x80, v3, vm0, $0xb8;
	[tilespmem:$0x18400] =	vst v63  }
0x5c2: {  	s21 =	simm.s32 $0x14400  }
0x5c3: {  	[tilespmem:s21], [sflag:$0x4] =	stream.indirect_vreg.gather [hbm4b:s5+s3], $0x80, v3, vm0, $0xb8;
	[tilespmem:$0x18400] =	vst v63  }
0x5c4: {  	s22 =	simm.s32 $0x14C00  }
0x5c5: {  	[tilespmem:s22], [sflag:$0x4] =	stream.indirect_vreg.gather [hbm4b:s6+s3], $0x80, v3, vm0, $0xb8;
	[tilespmem:$0x18400] =	vst v63  }
0x5c6: {  	v3 =	vld [tilespmem:$0x3F0];
	_ =	sdelay $0x4  }
0x5c7: {  	v63 =	vshrl.u32 v3, $0x3  }
0x5c8: {  	v4 =	vmul.u32 $0x30, v63  }
0x5c9: {  	v3 =	vand.u32 $0x7, v3  }
0x5ca: {  	v3 =	vor.u32 v3, v4  }
0x5cb: {  	v4 =	vperm.xlane v3, v0;
	_ =	sdelay $0x1  }
0x5cc: {  	v4 =	vadd.s32 v1, v4;
	_ =	sdelay $0x3  }
0x5cd: {  	s23 =	simm.s32 $0x15400;
	v3 =	vperm.xlane v3, v2  }
0x5ce: {  	[tilespmem:s23], [sflag:$0x4] =	stream.indirect_vreg.gather [hbm4b:s2+s3], $0x80, v4, vm0, $0xb8;
	[tilespmem:$0x18400] =	vst v63  }
0x5cf: {  	s9 =	simm.s32 $0x15C00;
	v3 =	vadd.s32 v1, v3  }
0x5d0: {  	[tilespmem:s9], [sflag:$0x4] =	stream.indirect_vreg.gather [hbm4b:s5+s3], $0x80, v4, vm0, $0xb8;
	[tilespmem:$0x18400] =	vst v63  }
0x5d1: {  	s18 =	simm.s32 $0x16400  }
0x5d2: {  	[tilespmem:s18], [sflag:$0x4] =	stream.indirect_vreg.gather [hbm4b:s6+s3], $0x80, v4, vm0, $0xb8;
	[tilespmem:$0x18400] =	vst v63  }
0x5d3: {  	s24 =	simm.s32 $0x16C00  }
0x5d4: {  	[tilespmem:s24], [sflag:$0x4] =	stream.indirect_vreg.gather [hbm4b:s2+s3], $0x80, v3, vm0, $0xb8;
	[tilespmem:$0x18400] =	vst v63  }
0x5d5: {  	s25 =	simm.s32 $0x17400  }
0x5d6: {  	[tilespmem:s25], [sflag:$0x4] =	stream.indirect_vreg.gather [hbm4b:s5+s3], $0x80, v3, vm0, $0xb8;
	[tilespmem:$0x18400] =	vst v63  }
0x5d7: {  	s28 =	simm.s32 $0x17C00;
	s26 =	sld [smem:$0x7F8]  }
0x5d8: {  	[tilespmem:s28], [sflag:$0x4] =	stream.indirect_vreg.gather [hbm4b:s6+s3], $0x80, v3, vm0, $0xb8;
	[tilespmem:$0x18400] =	vst v63  }
0x5d9: {  	_ = 	snop  }
0x5da: {  	[hbm4b:s26+s3] =	stream.linear.scatter [tilespmem:s8], [sflag:$0x5], $0x6000, $0x38;
	[tilespmem:$0x18400] =	vst v63  }
0x5db: {  	s0 =	sld [smem:$0x7F6];
	_ =	swait.ge [sflag:s10], $0x6000  }
0x5dc: {  	s29 =	sld [smem:$0x7F9]  }
0x5dd: {  	[sflag:s10] =	ssyncset.done $0x0  }
0x5de: {  	[sflag:s10] =	ssyncadd.s32 $0xFFFFA000  }
0x5df: {  	[hbm4b:s29+s3] =	stream.linear.scatter [tilespmem:s7], [sflag:$0x6], $0x6000, $0x38;
	[tilespmem:$0x18400] =	vst v63  }
0x5e0: {  	_ =	swait.ge [sflag:s12], $0x6000  }
0x5e1: {  	s30 =	sld [smem:$0x7FA]  }
0x5e2: {  	[sflag:s12] =	ssyncset.done $0x0  }
0x5e3: {  	[sflag:s12] =	ssyncadd.s32 $0xFFFFA000  }
0x5e4: {  	[hbm4b:s30+s3] =	stream.linear.scatter [tilespmem:s4], [sflag:$0x7], $0x6000, $0x38;
	[tilespmem:$0x18400] =	vst v63  }
0x5e5: {  	_ =	swait.ge [sflag:s14], $0x6000  }
0x5e6: {  	s31 =	sld [smem:$0x7FB]  }
0x5e7: {  	[sflag:s14] =	ssyncset.done $0x0  }
0x5e8: {  	[sflag:s14] =	ssyncadd.s32 $0xFFFFA000  }
0x5e9: {  	[hbm4b:s31+s3] =	stream.linear.scatter [tilespmem:s1], [sflag:$0x8], $0x6000, $0x38;
	[tilespmem:$0x18400] =	vst v63  }
0x5ea: {  	_ =	swait.ge [sflag:s11], $0x6000  }
0x5eb: {  	[sflag:s11] =	ssyncset.done $0x0  }
0x5ec: {  	[sflag:s11] =	ssyncadd.s32 $0xFFFFA000  }
0x5ed: {  	_ =	swait.ge [sflag:s13], $0x6000  }
0x5ee: {  	[sflag:s13] =	ssyncset.done $0x0  }
0x5ef: {  	[sflag:s13] =	ssyncadd.s32 $0xFFFFA000  }
0x5f0: {  	p0 =	sne.s32 s0, $0x1;
	_ =	swait.ge [sflag:s15], $0x6000  }
.Ltmp0:
0x5f1: {  	[sflag:s15] =	ssyncset.done $0x0;
	(pc) =	sbr.rel @p0 .LBB2_1-.Ltmp0, $4  }
0x5f2: {  	[sflag:s15] =	ssyncadd.s32 $0xFFFFA000  }
0x5f3: {  	_ =	swait.ge [sflag:s16], $0x6000  }
0x5f4: {  	[sflag:s16] =	ssyncset.done $0x0  }
0x5f5: {  	s0 =	sadd.s32 $0xFFFFFFFF, s0;
	[sflag:s16] =	ssyncadd.s32 $0xFFFFA000  }
0x5f6: {  	_ =	sfence.sel $0x180000  }
0x5f7: {  	[bflag:$0x0] =	sbarrier.arrive $0xFFFF  }
0x5f8: {  	_ =	strace $0x90000047  }
0x5f9: {  	s0 =	stileid.u32;
	[bflag:$0x2] =	sbarrier.arrive $0xFFFF  }
0x5fa: {  	p0 =	sne.s32 s0, $0x0;
	s0 =	rddreg [dreg:$0x3]  }
0x5fb: {  	s0 =	sadd.s32 @!p0 $0x100000, s0  }
0x5fc: {  	[sflag:s0] =	ssyncadd.tile.s32 @!p0 $0x1;
	_ =	shalt  }
.Lfunc_end2:
_tile_overlayer_lowered:
.L_overlay_start_2:
0x5fd: {  	(tag) =	ssettag $0x2  }
0x5fe: {  	s0 =	rddreg [dreg:$0x0];
	s2 =	stileid.u32  }
0x5ff: {  	s1 =	rddreg [dreg:$0x1];
	p0 =	sne.s32 s2, $0x0  }
0x600: {  	s3 =	rddreg [dreg:$0x2];
	[bflag:$0x3] =	sbarrier.arrive $0xFFFF;
	s2 =	simm.s32 @!p0 $0x1C09  }
0x601: {  	[timem:s3], [sflag:s2] =	dma.local @!p0 [hbm:s0], s1  }
0x602: {  	s0 =	simm.s32 @!p0 $0x9  }
0x603: {  	_ =	swait.ge @!p0 [sflag:s0], s1  }
0x604: {  	s1 =	ssub.s32 @!p0 $0x0, s1;
	[sflag:s0] =	ssyncset.done @!p0 $0x0  }
0x605: {  	[sflag:s0] =	ssyncadd.s32 @!p0 s1  }
0x606: {  	[bflag:$0x3] =	sbarrier.arrive $0xFFFF  }
0x607: {  	_ =	shalt  }

</sc_bundles>
